<compile_context>
chip_gen: v7x
topology: tpu7x:2x2x1
jax: 0.10.2.dev20260603
libtpu: 0.0.44.dev20260713+nightly
codegen_flags: <defaults>
</compile_context>

<pallas_src>
import functools

import jax
import jax.numpy as jnp
from jax import lax
from jax.experimental import pallas as pl
from jax.experimental.pallas import tpu as pltpu
from jax.experimental.pallas import tpu_sc as plsc

N_NODES = 10000
N_EDGES = 320000
D = 128
N_REL = 500
NREL_PAD = 512

NC = 2
NS = 16
NW = NC * NS
L = 16

B = 40
NCHUNK = N_EDGES // B
NIT = NCHUNK // NW
G = 50
NG = NIT // G
EPW = N_EDGES // NW
assert NCHUNK % NW == 0 and NIT % G == 0 and G % 2 == 0
N_ACC = 10240
ROWS_PER_SUB = N_ACC // NS
NODE_BLK = 1000



def _proj_nodes_body(hid_ref, wm_ref, pvi_ref, pvj_ref):
    hid = hid_ref[...]
    wm = wm_ref[...]
    pvi_ref[...] = jnp.dot(hid, wm[0:D, :], preferred_element_type=jnp.float32)
    pvj_ref[...] = jnp.dot(hid, wm[2 * D:3 * D, :],
                           preferred_element_type=jnp.float32)


def _pre_body(hid_ref, ent_ref, wh_ref, bh_ref, pre_ref):
    pre_ref[...] = (
        jnp.dot(hid_ref[...], wh_ref[...][D:2 * D, :],
                preferred_element_type=jnp.float32)
        + jnp.dot(ent_ref[...], wh_ref[...][2 * D:3 * D, :],
                  preferred_element_type=jnp.float32)
        + bh_ref[...]
    )


def _proj_rel_body(rel_ref, wm_ref, bm_ref, prel_ref):
    prel_ref[...] = (
        jnp.dot(rel_ref[...], wm_ref[...][D:2 * D, :],
                preferred_element_type=jnp.float32)
        + bm_ref[...]
    )


def _project_tables(hid2d, relp, Wm, bm):
    nblk = N_NODES // NODE_BLK
    pvi, pvj = pl.pallas_call(
        _proj_nodes_body,
        grid=(nblk,),
        in_specs=[
            pl.BlockSpec((NODE_BLK, D), lambda i: (i, 0)),
            pl.BlockSpec((3 * D, D), lambda i: (0, 0)),
        ],
        out_specs=[
            pl.BlockSpec((NODE_BLK, D), lambda i: (i, 0)),
            pl.BlockSpec((NODE_BLK, D), lambda i: (i, 0)),
        ],
        out_shape=[
            jax.ShapeDtypeStruct((N_NODES, D), jnp.float32),
            jax.ShapeDtypeStruct((N_NODES, D), jnp.float32),
        ],
    )(hid2d, Wm)
    prel = pl.pallas_call(
        _proj_rel_body,
        out_shape=jax.ShapeDtypeStruct((NREL_PAD, D), jnp.float32),
    )(relp, Wm, bm)
    return pvi, pvj, prel


def _node_pre(hid2d, ent, Wh, bh):
    nblk = N_NODES // NODE_BLK
    return pl.pallas_call(
        _pre_body,
        grid=(nblk,),
        in_specs=[
            pl.BlockSpec((NODE_BLK, D), lambda i: (i, 0)),
            pl.BlockSpec((NODE_BLK, D), lambda i: (i, 0)),
            pl.BlockSpec((3 * D, D), lambda i: (0, 0)),
            pl.BlockSpec((D,), lambda i: (0,)),
        ],
        out_specs=pl.BlockSpec((NODE_BLK, D), lambda i: (i, 0)),
        out_shape=jax.ShapeDtypeStruct((N_NODES, D), jnp.float32),
    )(hid2d, ent, Wh, bh)



_SC_MESH = plsc.VectorSubcoreMesh(
    core_axis_name="c", subcore_axis_name="s", num_cores=NC, num_subcores=NS)


@functools.partial(
    pl.kernel,
    out_type=[
        jax.ShapeDtypeStruct((NC, N_ACC, D), jnp.float32),
        jax.ShapeDtypeStruct((NC, NS, N_ACC), jnp.float32),
    ],
    mesh=_SC_MESH,
    compiler_params=pltpu.CompilerParams(needs_layout_passes=False),
    scratch_types=[
        pltpu.VMEM((G * B,), jnp.int32),
        pltpu.VMEM((G * B,), jnp.int32),
        pltpu.VMEM((G * B,), jnp.int32),
        pltpu.VMEM((2, B), jnp.int32),
        pltpu.VMEM((2, B, D), jnp.float32),
        pltpu.VMEM((2, B, D), jnp.float32),
        pltpu.VMEM((2, B, D), jnp.float32),
        pltpu.VMEM((N_ACC,), jnp.float32),
        pltpu.VMEM_SHARED((N_ACC, D), jnp.float32),
        pltpu.SemaphoreType.DMA,
        pltpu.SemaphoreType.DMA,
        pltpu.SemaphoreType.DMA,
        pltpu.SemaphoreType.DMA,
        pltpu.SemaphoreType.DMA,
    ],
)
def _sc_edge_kernel(vi_hbm, vj_hbm, rel_hbm, pvi_hbm, pvj_hbm, prel_hbm,
                    out_hbm, out_cnt_hbm, vi_blk, vj_blk, rel_blk, vj_scat,
                    rows_vi, rows_vj, rows_rel, cnt_local,
                    acc, isem, gsem0, gsem1, gsem2, ssem):
    c = lax.axis_index("c")
    s = lax.axis_index("s")
    wid = s * NC + c
    zero16 = jnp.zeros((L,), jnp.float32)
    ones16 = jnp.ones((L,), jnp.float32)
    tail_mask = lax.iota(jnp.int32, L) >= (L - B % L)

    def zrow(r, carry):
        for k in range(D // L):
            rows_vi[0, r, pl.ds(k * L, L)] = zero16
        return carry

    lax.fori_loop(0, B, zrow, 0)
    base_row = s * ROWS_PER_SUB
    for k in range(ROWS_PER_SUB // B):
        pltpu.sync_copy(rows_vi.at[0], acc.at[pl.ds(base_row + k * B, B)])

    def zcnt(r, carry):
        cnt_local[pl.ds(r * L, L)] = zero16
        return carry

    lax.fori_loop(0, N_ACC // L, zcnt, 0)
    plsc.subcore_barrier()

    def issue_gather(j, sl):
        pltpu.async_copy(pvi_hbm.at[vi_blk.at[pl.ds(j * B, B)]],
                         rows_vi.at[sl], gsem0)
        pltpu.async_copy(pvj_hbm.at[vj_blk.at[pl.ds(j * B, B)]],
                         rows_vj.at[sl], gsem1)
        pltpu.async_copy(prel_hbm.at[rel_blk.at[pl.ds(j * B, B)]],
                         rows_rel.at[sl], gsem2)

    def wait_gather(j, sl):
        pltpu.make_async_copy(pvi_hbm.at[vi_blk.at[pl.ds(j * B, B)]],
                              rows_vi.at[sl], gsem0).wait()
        pltpu.make_async_copy(pvj_hbm.at[vj_blk.at[pl.ds(j * B, B)]],
                              rows_vj.at[sl], gsem1).wait()
        pltpu.make_async_copy(prel_hbm.at[rel_blk.at[pl.ds(j * B, B)]],
                              rows_rel.at[sl], gsem2).wait()

    def fill_scat_idx(j, sl):
        for off in (0, L, B - L):
            vj_scat[sl, pl.ds(off, L)] = vj_blk[pl.ds(j * B + off, L)]

    def drain_scatter(sl):
        pltpu.make_async_copy(rows_vi.at[sl], acc.at[vj_scat.at[sl]],
                              ssem).wait()

    def group_body(g, carry):
        gedge = wid * EPW + g * (G * B)
        ci0 = pltpu.async_copy(vi_hbm.at[pl.ds(gedge, G * B)], vi_blk, isem)
        ci1 = pltpu.async_copy(vj_hbm.at[pl.ds(gedge, G * B)], vj_blk, isem)
        ci2 = pltpu.async_copy(rel_hbm.at[pl.ds(gedge, G * B)], rel_blk, isem)
        ci0.wait()
        ci1.wait()
        ci2.wait()
        issue_gather(0, 0)

        def pair_body(p, inner):
            for sl in (0, 1):
                j = p * 2 + sl
                nxt = 1 - sl
                wait_gather(j, sl)

                @pl.when(j >= 1)
                def _():
                    drain_scatter(nxt)

                @pl.when(j + 1 < G)
                def _():
                    issue_gather(j + 1, nxt)

                fill_scat_idx(j, sl)

                def erow(e, icarry):
                    for k in range(D // L):
                        lanes = pl.ds(k * L, L)
                        x = (rows_vi[sl, e, lanes] + rows_vj[sl, e, lanes]
                             + rows_rel[sl, e, lanes])
                        ex = jnp.exp(x + x)
                        rows_vi[sl, e, lanes] = 1.0 - 2.0 / (ex + 1.0)
                    return icarry

                lax.fori_loop(0, B, erow, 0)
                pltpu.async_copy(rows_vi.at[sl], acc.at[vj_scat.at[sl]], ssem,
                                 add=True)

                for k in range(B // L):
                    plsc.addupdate_scatter(
                        cnt_local, [vj_scat[sl, pl.ds(k * L, L)]], ones16)
                if B % L:
                    plsc.addupdate_scatter(
                        cnt_local, [vj_scat[sl, pl.ds(B - L, L)]], ones16,
                        mask=tail_mask)
            return inner

        lax.fori_loop(0, G // 2, pair_body, 0)
        drain_scatter(1)
        return carry

    lax.fori_loop(0, NG, group_body, 0)

    pltpu.sync_copy(cnt_local, out_cnt_hbm.at[c, s])

    plsc.subcore_barrier()
    pltpu.sync_copy(acc.at[pl.ds(base_row, ROWS_PER_SUB)],
                    out_hbm.at[c, pl.ds(base_row, ROWS_PER_SUB)])



def _node_update_body(parts_ref, cnt_ref, hid_ref, pre_ref, wh_ref, out_ref):
    aggr = parts_ref[0] + parts_ref[1]
    ev = aggr * lax.rsqrt(cnt_ref[...])
    u = jnp.tanh(
        jnp.dot(ev, wh_ref[...][0:D, :], preferred_element_type=jnp.float32)
        + pre_ref[...])
    out_ref[...] = hid_ref[...] + u


def _node_update(parts, cnt, hid2d, pre, Wh):
    nblk = N_NODES // NODE_BLK
    return pl.pallas_call(
        _node_update_body,
        grid=(nblk,),
        in_specs=[
            pl.BlockSpec((NC, NODE_BLK, D), lambda i: (0, i, 0)),
            pl.BlockSpec((NODE_BLK, 1), lambda i: (i, 0)),
            pl.BlockSpec((NODE_BLK, D), lambda i: (i, 0)),
            pl.BlockSpec((NODE_BLK, D), lambda i: (i, 0)),
            pl.BlockSpec((3 * D, D), lambda i: (0, 0)),
        ],
        out_specs=pl.BlockSpec((NODE_BLK, D), lambda i: (i, 0)),
        out_shape=jax.ShapeDtypeStruct((N_NODES, D), jnp.float32),
    )(parts, cnt, hid2d, pre, Wh)



def kernel(inputs, selected_edges, relation_emb, entity_emb, Wm, bm, Wh, bh):
    hid2d = inputs[0]
    vi = selected_edges[:, 1]
    vj = selected_edges[:, 2]
    rel = selected_edges[:, 3]
    relp = jnp.pad(relation_emb, ((0, NREL_PAD - N_REL), (0, 0)))
    pvi, pvj, prel = _project_tables(hid2d, relp, Wm, bm)
    parts, cnt_parts = _sc_edge_kernel(vi, vj, rel, pvi, pvj, prel)
    pre = _node_pre(hid2d, entity_emb, Wh, bh)
    cnt = cnt_parts.sum(axis=(0, 1))[:N_NODES, None]
    out2d = _node_update(parts, cnt, hid2d, pre, Wh)
    return out2d[None]

# --- scband reference (transcript-rebuilt; emitter-appended) ---
"""Pipeline reference for scband-unconsciousness-flow-13915694039643 (READ-ONLY COPY).

The authoritative reference and input builder live on the scoring server;
editing this copy changes nothing except your own understanding.
"""

import jax, jax.numpy as jnp
import numpy as np

N_NODES = 10000
N_EDGES = 320000
D = 128
N_REL = 500


def setup_inputs(seed: int = 0) -> dict:
    key = jax.random.key(seed)
    ks = jax.random.split(key, 10)
    hidden = jax.random.normal(ks[0], (1, N_NODES, D), dtype=jnp.float32)
    # selected_edges columns: (eg_idx, vi, vj, rel, idx_vi, idx_vj)
    # batch_size = 1 so eg_idx = 0; idx_vj is the compacted (eg_idx, vj) index == vj here.
    vi = jax.random.randint(ks[1], (N_EDGES,), 0, N_NODES, dtype=jnp.int32)
    vj = jax.random.randint(ks[2], (N_EDGES,), 0, N_NODES, dtype=jnp.int32)
    # ensure every node appears as a destination so every segment 0..N_NODES-1 is non-empty
    vj = vj.at[:N_NODES].set(jnp.arange(N_NODES, dtype=jnp.int32))
    rel = jax.random.randint(ks[3], (N_EDGES,), 0, N_REL, dtype=jnp.int32)
    eg = jnp.zeros((N_EDGES,), dtype=jnp.int32)
    idx_vi = jnp.sort(vi)  # unused by call() (at='vj'), kept for layout fidelity
    idx_vj = vj
    selected_edges = jnp.stack([eg, vi, vj, rel, idx_vi, idx_vj], axis=1)
    relation_emb = jax.random.normal(ks[4], (N_REL, D), dtype=jnp.float32)
    entity_emb = jax.random.normal(ks[5], (N_NODES, D), dtype=jnp.float32)
    Wm = jax.random.normal(ks[6], (3 * D, D), dtype=jnp.float32) * 0.05
    bm = jnp.zeros((D,), dtype=jnp.float32)
    Wh = jax.random.normal(ks[7], (3 * D, D), dtype=jnp.float32) * 0.05
    bh = jnp.zeros((D,), dtype=jnp.float32)
    return {
        'inputs': hidden,
        'selected_edges': selected_edges,
        'relation_emb': relation_emb,
        'entity_emb': entity_emb,
        'Wm': Wm,
        'bm': bm,
        'Wh': Wh,
        'bh': bh,
    }


def reference(inputs, selected_edges, relation_emb, entity_emb, Wm, bm, Wh, bh):
    hidden = inputs  # (1, N_NODES, D), batch_size = 1
    vi = selected_edges[:, 1]
    vj = selected_edges[:, 2]
    rel = selected_edges[:, 3]
    idx_vj = selected_edges[:, 5]
    # node2edge_op (batch==1 -> eg idx forced to 0)
    hidden_vi = hidden[0, vi]
    hidden_vj = hidden[0, vj]
    # shared_embedding(rel_idx, target='relation')
    rel_vec = jnp.take(relation_emb, rel, axis=0)
    # message_fn: F with n_layers=1 -> single dense + tanh
    x = jnp.concatenate([hidden_vi, rel_vec, hidden_vj], axis=-1)
    message = jnp.tanh(x @ Wm + bm)
    # aggregate_op at='vj', aggr_op_name='mean_v3'
    num_seg = N_NODES  # = max(idx_vj) + 1 by construction (full coverage)
    seg_sum = jax.ops.segment_sum(message, idx_vj, num_segments=num_seg)
    cnt = jax.ops.segment_sum(jnp.ones((message.shape[0], 1), dtype=message.dtype), idx_vj, num_segments=num_seg)
    seg_mean = seg_sum / jnp.maximum(cnt, 1.0)
    edge_vec_aggr = seg_mean * jnp.sqrt(cnt)
    # idx_and_vj = segment_max of (eg_idx, vj) -> (0, node) per segment; scatter_nd into (1, N_NODES, D)
    node_idx = jax.ops.segment_max(vj, idx_vj, num_segments=num_seg)
    message_aggr = jnp.zeros((1, N_NODES, D), dtype=message.dtype).at[0, node_idx].set(edge_vec_aggr)
    # shared_embedding(arange(n_nodes), target='entity')
    ent_emb = entity_emb[None, :, :]
    # hidden_fn: F n_layers=1
    x2 = jnp.concatenate([message_aggr, hidden, ent_emb], axis=-1)
    update = jnp.tanh(x2 @ Wh + bh)
    # update_op
    return hidden + update

if __name__ == "__main__":
    import jax
    _d = setup_inputs()
    print(jax.jit(kernel)(*tuple(_d.values())))

</pallas_src>

<mosaic_0001>
#map = affine_map<(d0, d1) -> (0)>
#map1 = affine_map<(d0, d1) -> (0, 0)>
#map2 = affine_map<(d0, d1) -> (0, 0, 0)>
module attributes {stable_mosaic.version = 14 : i64} {
  func.func @_sc_edge_kernel(%arg0: i32, %arg1: i32, %arg2: memref<320000xi32, #tpu.memory_space<hbm>>, %arg3: memref<320000xi32, #tpu.memory_space<hbm>>, %arg4: memref<320000xi32, #tpu.memory_space<hbm>>, %arg5: memref<10000x128xf32, #tpu.memory_space<hbm>>, %arg6: memref<10000x128xf32, #tpu.memory_space<hbm>>, %arg7: memref<512x128xf32, #tpu.memory_space<hbm>>, %arg8: memref<2x10240x128xf32, #tpu.memory_space<hbm>>, %arg9: memref<2x16x10240xf32, #tpu.memory_space<hbm>>, %arg10: memref<2000xi32, #tpu.memory_space<vmem>>, %arg11: memref<2000xi32, #tpu.memory_space<vmem>>, %arg12: memref<2000xi32, #tpu.memory_space<vmem>>, %arg13: memref<2x40xi32, #tpu.memory_space<vmem>>, %arg14: memref<2x40x128xf32, #tpu.memory_space<vmem>>, %arg15: memref<2x40x128xf32, #tpu.memory_space<vmem>>, %arg16: memref<2x40x128xf32, #tpu.memory_space<vmem>>, %arg17: memref<10240xf32, #tpu.memory_space<vmem>>, %arg18: memref<10240x128xf32, #tpu.memory_space<vmem_shared>>, %arg19: memref<!tpu.dma_semaphore, #tpu.memory_space<semaphore_mem>>, %arg20: memref<!tpu.dma_semaphore, #tpu.memory_space<semaphore_mem>>, %arg21: memref<!tpu.dma_semaphore, #tpu.memory_space<semaphore_mem>>, %arg22: memref<!tpu.dma_semaphore, #tpu.memory_space<semaphore_mem>>, %arg23: memref<!tpu.dma_semaphore, #tpu.memory_space<semaphore_mem>>) attributes {dimension_semantics = [#tpu.dimension_semantics<core_parallel>, #tpu.dimension_semantics<subcore_parallel>], iteration_bounds = array<i64: 2, 16>, scalar_prefetch = 0 : i64, scratch_operands = 14 : i64, tpu.core_type = #tpu.core_type<sc_vector_subcore>, window_params = [{transform_indices = #map}, {transform_indices = #map}, {transform_indices = #map}, {transform_indices = #map1}, {transform_indices = #map1}, {transform_indices = #map1}, {transform_indices = #map2}, {transform_indices = #map2}]} {
    %mul3A = arith.constant 2 : i32
    %mul3A_0 = arith.muli %arg1, %mul3A : i32
    %add3A = arith.addi %mul3A_0, %arg0 : i32
    %broadcast_in_dim3A = arith.constant 0.000000e+00 : f32
    %broadcast_in_dim3A_1 = vector.broadcast %broadcast_in_dim3A : f32 to vector<16xf32>
    %broadcast_in_dim3A_2 = arith.constant 1.000000e+00 : f32
    %broadcast_in_dim3A_3 = vector.broadcast %broadcast_in_dim3A_2 : f32 to vector<16xf32>
    %iota3A = tpu.iota {dimensions = array<i32: 0>} : vector<16xi32>
    %ge3A = arith.constant 8 : i32
    %ge3A_4 = vector.broadcast %ge3A : i32 to vector<16xi32>
    %ge3A_5 = arith.cmpi sge, %iota3A, %ge3A_4 : vector<16xi32>
    %scan3A = arith.constant 0 : i32
    %scan3A_6 = arith.constant 0 : i32
    %scan3A_7 = arith.constant 40 : i32
    %scan3A_8 = arith.addi %scan3A_6, %scan3A_7 : i32
    %scan3A_9 = arith.constant 1 : i32
    scf.for %scan3A_73 = %scan3A_6 to %scan3A_8 step %scan3A_9  : i32 {
      %swap3A = arith.constant 0 : i32
      %swap3A_74 = arith.index_cast %swap3A : i32 to index
      %swap3A_75 = arith.index_cast %scan3A_73 : i32 to index
      %swap3A_76 = arith.constant 0 : index
      %swap3A_77 = tpu.vector_load %arg14[%swap3A_74, %swap3A_75, %swap3A_76] {strides = array<i32>} : memref<2x40x128xf32, #tpu.memory_space<vmem>>, vector<16xf32>,
      tpu.vector_store %arg14[%swap3A_74, %swap3A_75, %swap3A_76], %broadcast_in_dim3A_1 {strides = array<i32>} : memref<2x40x128xf32, #tpu.memory_space<vmem>>, vector<16xf32>,
      %swap3A_78 = arith.constant 0 : i32
      %swap3A_79 = arith.index_cast %swap3A_78 : i32 to index
      %swap3A_80 = arith.index_cast %scan3A_73 : i32 to index
      %swap3A_81 = arith.constant 16 : index
      %swap3A_82 = tpu.vector_load %arg14[%swap3A_79, %swap3A_80, %swap3A_81] {strides = array<i32>} : memref<2x40x128xf32, #tpu.memory_space<vmem>>, vector<16xf32>,
      tpu.vector_store %arg14[%swap3A_79, %swap3A_80, %swap3A_81], %broadcast_in_dim3A_1 {strides = array<i32>} : memref<2x40x128xf32, #tpu.memory_space<vmem>>, vector<16xf32>,
      %swap3A_83 = arith.constant 0 : i32
      %swap3A_84 = arith.index_cast %swap3A_83 : i32 to index
      %swap3A_85 = arith.index_cast %scan3A_73 : i32 to index
      %swap3A_86 = arith.constant 32 : index
      %swap3A_87 = tpu.vector_load %arg14[%swap3A_84, %swap3A_85, %swap3A_86] {strides = array<i32>} : memref<2x40x128xf32, #tpu.memory_space<vmem>>, vector<16xf32>,
      tpu.vector_store %arg14[%swap3A_84, %swap3A_85, %swap3A_86], %broadcast_in_dim3A_1 {strides = array<i32>} : memref<2x40x128xf32, #tpu.memory_space<vmem>>, vector<16xf32>,
      %swap3A_88 = arith.constant 0 : i32
      %swap3A_89 = arith.index_cast %swap3A_88 : i32 to index
      %swap3A_90 = arith.index_cast %scan3A_73 : i32 to index
      %swap3A_91 = arith.constant 48 : index
      %swap3A_92 = tpu.vector_load %arg14[%swap3A_89, %swap3A_90, %swap3A_91] {strides = array<i32>} : memref<2x40x128xf32, #tpu.memory_space<vmem>>, vector<16xf32>,
      tpu.vector_store %arg14[%swap3A_89, %swap3A_90, %swap3A_91], %broadcast_in_dim3A_1 {strides = array<i32>} : memref<2x40x128xf32, #tpu.memory_space<vmem>>, vector<16xf32>,
      %swap3A_93 = arith.constant 0 : i32
      %swap3A_94 = arith.index_cast %swap3A_93 : i32 to index
      %swap3A_95 = arith.index_cast %scan3A_73 : i32 to index
      %swap3A_96 = arith.constant 64 : index
      %swap3A_97 = tpu.vector_load %arg14[%swap3A_94, %swap3A_95, %swap3A_96] {strides = array<i32>} : memref<2x40x128xf32, #tpu.memory_space<vmem>>, vector<16xf32>,
      tpu.vector_store %arg14[%swap3A_94, %swap3A_95, %swap3A_96], %broadcast_in_dim3A_1 {strides = array<i32>} : memref<2x40x128xf32, #tpu.memory_space<vmem>>, vector<16xf32>,
      %swap3A_98 = arith.constant 0 : i32
      %swap3A_99 = arith.index_cast %swap3A_98 : i32 to index
      %swap3A_100 = arith.index_cast %scan3A_73 : i32 to index
      %swap3A_101 = arith.constant 80 : index
      %swap3A_102 = tpu.vector_load %arg14[%swap3A_99, %swap3A_100, %swap3A_101] {strides = array<i32>} : memref<2x40x128xf32, #tpu.memory_space<vmem>>, vector<16xf32>,
      tpu.vector_store %arg14[%swap3A_99, %swap3A_100, %swap3A_101], %broadcast_in_dim3A_1 {strides = array<i32>} : memref<2x40x128xf32, #tpu.memory_space<vmem>>, vector<16xf32>,
      %swap3A_103 = arith.constant 0 : i32
      %swap3A_104 = arith.index_cast %swap3A_103 : i32 to index
      %swap3A_105 = arith.index_cast %scan3A_73 : i32 to index
      %swap3A_106 = arith.constant 96 : index
      %swap3A_107 = tpu.vector_load %arg14[%swap3A_104, %swap3A_105, %swap3A_106] {strides = array<i32>} : memref<2x40x128xf32, #tpu.memory_space<vmem>>, vector<16xf32>,
      tpu.vector_store %arg14[%swap3A_104, %swap3A_105, %swap3A_106], %broadcast_in_dim3A_1 {strides = array<i32>} : memref<2x40x128xf32, #tpu.memory_space<vmem>>, vector<16xf32>,
      %swap3A_108 = arith.constant 0 : i32
      %swap3A_109 = arith.index_cast %swap3A_108 : i32 to index
      %swap3A_110 = arith.index_cast %scan3A_73 : i32 to index
      %swap3A_111 = arith.constant 112 : index
      %swap3A_112 = tpu.vector_load %arg14[%swap3A_109, %swap3A_110, %swap3A_111] {strides = array<i32>} : memref<2x40x128xf32, #tpu.memory_space<vmem>>, vector<16xf32>,
      tpu.vector_store %arg14[%swap3A_109, %swap3A_110, %swap3A_111], %broadcast_in_dim3A_1 {strides = array<i32>} : memref<2x40x128xf32, #tpu.memory_space<vmem>>, vector<16xf32>,
    }
    %scan3A_10 = arith.constant 40 : i32
    %mul3A_11 = arith.constant 640 : i32
    %mul3A_12 = arith.muli %arg1, %mul3A_11 : i32
    %add3A_13 = arith.constant 0 : i32
    %add3A_14 = arith.addi %mul3A_12, %add3A_13 : i32
    %run_scoped3A = arith.constant 0 : i32
    "tpu.region"() ({
      %run_scoped3A_73 = tpu.sem_alloc : memref<!tpu.dma_semaphore, #tpu.memory_space<semaphore_mem>>
      %dma_start3A = arith.constant 0 : i32
      %dma_start3A_74 = arith.constant 0 : i32
      %dma_start3A_75 = tpu.memref_slice %arg14[%run_scoped3A, %dma_start3A, %dma_start3A_74] : memref<2x40x128xf32, #tpu.memory_space<vmem>> -> memref<1x40x128xf32, #tpu.memory_space<vmem>>
      %dma_start3A_76 = tpu.memref_squeeze %dma_start3A_75 : memref<1x40x128xf32, #tpu.memory_space<vmem>> -> memref<40x128xf32, #tpu.memory_space<vmem>>
      %dma_start3A_77 = arith.constant 0 : i32
      %dma_start3A_78 = tpu.memref_slice %arg18[%add3A_14, %dma_start3A_77] : memref<10240x128xf32, #tpu.memory_space<vmem_shared>> -> memref<40x128xf32, #tpu.memory_space<vmem_shared>>
      %dma_start3A_79 = arith.constant 0 : i32
      %dma_start3A_80 = tpu.memref_slice %arg18[%add3A_14, %dma_start3A_79] : memref<10240x128xf32, #tpu.memory_space<vmem_shared>> -> memref<40x128xf32, #tpu.memory_space<vmem_shared>>
      %dma_start3A_81 = arith.constant 0 : i32
      %dma_start3A_82 = arith.constant 0 : i32
      %dma_start3A_83 = tpu.memref_slice %arg14[%run_scoped3A, %dma_start3A_81, %dma_start3A_82] : memref<2x40x128xf32, #tpu.memory_space<vmem>> -> memref<1x40x128xf32, #tpu.memory_space<vmem>>
      %dma_start3A_84 = tpu.memref_squeeze %dma_start3A_83 : memref<1x40x128xf32, #tpu.memory_space<vmem>> -> memref<40x128xf32, #tpu.memory_space<vmem>>
      tpu.enqueue_dma source(%dma_start3A_84 : memref<40x128xf32, #tpu.memory_space<vmem>>) target(%dma_start3A_80 : memref<40x128xf32, #tpu.memory_space<vmem_shared>>) target_semaphore(%run_scoped3A_73 : memref<!tpu.dma_semaphore, #tpu.memory_space<semaphore_mem>>)
      %dma_wait3A = arith.constant 0 : i32
      %dma_wait3A_85 = arith.constant 0 : i32
      %dma_wait3A_86 = tpu.memref_slice %arg14[%run_scoped3A, %dma_wait3A, %dma_wait3A_85] : memref<2x40x128xf32, #tpu.memory_space<vmem>> -> memref<1x40x128xf32, #tpu.memory_space<vmem>>
      %dma_wait3A_87 = tpu.memref_squeeze %dma_wait3A_86 : memref<1x40x128xf32, #tpu.memory_space<vmem>> -> memref<40x128xf32, #tpu.memory_space<vmem>>
      %dma_wait3A_88 = arith.constant 0 : i32
      %dma_wait3A_89 = tpu.memref_slice %arg18[%add3A_14, %dma_wait3A_88] : memref<10240x128xf32, #tpu.memory_space<vmem_shared>> -> memref<40x128xf32, #tpu.memory_space<vmem_shared>>
      %dma_wait3A_90 = arith.constant 0 : i32
      %dma_wait3A_91 = tpu.memref_slice %arg18[%add3A_14, %dma_wait3A_90] : memref<10240x128xf32, #tpu.memory_space<vmem_shared>> -> memref<40x128xf32, #tpu.memory_space<vmem_shared>>
      %dma_wait3A_92 = arith.constant 0 : i32
      %dma_wait3A_93 = arith.constant 0 : i32
      %dma_wait3A_94 = tpu.memref_slice %arg14[%run_scoped3A, %dma_wait3A_92, %dma_wait3A_93] : memref<2x40x128xf32, #tpu.memory_space<vmem>> -> memref<1x40x128xf32, #tpu.memory_space<vmem>>
      %dma_wait3A_95 = tpu.memref_squeeze %dma_wait3A_94 : memref<1x40x128xf32, #tpu.memory_space<vmem>> -> memref<40x128xf32, #tpu.memory_space<vmem>>
      tpu.wait_dma2 semaphore(%run_scoped3A_73 : memref<!tpu.dma_semaphore, #tpu.memory_space<semaphore_mem>>) src(%dma_wait3A_95 : memref<40x128xf32, #tpu.memory_space<vmem>>) dst(%dma_wait3A_91 : memref<40x128xf32, #tpu.memory_space<vmem_shared>>)
      tpu.yield
    }) : () -> ()
    %add3A_15 = arith.constant 40 : i32
    %add3A_16 = arith.addi %mul3A_12, %add3A_15 : i32
    %run_scoped3A_17 = arith.constant 0 : i32
    "tpu.region"() ({
      %run_scoped3A_73 = tpu.sem_alloc : memref<!tpu.dma_semaphore, #tpu.memory_space<semaphore_mem>>
      %dma_start3A = arith.constant 0 : i32
      %dma_start3A_74 = arith.constant 0 : i32
      %dma_start3A_75 = tpu.memref_slice %arg14[%run_scoped3A_17, %dma_start3A, %dma_start3A_74] : memref<2x40x128xf32, #tpu.memory_space<vmem>> -> memref<1x40x128xf32, #tpu.memory_space<vmem>>
      %dma_start3A_76 = tpu.memref_squeeze %dma_start3A_75 : memref<1x40x128xf32, #tpu.memory_space<vmem>> -> memref<40x128xf32, #tpu.memory_space<vmem>>
      %dma_start3A_77 = arith.constant 0 : i32
      %dma_start3A_78 = tpu.memref_slice %arg18[%add3A_16, %dma_start3A_77] : memref<10240x128xf32, #tpu.memory_space<vmem_shared>> -> memref<40x128xf32, #tpu.memory_space<vmem_shared>>
      %dma_start3A_79 = arith.constant 0 : i32
      %dma_start3A_80 = tpu.memref_slice %arg18[%add3A_16, %dma_start3A_79] : memref<10240x128xf32, #tpu.memory_space<vmem_shared>> -> memref<40x128xf32, #tpu.memory_space<vmem_shared>>
      %dma_start3A_81 = arith.constant 0 : i32
      %dma_start3A_82 = arith.constant 0 : i32
      %dma_start3A_83 = tpu.memref_slice %arg14[%run_scoped3A_17, %dma_start3A_81, %dma_start3A_82] : memref<2x40x128xf32, #tpu.memory_space<vmem>> -> memref<1x40x128xf32, #tpu.memory_space<vmem>>
      %dma_start3A_84 = tpu.memref_squeeze %dma_start3A_83 : memref<1x40x128xf32, #tpu.memory_space<vmem>> -> memref<40x128xf32, #tpu.memory_space<vmem>>
      tpu.enqueue_dma source(%dma_start3A_84 : memref<40x128xf32, #tpu.memory_space<vmem>>) target(%dma_start3A_80 : memref<40x128xf32, #tpu.memory_space<vmem_shared>>) target_semaphore(%run_scoped3A_73 : memref<!tpu.dma_semaphore, #tpu.memory_space<semaphore_mem>>)
      %dma_wait3A = arith.constant 0 : i32
      %dma_wait3A_85 = arith.constant 0 : i32
      %dma_wait3A_86 = tpu.memref_slice %arg14[%run_scoped3A_17, %dma_wait3A, %dma_wait3A_85] : memref<2x40x128xf32, #tpu.memory_space<vmem>> -> memref<1x40x128xf32, #tpu.memory_space<vmem>>
      %dma_wait3A_87 = tpu.memref_squeeze %dma_wait3A_86 : memref<1x40x128xf32, #tpu.memory_space<vmem>> -> memref<40x128xf32, #tpu.memory_space<vmem>>
      %dma_wait3A_88 = arith.constant 0 : i32
      %dma_wait3A_89 = tpu.memref_slice %arg18[%add3A_16, %dma_wait3A_88] : memref<10240x128xf32, #tpu.memory_space<vmem_shared>> -> memref<40x128xf32, #tpu.memory_space<vmem_shared>>
      %dma_wait3A_90 = arith.constant 0 : i32
      %dma_wait3A_91 = tpu.memref_slice %arg18[%add3A_16, %dma_wait3A_90] : memref<10240x128xf32, #tpu.memory_space<vmem_shared>> -> memref<40x128xf32, #tpu.memory_space<vmem_shared>>
      %dma_wait3A_92 = arith.constant 0 : i32
      %dma_wait3A_93 = arith.constant 0 : i32
      %dma_wait3A_94 = tpu.memref_slice %arg14[%run_scoped3A_17, %dma_wait3A_92, %dma_wait3A_93] : memref<2x40x128xf32, #tpu.memory_space<vmem>> -> memref<1x40x128xf32, #tpu.memory_space<vmem>>
      %dma_wait3A_95 = tpu.memref_squeeze %dma_wait3A_94 : memref<1x40x128xf32, #tpu.memory_space<vmem>> -> memref<40x128xf32, #tpu.memory_space<vmem>>
      tpu.wait_dma2 semaphore(%run_scoped3A_73 : memref<!tpu.dma_semaphore, #tpu.memory_space<semaphore_mem>>) src(%dma_wait3A_95 : memref<40x128xf32, #tpu.memory_space<vmem>>) dst(%dma_wait3A_91 : memref<40x128xf32, #tpu.memory_space<vmem_shared>>)
      tpu.yield
    }) : () -> ()
    %add3A_18 = arith.constant 80 : i32
    %add3A_19 = arith.addi %mul3A_12, %add3A_18 : i32
    %run_scoped3A_20 = arith.constant 0 : i32
    "tpu.region"() ({
      %run_scoped3A_73 = tpu.sem_alloc : memref<!tpu.dma_semaphore, #tpu.memory_space<semaphore_mem>>
      %dma_start3A = arith.constant 0 : i32
      %dma_start3A_74 = arith.constant 0 : i32
      %dma_start3A_75 = tpu.memref_slice %arg14[%run_scoped3A_20, %dma_start3A, %dma_start3A_74] : memref<2x40x128xf32, #tpu.memory_space<vmem>> -> memref<1x40x128xf32, #tpu.memory_space<vmem>>
      %dma_start3A_76 = tpu.memref_squeeze %dma_start3A_75 : memref<1x40x128xf32, #tpu.memory_space<vmem>> -> memref<40x128xf32, #tpu.memory_space<vmem>>
      %dma_start3A_77 = arith.constant 0 : i32
      %dma_start3A_78 = tpu.memref_slice %arg18[%add3A_19, %dma_start3A_77] : memref<10240x128xf32, #tpu.memory_space<vmem_shared>> -> memref<40x128xf32, #tpu.memory_space<vmem_shared>>
      %dma_start3A_79 = arith.constant 0 : i32
      %dma_start3A_80 = tpu.memref_slice %arg18[%add3A_19, %dma_start3A_79] : memref<10240x128xf32, #tpu.memory_space<vmem_shared>> -> memref<40x128xf32, #tpu.memory_space<vmem_shared>>
      %dma_start3A_81 = arith.constant 0 : i32
      %dma_start3A_82 = arith.constant 0 : i32
      %dma_start3A_83 = tpu.memref_slice %arg14[%run_scoped3A_20, %dma_start3A_81, %dma_start3A_82] : memref<2x40x128xf32, #tpu.memory_space<vmem>> -> memref<1x40x128xf32, #tpu.memory_space<vmem>>
      %dma_start3A_84 = tpu.memref_squeeze %dma_start3A_83 : memref<1x40x128xf32, #tpu.memory_space<vmem>> -> memref<40x128xf32, #tpu.memory_space<vmem>>
      tpu.enqueue_dma source(%dma_start3A_84 : memref<40x128xf32, #tpu.memory_space<vmem>>) target(%dma_start3A_80 : memref<40x128xf32, #tpu.memory_space<vmem_shared>>) target_semaphore(%run_scoped3A_73 : memref<!tpu.dma_semaphore, #tpu.memory_space<semaphore_mem>>)
      %dma_wait3A = arith.constant 0 : i32
      %dma_wait3A_85 = arith.constant 0 : i32
      %dma_wait3A_86 = tpu.memref_slice %arg14[%run_scoped3A_20, %dma_wait3A, %dma_wait3A_85] : memref<2x40x128xf32, #tpu.memory_space<vmem>> -> memref<1x40x128xf32, #tpu.memory_space<vmem>>
      %dma_wait3A_87 = tpu.memref_squeeze %dma_wait3A_86 : memref<1x40x128xf32, #tpu.memory_space<vmem>> -> memref<40x128xf32, #tpu.memory_space<vmem>>
      %dma_wait3A_88 = arith.constant 0 : i32
      %dma_wait3A_89 = tpu.memref_slice %arg18[%add3A_19, %dma_wait3A_88] : memref<10240x128xf32, #tpu.memory_space<vmem_shared>> -> memref<40x128xf32, #tpu.memory_space<vmem_shared>>
      %dma_wait3A_90 = arith.constant 0 : i32
      %dma_wait3A_91 = tpu.memref_slice %arg18[%add3A_19, %dma_wait3A_90] : memref<10240x128xf32, #tpu.memory_space<vmem_shared>> -> memref<40x128xf32, #tpu.memory_space<vmem_shared>>
      %dma_wait3A_92 = arith.constant 0 : i32
      %dma_wait3A_93 = arith.constant 0 : i32
      %dma_wait3A_94 = tpu.memref_slice %arg14[%run_scoped3A_20, %dma_wait3A_92, %dma_wait3A_93] : memref<2x40x128xf32, #tpu.memory_space<vmem>> -> memref<1x40x128xf32, #tpu.memory_space<vmem>>
      %dma_wait3A_95 = tpu.memref_squeeze %dma_wait3A_94 : memref<1x40x128xf32, #tpu.memory_space<vmem>> -> memref<40x128xf32, #tpu.memory_space<vmem>>
      tpu.wait_dma2 semaphore(%run_scoped3A_73 : memref<!tpu.dma_semaphore, #tpu.memory_space<semaphore_mem>>) src(%dma_wait3A_95 : memref<40x128xf32, #tpu.memory_space<vmem>>) dst(%dma_wait3A_91 : memref<40x128xf32, #tpu.memory_space<vmem_shared>>)
      tpu.yield
    }) : () -> ()
    %add3A_21 = arith.constant 120 : i32
    %add3A_22 = arith.addi %mul3A_12, %add3A_21 : i32
    %run_scoped3A_23 = arith.constant 0 : i32
    "tpu.region"() ({
      %run_scoped3A_73 = tpu.sem_alloc : memref<!tpu.dma_semaphore, #tpu.memory_space<semaphore_mem>>
      %dma_start3A = arith.constant 0 : i32
      %dma_start3A_74 = arith.constant 0 : i32
      %dma_start3A_75 = tpu.memref_slice %arg14[%run_scoped3A_23, %dma_start3A, %dma_start3A_74] : memref<2x40x128xf32, #tpu.memory_space<vmem>> -> memref<1x40x128xf32, #tpu.memory_space<vmem>>
      %dma_start3A_76 = tpu.memref_squeeze %dma_start3A_75 : memref<1x40x128xf32, #tpu.memory_space<vmem>> -> memref<40x128xf32, #tpu.memory_space<vmem>>
      %dma_start3A_77 = arith.constant 0 : i32
      %dma_start3A_78 = tpu.memref_slice %arg18[%add3A_22, %dma_start3A_77] : memref<10240x128xf32, #tpu.memory_space<vmem_shared>> -> memref<40x128xf32, #tpu.memory_space<vmem_shared>>
      %dma_start3A_79 = arith.constant 0 : i32
      %dma_start3A_80 = tpu.memref_slice %arg18[%add3A_22, %dma_start3A_79] : memref<10240x128xf32, #tpu.memory_space<vmem_shared>> -> memref<40x128xf32, #tpu.memory_space<vmem_shared>>
      %dma_start3A_81 = arith.constant 0 : i32
      %dma_start3A_82 = arith.constant 0 : i32
      %dma_start3A_83 = tpu.memref_slice %arg14[%run_scoped3A_23, %dma_start3A_81, %dma_start3A_82] : memref<2x40x128xf32, #tpu.memory_space<vmem>> -> memref<1x40x128xf32, #tpu.memory_space<vmem>>
      %dma_start3A_84 = tpu.memref_squeeze %dma_start3A_83 : memref<1x40x128xf32, #tpu.memory_space<vmem>> -> memref<40x128xf32, #tpu.memory_space<vmem>>
      tpu.enqueue_dma source(%dma_start3A_84 : memref<40x128xf32, #tpu.memory_space<vmem>>) target(%dma_start3A_80 : memref<40x128xf32, #tpu.memory_space<vmem_shared>>) target_semaphore(%run_scoped3A_73 : memref<!tpu.dma_semaphore, #tpu.memory_space<semaphore_mem>>)
      %dma_wait3A = arith.constant 0 : i32
      %dma_wait3A_85 = arith.constant 0 : i32
      %dma_wait3A_86 = tpu.memref_slice %arg14[%run_scoped3A_23, %dma_wait3A, %dma_wait3A_85] : memref<2x40x128xf32, #tpu.memory_space<vmem>> -> memref<1x40x128xf32, #tpu.memory_space<vmem>>
      %dma_wait3A_87 = tpu.memref_squeeze %dma_wait3A_86 : memref<1x40x128xf32, #tpu.memory_space<vmem>> -> memref<40x128xf32, #tpu.memory_space<vmem>>
      %dma_wait3A_88 = arith.constant 0 : i32
      %dma_wait3A_89 = tpu.memref_slice %arg18[%add3A_22, %dma_wait3A_88] : memref<10240x128xf32, #tpu.memory_space<vmem_shared>> -> memref<40x128xf32, #tpu.memory_space<vmem_shared>>
      %dma_wait3A_90 = arith.constant 0 : i32
      %dma_wait3A_91 = tpu.memref_slice %arg18[%add3A_22, %dma_wait3A_90] : memref<10240x128xf32, #tpu.memory_space<vmem_shared>> -> memref<40x128xf32, #tpu.memory_space<vmem_shared>>
      %dma_wait3A_92 = arith.constant 0 : i32
      %dma_wait3A_93 = arith.constant 0 : i32
      %dma_wait3A_94 = tpu.memref_slice %arg14[%run_scoped3A_23, %dma_wait3A_92, %dma_wait3A_93] : memref<2x40x128xf32, #tpu.memory_space<vmem>> -> memref<1x40x128xf32, #tpu.memory_space<vmem>>
      %dma_wait3A_95 = tpu.memref_squeeze %dma_wait3A_94 : memref<1x40x128xf32, #tpu.memory_space<vmem>> -> memref<40x128xf32, #tpu.memory_space<vmem>>
      tpu.wait_dma2 semaphore(%run_scoped3A_73 : memref<!tpu.dma_semaphore, #tpu.memory_space<semaphore_mem>>) src(%dma_wait3A_95 : memref<40x128xf32, #tpu.memory_space<vmem>>) dst(%dma_wait3A_91 : memref<40x128xf32, #tpu.memory_space<vmem_shared>>)
      tpu.yield
    }) : () -> ()
    %add3A_24 = arith.constant 160 : i32
    %add3A_25 = arith.addi %mul3A_12, %add3A_24 : i32
    %run_scoped3A_26 = arith.constant 0 : i32
    "tpu.region"() ({
      %run_scoped3A_73 = tpu.sem_alloc : memref<!tpu.dma_semaphore, #tpu.memory_space<semaphore_mem>>
      %dma_start3A = arith.constant 0 : i32
      %dma_start3A_74 = arith.constant 0 : i32
      %dma_start3A_75 = tpu.memref_slice %arg14[%run_scoped3A_26, %dma_start3A, %dma_start3A_74] : memref<2x40x128xf32, #tpu.memory_space<vmem>> -> memref<1x40x128xf32, #tpu.memory_space<vmem>>
      %dma_start3A_76 = tpu.memref_squeeze %dma_start3A_75 : memref<1x40x128xf32, #tpu.memory_space<vmem>> -> memref<40x128xf32, #tpu.memory_space<vmem>>
      %dma_start3A_77 = arith.constant 0 : i32
      %dma_start3A_78 = tpu.memref_slice %arg18[%add3A_25, %dma_start3A_77] : memref<10240x128xf32, #tpu.memory_space<vmem_shared>> -> memref<40x128xf32, #tpu.memory_space<vmem_shared>>
      %dma_start3A_79 = arith.constant 0 : i32
      %dma_start3A_80 = tpu.memref_slice %arg18[%add3A_25, %dma_start3A_79] : memref<10240x128xf32, #tpu.memory_space<vmem_shared>> -> memref<40x128xf32, #tpu.memory_space<vmem_shared>>
      %dma_start3A_81 = arith.constant 0 : i32
      %dma_start3A_82 = arith.constant 0 : i32
      %dma_start3A_83 = tpu.memref_slice %arg14[%run_scoped3A_26, %dma_start3A_81, %dma_start3A_82] : memref<2x40x128xf32, #tpu.memory_space<vmem>> -> memref<1x40x128xf32, #tpu.memory_space<vmem>>
      %dma_start3A_84 = tpu.memref_squeeze %dma_start3A_83 : memref<1x40x128xf32, #tpu.memory_space<vmem>> -> memref<40x128xf32, #tpu.memory_space<vmem>>
      tpu.enqueue_dma source(%dma_start3A_84 : memref<40x128xf32, #tpu.memory_space<vmem>>) target(%dma_start3A_80 : memref<40x128xf32, #tpu.memory_space<vmem_shared>>) target_semaphore(%run_scoped3A_73 : memref<!tpu.dma_semaphore, #tpu.memory_space<semaphore_mem>>)
      %dma_wait3A = arith.constant 0 : i32
      %dma_wait3A_85 = arith.constant 0 : i32
      %dma_wait3A_86 = tpu.memref_slice %arg14[%run_scoped3A_26, %dma_wait3A, %dma_wait3A_85] : memref<2x40x128xf32, #tpu.memory_space<vmem>> -> memref<1x40x128xf32, #tpu.memory_space<vmem>>
      %dma_wait3A_87 = tpu.memref_squeeze %dma_wait3A_86 : memref<1x40x128xf32, #tpu.memory_space<vmem>> -> memref<40x128xf32, #tpu.memory_space<vmem>>
      %dma_wait3A_88 = arith.constant 0 : i32
      %dma_wait3A_89 = tpu.memref_slice %arg18[%add3A_25, %dma_wait3A_88] : memref<10240x128xf32, #tpu.memory_space<vmem_shared>> -> memref<40x128xf32, #tpu.memory_space<vmem_shared>>
      %dma_wait3A_90 = arith.constant 0 : i32
      %dma_wait3A_91 = tpu.memref_slice %arg18[%add3A_25, %dma_wait3A_90] : memref<10240x128xf32, #tpu.memory_space<vmem_shared>> -> memref<40x128xf32, #tpu.memory_space<vmem_shared>>
      %dma_wait3A_92 = arith.constant 0 : i32
      %dma_wait3A_93 = arith.constant 0 : i32
      %dma_wait3A_94 = tpu.memref_slice %arg14[%run_scoped3A_26, %dma_wait3A_92, %dma_wait3A_93] : memref<2x40x128xf32, #tpu.memory_space<vmem>> -> memref<1x40x128xf32, #tpu.memory_space<vmem>>
      %dma_wait3A_95 = tpu.memref_squeeze %dma_wait3A_94 : memref<1x40x128xf32, #tpu.memory_space<vmem>> -> memref<40x128xf32, #tpu.memory_space<vmem>>
      tpu.wait_dma2 semaphore(%run_scoped3A_73 : memref<!tpu.dma_semaphore, #tpu.memory_space<semaphore_mem>>) src(%dma_wait3A_95 : memref<40x128xf32, #tpu.memory_space<vmem>>) dst(%dma_wait3A_91 : memref<40x128xf32, #tpu.memory_space<vmem_shared>>)
      tpu.yield
    }) : () -> ()
    %add3A_27 = arith.constant 200 : i32
    %add3A_28 = arith.addi %mul3A_12, %add3A_27 : i32
    %run_scoped3A_29 = arith.constant 0 : i32
    "tpu.region"() ({
      %run_scoped3A_73 = tpu.sem_alloc : memref<!tpu.dma_semaphore, #tpu.memory_space<semaphore_mem>>
      %dma_start3A = arith.constant 0 : i32
      %dma_start3A_74 = arith.constant 0 : i32
      %dma_start3A_75 = tpu.memref_slice %arg14[%run_scoped3A_29, %dma_start3A, %dma_start3A_74] : memref<2x40x128xf32, #tpu.memory_space<vmem>> -> memref<1x40x128xf32, #tpu.memory_space<vmem>>
      %dma_start3A_76 = tpu.memref_squeeze %dma_start3A_75 : memref<1x40x128xf32, #tpu.memory_space<vmem>> -> memref<40x128xf32, #tpu.memory_space<vmem>>
      %dma_start3A_77 = arith.constant 0 : i32
      %dma_start3A_78 = tpu.memref_slice %arg18[%add3A_28, %dma_start3A_77] : memref<10240x128xf32, #tpu.memory_space<vmem_shared>> -> memref<40x128xf32, #tpu.memory_space<vmem_shared>>
      %dma_start3A_79 = arith.constant 0 : i32
      %dma_start3A_80 = tpu.memref_slice %arg18[%add3A_28, %dma_start3A_79] : memref<10240x128xf32, #tpu.memory_space<vmem_shared>> -> memref<40x128xf32, #tpu.memory_space<vmem_shared>>
      %dma_start3A_81 = arith.constant 0 : i32
      %dma_start3A_82 = arith.constant 0 : i32
      %dma_start3A_83 = tpu.memref_slice %arg14[%run_scoped3A_29, %dma_start3A_81, %dma_start3A_82] : memref<2x40x128xf32, #tpu.memory_space<vmem>> -> memref<1x40x128xf32, #tpu.memory_space<vmem>>
      %dma_start3A_84 = tpu.memref_squeeze %dma_start3A_83 : memref<1x40x128xf32, #tpu.memory_space<vmem>> -> memref<40x128xf32, #tpu.memory_space<vmem>>
      tpu.enqueue_dma source(%dma_start3A_84 : memref<40x128xf32, #tpu.memory_space<vmem>>) target(%dma_start3A_80 : memref<40x128xf32, #tpu.memory_space<vmem_shared>>) target_semaphore(%run_scoped3A_73 : memref<!tpu.dma_semaphore, #tpu.memory_space<semaphore_mem>>)
      %dma_wait3A = arith.constant 0 : i32
      %dma_wait3A_85 = arith.constant 0 : i32
      %dma_wait3A_86 = tpu.memref_slice %arg14[%run_scoped3A_29, %dma_wait3A, %dma_wait3A_85] : memref<2x40x128xf32, #tpu.memory_space<vmem>> -> memref<1x40x128xf32, #tpu.memory_space<vmem>>
      %dma_wait3A_87 = tpu.memref_squeeze %dma_wait3A_86 : memref<1x40x128xf32, #tpu.memory_space<vmem>> -> memref<40x128xf32, #tpu.memory_space<vmem>>
      %dma_wait3A_88 = arith.constant 0 : i32
      %dma_wait3A_89 = tpu.memref_slice %arg18[%add3A_28, %dma_wait3A_88] : memref<10240x128xf32, #tpu.memory_space<vmem_shared>> -> memref<40x128xf32, #tpu.memory_space<vmem_shared>>
      %dma_wait3A_90 = arith.constant 0 : i32
      %dma_wait3A_91 = tpu.memref_slice %arg18[%add3A_28, %dma_wait3A_90] : memref<10240x128xf32, #tpu.memory_space<vmem_shared>> -> memref<40x128xf32, #tpu.memory_space<vmem_shared>>
      %dma_wait3A_92 = arith.constant 0 : i32
      %dma_wait3A_93 = arith.constant 0 : i32
      %dma_wait3A_94 = tpu.memref_slice %arg14[%run_scoped3A_29, %dma_wait3A_92, %dma_wait3A_93] : memref<2x40x128xf32, #tpu.memory_space<vmem>> -> memref<1x40x128xf32, #tpu.memory_space<vmem>>
      %dma_wait3A_95 = tpu.memref_squeeze %dma_wait3A_94 : memref<1x40x128xf32, #tpu.memory_space<vmem>> -> memref<40x128xf32, #tpu.memory_space<vmem>>
      tpu.wait_dma2 semaphore(%run_scoped3A_73 : memref<!tpu.dma_semaphore, #tpu.memory_space<semaphore_mem>>) src(%dma_wait3A_95 : memref<40x128xf32, #tpu.memory_space<vmem>>) dst(%dma_wait3A_91 : memref<40x128xf32, #tpu.memory_space<vmem_shared>>)
      tpu.yield
    }) : () -> ()
    %add3A_30 = arith.constant 240 : i32
    %add3A_31 = arith.addi %mul3A_12, %add3A_30 : i32
    %run_scoped3A_32 = arith.constant 0 : i32
    "tpu.region"() ({
      %run_scoped3A_73 = tpu.sem_alloc : memref<!tpu.dma_semaphore, #tpu.memory_space<semaphore_mem>>
      %dma_start3A = arith.constant 0 : i32
      %dma_start3A_74 = arith.constant 0 : i32
      %dma_start3A_75 = tpu.memref_slice %arg14[%run_scoped3A_32, %dma_start3A, %dma_start3A_74] : memref<2x40x128xf32, #tpu.memory_space<vmem>> -> memref<1x40x128xf32, #tpu.memory_space<vmem>>
      %dma_start3A_76 = tpu.memref_squeeze %dma_start3A_75 : memref<1x40x128xf32, #tpu.memory_space<vmem>> -> memref<40x128xf32, #tpu.memory_space<vmem>>
      %dma_start3A_77 = arith.constant 0 : i32
      %dma_start3A_78 = tpu.memref_slice %arg18[%add3A_31, %dma_start3A_77] : memref<10240x128xf32, #tpu.memory_space<vmem_shared>> -> memref<40x128xf32, #tpu.memory_space<vmem_shared>>
      %dma_start3A_79 = arith.constant 0 : i32
      %dma_start3A_80 = tpu.memref_slice %arg18[%add3A_31, %dma_start3A_79] : memref<10240x128xf32, #tpu.memory_space<vmem_shared>> -> memref<40x128xf32, #tpu.memory_space<vmem_shared>>
      %dma_start3A_81 = arith.constant 0 : i32
      %dma_start3A_82 = arith.constant 0 : i32
      %dma_start3A_83 = tpu.memref_slice %arg14[%run_scoped3A_32, %dma_start3A_81, %dma_start3A_82] : memref<2x40x128xf32, #tpu.memory_space<vmem>> -> memref<1x40x128xf32, #tpu.memory_space<vmem>>
      %dma_start3A_84 = tpu.memref_squeeze %dma_start3A_83 : memref<1x40x128xf32, #tpu.memory_space<vmem>> -> memref<40x128xf32, #tpu.memory_space<vmem>>
      tpu.enqueue_dma source(%dma_start3A_84 : memref<40x128xf32, #tpu.memory_space<vmem>>) target(%dma_start3A_80 : memref<40x128xf32, #tpu.memory_space<vmem_shared>>) target_semaphore(%run_scoped3A_73 : memref<!tpu.dma_semaphore, #tpu.memory_space<semaphore_mem>>)
      %dma_wait3A = arith.constant 0 : i32
      %dma_wait3A_85 = arith.constant 0 : i32
      %dma_wait3A_86 = tpu.memref_slice %arg14[%run_scoped3A_32, %dma_wait3A, %dma_wait3A_85] : memref<2x40x128xf32, #tpu.memory_space<vmem>> -> memref<1x40x128xf32, #tpu.memory_space<vmem>>
      %dma_wait3A_87 = tpu.memref_squeeze %dma_wait3A_86 : memref<1x40x128xf32, #tpu.memory_space<vmem>> -> memref<40x128xf32, #tpu.memory_space<vmem>>
      %dma_wait3A_88 = arith.constant 0 : i32
      %dma_wait3A_89 = tpu.memref_slice %arg18[%add3A_31, %dma_wait3A_88] : memref<10240x128xf32, #tpu.memory_space<vmem_shared>> -> memref<40x128xf32, #tpu.memory_space<vmem_shared>>
      %dma_wait3A_90 = arith.constant 0 : i32
      %dma_wait3A_91 = tpu.memref_slice %arg18[%add3A_31, %dma_wait3A_90] : memref<10240x128xf32, #tpu.memory_space<vmem_shared>> -> memref<40x128xf32, #tpu.memory_space<vmem_shared>>
      %dma_wait3A_92 = arith.constant 0 : i32
      %dma_wait3A_93 = arith.constant 0 : i32
      %dma_wait3A_94 = tpu.memref_slice %arg14[%run_scoped3A_32, %dma_wait3A_92, %dma_wait3A_93] : memref<2x40x128xf32, #tpu.memory_space<vmem>> -> memref<1x40x128xf32, #tpu.memory_space<vmem>>
      %dma_wait3A_95 = tpu.memref_squeeze %dma_wait3A_94 : memref<1x40x128xf32, #tpu.memory_space<vmem>> -> memref<40x128xf32, #tpu.memory_space<vmem>>
      tpu.wait_dma2 semaphore(%run_scoped3A_73 : memref<!tpu.dma_semaphore, #tpu.memory_space<semaphore_mem>>) src(%dma_wait3A_95 : memref<40x128xf32, #tpu.memory_space<vmem>>) dst(%dma_wait3A_91 : memref<40x128xf32, #tpu.memory_space<vmem_shared>>)
      tpu.yield
    }) : () -> ()
    %add3A_33 = arith.constant 280 : i32
    %add3A_34 = arith.addi %mul3A_12, %add3A_33 : i32
    %run_scoped3A_35 = arith.constant 0 : i32
    "tpu.region"() ({
      %run_scoped3A_73 = tpu.sem_alloc : memref<!tpu.dma_semaphore, #tpu.memory_space<semaphore_mem>>
      %dma_start3A = arith.constant 0 : i32
      %dma_start3A_74 = arith.constant 0 : i32
      %dma_start3A_75 = tpu.memref_slice %arg14[%run_scoped3A_35, %dma_start3A, %dma_start3A_74] : memref<2x40x128xf32, #tpu.memory_space<vmem>> -> memref<1x40x128xf32, #tpu.memory_space<vmem>>
      %dma_start3A_76 = tpu.memref_squeeze %dma_start3A_75 : memref<1x40x128xf32, #tpu.memory_space<vmem>> -> memref<40x128xf32, #tpu.memory_space<vmem>>
      %dma_start3A_77 = arith.constant 0 : i32
      %dma_start3A_78 = tpu.memref_slice %arg18[%add3A_34, %dma_start3A_77] : memref<10240x128xf32, #tpu.memory_space<vmem_shared>> -> memref<40x128xf32, #tpu.memory_space<vmem_shared>>
      %dma_start3A_79 = arith.constant 0 : i32
      %dma_start3A_80 = tpu.memref_slice %arg18[%add3A_34, %dma_start3A_79] : memref<10240x128xf32, #tpu.memory_space<vmem_shared>> -> memref<40x128xf32, #tpu.memory_space<vmem_shared>>
      %dma_start3A_81 = arith.constant 0 : i32
      %dma_start3A_82 = arith.constant 0 : i32
      %dma_start3A_83 = tpu.memref_slice %arg14[%run_scoped3A_35, %dma_start3A_81, %dma_start3A_82] : memref<2x40x128xf32, #tpu.memory_space<vmem>> -> memref<1x40x128xf32, #tpu.memory_space<vmem>>
      %dma_start3A_84 = tpu.memref_squeeze %dma_start3A_83 : memref<1x40x128xf32, #tpu.memory_space<vmem>> -> memref<40x128xf32, #tpu.memory_space<vmem>>
      tpu.enqueue_dma source(%dma_start3A_84 : memref<40x128xf32, #tpu.memory_space<vmem>>) target(%dma_start3A_80 : memref<40x128xf32, #tpu.memory_space<vmem_shared>>) target_semaphore(%run_scoped3A_73 : memref<!tpu.dma_semaphore, #tpu.memory_space<semaphore_mem>>)
      %dma_wait3A = arith.constant 0 : i32
      %dma_wait3A_85 = arith.constant 0 : i32
      %dma_wait3A_86 = tpu.memref_slice %arg14[%run_scoped3A_35, %dma_wait3A, %dma_wait3A_85] : memref<2x40x128xf32, #tpu.memory_space<vmem>> -> memref<1x40x128xf32, #tpu.memory_space<vmem>>
      %dma_wait3A_87 = tpu.memref_squeeze %dma_wait3A_86 : memref<1x40x128xf32, #tpu.memory_space<vmem>> -> memref<40x128xf32, #tpu.memory_space<vmem>>
      %dma_wait3A_88 = arith.constant 0 : i32
      %dma_wait3A_89 = tpu.memref_slice %arg18[%add3A_34, %dma_wait3A_88] : memref<10240x128xf32, #tpu.memory_space<vmem_shared>> -> memref<40x128xf32, #tpu.memory_space<vmem_shared>>
      %dma_wait3A_90 = arith.constant 0 : i32
      %dma_wait3A_91 = tpu.memref_slice %arg18[%add3A_34, %dma_wait3A_90] : memref<10240x128xf32, #tpu.memory_space<vmem_shared>> -> memref<40x128xf32, #tpu.memory_space<vmem_shared>>
      %dma_wait3A_92 = arith.constant 0 : i32
      %dma_wait3A_93 = arith.constant 0 : i32
      %dma_wait3A_94 = tpu.memref_slice %arg14[%run_scoped3A_35, %dma_wait3A_92, %dma_wait3A_93] : memref<2x40x128xf32, #tpu.memory_space<vmem>> -> memref<1x40x128xf32, #tpu.memory_space<vmem>>
      %dma_wait3A_95 = tpu.memref_squeeze %dma_wait3A_94 : memref<1x40x128xf32, #tpu.memory_space<vmem>> -> memref<40x128xf32, #tpu.memory_space<vmem>>
      tpu.wait_dma2 semaphore(%run_scoped3A_73 : memref<!tpu.dma_semaphore, #tpu.memory_space<semaphore_mem>>) src(%dma_wait3A_95 : memref<40x128xf32, #tpu.memory_space<vmem>>) dst(%dma_wait3A_91 : memref<40x128xf32, #tpu.memory_space<vmem_shared>>)
      tpu.yield
    }) : () -> ()
    %add3A_36 = arith.constant 320 : i32
    %add3A_37 = arith.addi %mul3A_12, %add3A_36 : i32
    %run_scoped3A_38 = arith.constant 0 : i32
    "tpu.region"() ({
      %run_scoped3A_73 = tpu.sem_alloc : memref<!tpu.dma_semaphore, #tpu.memory_space<semaphore_mem>>
      %dma_start3A = arith.constant 0 : i32
      %dma_start3A_74 = arith.constant 0 : i32
      %dma_start3A_75 = tpu.memref_slice %arg14[%run_scoped3A_38, %dma_start3A, %dma_start3A_74] : memref<2x40x128xf32, #tpu.memory_space<vmem>> -> memref<1x40x128xf32, #tpu.memory_space<vmem>>
      %dma_start3A_76 = tpu.memref_squeeze %dma_start3A_75 : memref<1x40x128xf32, #tpu.memory_space<vmem>> -> memref<40x128xf32, #tpu.memory_space<vmem>>
      %dma_start3A_77 = arith.constant 0 : i32
      %dma_start3A_78 = tpu.memref_slice %arg18[%add3A_37, %dma_start3A_77] : memref<10240x128xf32, #tpu.memory_space<vmem_shared>> -> memref<40x128xf32, #tpu.memory_space<vmem_shared>>
      %dma_start3A_79 = arith.constant 0 : i32
      %dma_start3A_80 = tpu.memref_slice %arg18[%add3A_37, %dma_start3A_79] : memref<10240x128xf32, #tpu.memory_space<vmem_shared>> -> memref<40x128xf32, #tpu.memory_space<vmem_shared>>
      %dma_start3A_81 = arith.constant 0 : i32
      %dma_start3A_82 = arith.constant 0 : i32
      %dma_start3A_83 = tpu.memref_slice %arg14[%run_scoped3A_38, %dma_start3A_81, %dma_start3A_82] : memref<2x40x128xf32, #tpu.memory_space<vmem>> -> memref<1x40x128xf32, #tpu.memory_space<vmem>>
      %dma_start3A_84 = tpu.memref_squeeze %dma_start3A_83 : memref<1x40x128xf32, #tpu.memory_space<vmem>> -> memref<40x128xf32, #tpu.memory_space<vmem>>
      tpu.enqueue_dma source(%dma_start3A_84 : memref<40x128xf32, #tpu.memory_space<vmem>>) target(%dma_start3A_80 : memref<40x128xf32, #tpu.memory_space<vmem_shared>>) target_semaphore(%run_scoped3A_73 : memref<!tpu.dma_semaphore, #tpu.memory_space<semaphore_mem>>)
      %dma_wait3A = arith.constant 0 : i32
      %dma_wait3A_85 = arith.constant 0 : i32
      %dma_wait3A_86 = tpu.memref_slice %arg14[%run_scoped3A_38, %dma_wait3A, %dma_wait3A_85] : memref<2x40x128xf32, #tpu.memory_space<vmem>> -> memref<1x40x128xf32, #tpu.memory_space<vmem>>
      %dma_wait3A_87 = tpu.memref_squeeze %dma_wait3A_86 : memref<1x40x128xf32, #tpu.memory_space<vmem>> -> memref<40x128xf32, #tpu.memory_space<vmem>>
      %dma_wait3A_88 = arith.constant 0 : i32
      %dma_wait3A_89 = tpu.memref_slice %arg18[%add3A_37, %dma_wait3A_88] : memref<10240x128xf32, #tpu.memory_space<vmem_shared>> -> memref<40x128xf32, #tpu.memory_space<vmem_shared>>
      %dma_wait3A_90 = arith.constant 0 : i32
      %dma_wait3A_91 = tpu.memref_slice %arg18[%add3A_37, %dma_wait3A_90] : memref<10240x128xf32, #tpu.memory_space<vmem_shared>> -> memref<40x128xf32, #tpu.memory_space<vmem_shared>>
      %dma_wait3A_92 = arith.constant 0 : i32
      %dma_wait3A_93 = arith.constant 0 : i32
      %dma_wait3A_94 = tpu.memref_slice %arg14[%run_scoped3A_38, %dma_wait3A_92, %dma_wait3A_93] : memref<2x40x128xf32, #tpu.memory_space<vmem>> -> memref<1x40x128xf32, #tpu.memory_space<vmem>>
      %dma_wait3A_95 = tpu.memref_squeeze %dma_wait3A_94 : memref<1x40x128xf32, #tpu.memory_space<vmem>> -> memref<40x128xf32, #tpu.memory_space<vmem>>
      tpu.wait_dma2 semaphore(%run_scoped3A_73 : memref<!tpu.dma_semaphore, #tpu.memory_space<semaphore_mem>>) src(%dma_wait3A_95 : memref<40x128xf32, #tpu.memory_space<vmem>>) dst(%dma_wait3A_91 : memref<40x128xf32, #tpu.memory_space<vmem_shared>>)
      tpu.yield
    }) : () -> ()
    %add3A_39 = arith.constant 360 : i32
    %add3A_40 = arith.addi %mul3A_12, %add3A_39 : i32
    %run_scoped3A_41 = arith.constant 0 : i32
    "tpu.region"() ({
      %run_scoped3A_73 = tpu.sem_alloc : memref<!tpu.dma_semaphore, #tpu.memory_space<semaphore_mem>>
      %dma_start3A = arith.constant 0 : i32
      %dma_start3A_74 = arith.constant 0 : i32
      %dma_start3A_75 = tpu.memref_slice %arg14[%run_scoped3A_41, %dma_start3A, %dma_start3A_74] : memref<2x40x128xf32, #tpu.memory_space<vmem>> -> memref<1x40x128xf32, #tpu.memory_space<vmem>>
      %dma_start3A_76 = tpu.memref_squeeze %dma_start3A_75 : memref<1x40x128xf32, #tpu.memory_space<vmem>> -> memref<40x128xf32, #tpu.memory_space<vmem>>
      %dma_start3A_77 = arith.constant 0 : i32
      %dma_start3A_78 = tpu.memref_slice %arg18[%add3A_40, %dma_start3A_77] : memref<10240x128xf32, #tpu.memory_space<vmem_shared>> -> memref<40x128xf32, #tpu.memory_space<vmem_shared>>
      %dma_start3A_79 = arith.constant 0 : i32
      %dma_start3A_80 = tpu.memref_slice %arg18[%add3A_40, %dma_start3A_79] : memref<10240x128xf32, #tpu.memory_space<vmem_shared>> -> memref<40x128xf32, #tpu.memory_space<vmem_shared>>
      %dma_start3A_81 = arith.constant 0 : i32
      %dma_start3A_82 = arith.constant 0 : i32
      %dma_start3A_83 = tpu.memref_slice %arg14[%run_scoped3A_41, %dma_start3A_81, %dma_start3A_82] : memref<2x40x128xf32, #tpu.memory_space<vmem>> -> memref<1x40x128xf32, #tpu.memory_space<vmem>>
      %dma_start3A_84 = tpu.memref_squeeze %dma_start3A_83 : memref<1x40x128xf32, #tpu.memory_space<vmem>> -> memref<40x128xf32, #tpu.memory_space<vmem>>
      tpu.enqueue_dma source(%dma_start3A_84 : memref<40x128xf32, #tpu.memory_space<vmem>>) target(%dma_start3A_80 : memref<40x128xf32, #tpu.memory_space<vmem_shared>>) target_semaphore(%run_scoped3A_73 : memref<!tpu.dma_semaphore, #tpu.memory_space<semaphore_mem>>)
      %dma_wait3A = arith.constant 0 : i32
      %dma_wait3A_85 = arith.constant 0 : i32
      %dma_wait3A_86 = tpu.memref_slice %arg14[%run_scoped3A_41, %dma_wait3A, %dma_wait3A_85] : memref<2x40x128xf32, #tpu.memory_space<vmem>> -> memref<1x40x128xf32, #tpu.memory_space<vmem>>
      %dma_wait3A_87 = tpu.memref_squeeze %dma_wait3A_86 : memref<1x40x128xf32, #tpu.memory_space<vmem>> -> memref<40x128xf32, #tpu.memory_space<vmem>>
      %dma_wait3A_88 = arith.constant 0 : i32
      %dma_wait3A_89 = tpu.memref_slice %arg18[%add3A_40, %dma_wait3A_88] : memref<10240x128xf32, #tpu.memory_space<vmem_shared>> -> memref<40x128xf32, #tpu.memory_space<vmem_shared>>
      %dma_wait3A_90 = arith.constant 0 : i32
      %dma_wait3A_91 = tpu.memref_slice %arg18[%add3A_40, %dma_wait3A_90] : memref<10240x128xf32, #tpu.memory_space<vmem_shared>> -> memref<40x128xf32, #tpu.memory_space<vmem_shared>>
      %dma_wait3A_92 = arith.constant 0 : i32
      %dma_wait3A_93 = arith.constant 0 : i32
      %dma_wait3A_94 = tpu.memref_slice %arg14[%run_scoped3A_41, %dma_wait3A_92, %dma_wait3A_93] : memref<2x40x128xf32, #tpu.memory_space<vmem>> -> memref<1x40x128xf32, #tpu.memory_space<vmem>>
      %dma_wait3A_95 = tpu.memref_squeeze %dma_wait3A_94 : memref<1x40x128xf32, #tpu.memory_space<vmem>> -> memref<40x128xf32, #tpu.memory_space<vmem>>
      tpu.wait_dma2 semaphore(%run_scoped3A_73 : memref<!tpu.dma_semaphore, #tpu.memory_space<semaphore_mem>>) src(%dma_wait3A_95 : memref<40x128xf32, #tpu.memory_space<vmem>>) dst(%dma_wait3A_91 : memref<40x128xf32, #tpu.memory_space<vmem_shared>>)
      tpu.yield
    }) : () -> ()
    %add3A_42 = arith.constant 400 : i32
    %add3A_43 = arith.addi %mul3A_12, %add3A_42 : i32
    %run_scoped3A_44 = arith.constant 0 : i32
    "tpu.region"() ({
      %run_scoped3A_73 = tpu.sem_alloc : memref<!tpu.dma_semaphore, #tpu.memory_space<semaphore_mem>>
      %dma_start3A = arith.constant 0 : i32
      %dma_start3A_74 = arith.constant 0 : i32
      %dma_start3A_75 = tpu.memref_slice %arg14[%run_scoped3A_44, %dma_start3A, %dma_start3A_74] : memref<2x40x128xf32, #tpu.memory_space<vmem>> -> memref<1x40x128xf32, #tpu.memory_space<vmem>>
      %dma_start3A_76 = tpu.memref_squeeze %dma_start3A_75 : memref<1x40x128xf32, #tpu.memory_space<vmem>> -> memref<40x128xf32, #tpu.memory_space<vmem>>
      %dma_start3A_77 = arith.constant 0 : i32
      %dma_start3A_78 = tpu.memref_slice %arg18[%add3A_43, %dma_start3A_77] : memref<10240x128xf32, #tpu.memory_space<vmem_shared>> -> memref<40x128xf32, #tpu.memory_space<vmem_shared>>
      %dma_start3A_79 = arith.constant 0 : i32
      %dma_start3A_80 = tpu.memref_slice %arg18[%add3A_43, %dma_start3A_79] : memref<10240x128xf32, #tpu.memory_space<vmem_shared>> -> memref<40x128xf32, #tpu.memory_space<vmem_shared>>
      %dma_start3A_81 = arith.constant 0 : i32
      %dma_start3A_82 = arith.constant 0 : i32
      %dma_start3A_83 = tpu.memref_slice %arg14[%run_scoped3A_44, %dma_start3A_81, %dma_start3A_82] : memref<2x40x128xf32, #tpu.memory_space<vmem>> -> memref<1x40x128xf32, #tpu.memory_space<vmem>>
      %dma_start3A_84 = tpu.memref_squeeze %dma_start3A_83 : memref<1x40x128xf32, #tpu.memory_space<vmem>> -> memref<40x128xf32, #tpu.memory_space<vmem>>
      tpu.enqueue_dma source(%dma_start3A_84 : memref<40x128xf32, #tpu.memory_space<vmem>>) target(%dma_start3A_80 : memref<40x128xf32, #tpu.memory_space<vmem_shared>>) target_semaphore(%run_scoped3A_73 : memref<!tpu.dma_semaphore, #tpu.memory_space<semaphore_mem>>)
      %dma_wait3A = arith.constant 0 : i32
      %dma_wait3A_85 = arith.constant 0 : i32
      %dma_wait3A_86 = tpu.memref_slice %arg14[%run_scoped3A_44, %dma_wait3A, %dma_wait3A_85] : memref<2x40x128xf32, #tpu.memory_space<vmem>> -> memref<1x40x128xf32, #tpu.memory_space<vmem>>
      %dma_wait3A_87 = tpu.memref_squeeze %dma_wait3A_86 : memref<1x40x128xf32, #tpu.memory_space<vmem>> -> memref<40x128xf32, #tpu.memory_space<vmem>>
      %dma_wait3A_88 = arith.constant 0 : i32
      %dma_wait3A_89 = tpu.memref_slice %arg18[%add3A_43, %dma_wait3A_88] : memref<10240x128xf32, #tpu.memory_space<vmem_shared>> -> memref<40x128xf32, #tpu.memory_space<vmem_shared>>
      %dma_wait3A_90 = arith.constant 0 : i32
      %dma_wait3A_91 = tpu.memref_slice %arg18[%add3A_43, %dma_wait3A_90] : memref<10240x128xf32, #tpu.memory_space<vmem_shared>> -> memref<40x128xf32, #tpu.memory_space<vmem_shared>>
      %dma_wait3A_92 = arith.constant 0 : i32
      %dma_wait3A_93 = arith.constant 0 : i32
      %dma_wait3A_94 = tpu.memref_slice %arg14[%run_scoped3A_44, %dma_wait3A_92, %dma_wait3A_93] : memref<2x40x128xf32, #tpu.memory_space<vmem>> -> memref<1x40x128xf32, #tpu.memory_space<vmem>>
      %dma_wait3A_95 = tpu.memref_squeeze %dma_wait3A_94 : memref<1x40x128xf32, #tpu.memory_space<vmem>> -> memref<40x128xf32, #tpu.memory_space<vmem>>
      tpu.wait_dma2 semaphore(%run_scoped3A_73 : memref<!tpu.dma_semaphore, #tpu.memory_space<semaphore_mem>>) src(%dma_wait3A_95 : memref<40x128xf32, #tpu.memory_space<vmem>>) dst(%dma_wait3A_91 : memref<40x128xf32, #tpu.memory_space<vmem_shared>>)
      tpu.yield
    }) : () -> ()
    %add3A_45 = arith.constant 440 : i32
    %add3A_46 = arith.addi %mul3A_12, %add3A_45 : i32
    %run_scoped3A_47 = arith.constant 0 : i32
    "tpu.region"() ({
      %run_scoped3A_73 = tpu.sem_alloc : memref<!tpu.dma_semaphore, #tpu.memory_space<semaphore_mem>>
      %dma_start3A = arith.constant 0 : i32
      %dma_start3A_74 = arith.constant 0 : i32
      %dma_start3A_75 = tpu.memref_slice %arg14[%run_scoped3A_47, %dma_start3A, %dma_start3A_74] : memref<2x40x128xf32, #tpu.memory_space<vmem>> -> memref<1x40x128xf32, #tpu.memory_space<vmem>>
      %dma_start3A_76 = tpu.memref_squeeze %dma_start3A_75 : memref<1x40x128xf32, #tpu.memory_space<vmem>> -> memref<40x128xf32, #tpu.memory_space<vmem>>
      %dma_start3A_77 = arith.constant 0 : i32
      %dma_start3A_78 = tpu.memref_slice %arg18[%add3A_46, %dma_start3A_77] : memref<10240x128xf32, #tpu.memory_space<vmem_shared>> -> memref<40x128xf32, #tpu.memory_space<vmem_shared>>
      %dma_start3A_79 = arith.constant 0 : i32
      %dma_start3A_80 = tpu.memref_slice %arg18[%add3A_46, %dma_start3A_79] : memref<10240x128xf32, #tpu.memory_space<vmem_shared>> -> memref<40x128xf32, #tpu.memory_space<vmem_shared>>
      %dma_start3A_81 = arith.constant 0 : i32
      %dma_start3A_82 = arith.constant 0 : i32
      %dma_start3A_83 = tpu.memref_slice %arg14[%run_scoped3A_47, %dma_start3A_81, %dma_start3A_82] : memref<2x40x128xf32, #tpu.memory_space<vmem>> -> memref<1x40x128xf32, #tpu.memory_space<vmem>>
      %dma_start3A_84 = tpu.memref_squeeze %dma_start3A_83 : memref<1x40x128xf32, #tpu.memory_space<vmem>> -> memref<40x128xf32, #tpu.memory_space<vmem>>
      tpu.enqueue_dma source(%dma_start3A_84 : memref<40x128xf32, #tpu.memory_space<vmem>>) target(%dma_start3A_80 : memref<40x128xf32, #tpu.memory_space<vmem_shared>>) target_semaphore(%run_scoped3A_73 : memref<!tpu.dma_semaphore, #tpu.memory_space<semaphore_mem>>)
      %dma_wait3A = arith.constant 0 : i32
      %dma_wait3A_85 = arith.constant 0 : i32
      %dma_wait3A_86 = tpu.memref_slice %arg14[%run_scoped3A_47, %dma_wait3A, %dma_wait3A_85] : memref<2x40x128xf32, #tpu.memory_space<vmem>> -> memref<1x40x128xf32, #tpu.memory_space<vmem>>
      %dma_wait3A_87 = tpu.memref_squeeze %dma_wait3A_86 : memref<1x40x128xf32, #tpu.memory_space<vmem>> -> memref<40x128xf32, #tpu.memory_space<vmem>>
      %dma_wait3A_88 = arith.constant 0 : i32
      %dma_wait3A_89 = tpu.memref_slice %arg18[%add3A_46, %dma_wait3A_88] : memref<10240x128xf32, #tpu.memory_space<vmem_shared>> -> memref<40x128xf32, #tpu.memory_space<vmem_shared>>
      %dma_wait3A_90 = arith.constant 0 : i32
      %dma_wait3A_91 = tpu.memref_slice %arg18[%add3A_46, %dma_wait3A_90] : memref<10240x128xf32, #tpu.memory_space<vmem_shared>> -> memref<40x128xf32, #tpu.memory_space<vmem_shared>>
      %dma_wait3A_92 = arith.constant 0 : i32
      %dma_wait3A_93 = arith.constant 0 : i32
      %dma_wait3A_94 = tpu.memref_slice %arg14[%run_scoped3A_47, %dma_wait3A_92, %dma_wait3A_93] : memref<2x40x128xf32, #tpu.memory_space<vmem>> -> memref<1x40x128xf32, #tpu.memory_space<vmem>>
      %dma_wait3A_95 = tpu.memref_squeeze %dma_wait3A_94 : memref<1x40x128xf32, #tpu.memory_space<vmem>> -> memref<40x128xf32, #tpu.memory_space<vmem>>
      tpu.wait_dma2 semaphore(%run_scoped3A_73 : memref<!tpu.dma_semaphore, #tpu.memory_space<semaphore_mem>>) src(%dma_wait3A_95 : memref<40x128xf32, #tpu.memory_space<vmem>>) dst(%dma_wait3A_91 : memref<40x128xf32, #tpu.memory_space<vmem_shared>>)
      tpu.yield
    }) : () -> ()
    %add3A_48 = arith.constant 480 : i32
    %add3A_49 = arith.addi %mul3A_12, %add3A_48 : i32
    %run_scoped3A_50 = arith.constant 0 : i32
    "tpu.region"() ({
      %run_scoped3A_73 = tpu.sem_alloc : memref<!tpu.dma_semaphore, #tpu.memory_space<semaphore_mem>>
      %dma_start3A = arith.constant 0 : i32
      %dma_start3A_74 = arith.constant 0 : i32
      %dma_start3A_75 = tpu.memref_slice %arg14[%run_scoped3A_50, %dma_start3A, %dma_start3A_74] : memref<2x40x128xf32, #tpu.memory_space<vmem>> -> memref<1x40x128xf32, #tpu.memory_space<vmem>>
      %dma_start3A_76 = tpu.memref_squeeze %dma_start3A_75 : memref<1x40x128xf32, #tpu.memory_space<vmem>> -> memref<40x128xf32, #tpu.memory_space<vmem>>
      %dma_start3A_77 = arith.constant 0 : i32
      %dma_start3A_78 = tpu.memref_slice %arg18[%add3A_49, %dma_start3A_77] : memref<10240x128xf32, #tpu.memory_space<vmem_shared>> -> memref<40x128xf32, #tpu.memory_space<vmem_shared>>
      %dma_start3A_79 = arith.constant 0 : i32
      %dma_start3A_80 = tpu.memref_slice %arg18[%add3A_49, %dma_start3A_79] : memref<10240x128xf32, #tpu.memory_space<vmem_shared>> -> memref<40x128xf32, #tpu.memory_space<vmem_shared>>
      %dma_start3A_81 = arith.constant 0 : i32
      %dma_start3A_82 = arith.constant 0 : i32
      %dma_start3A_83 = tpu.memref_slice %arg14[%run_scoped3A_50, %dma_start3A_81, %dma_start3A_82] : memref<2x40x128xf32, #tpu.memory_space<vmem>> -> memref<1x40x128xf32, #tpu.memory_space<vmem>>
      %dma_start3A_84 = tpu.memref_squeeze %dma_start3A_83 : memref<1x40x128xf32, #tpu.memory_space<vmem>> -> memref<40x128xf32, #tpu.memory_space<vmem>>
      tpu.enqueue_dma source(%dma_start3A_84 : memref<40x128xf32, #tpu.memory_space<vmem>>) target(%dma_start3A_80 : memref<40x128xf32, #tpu.memory_space<vmem_shared>>) target_semaphore(%run_scoped3A_73 : memref<!tpu.dma_semaphore, #tpu.memory_space<semaphore_mem>>)
      %dma_wait3A = arith.constant 0 : i32
      %dma_wait3A_85 = arith.constant 0 : i32
      %dma_wait3A_86 = tpu.memref_slice %arg14[%run_scoped3A_50, %dma_wait3A, %dma_wait3A_85] : memref<2x40x128xf32, #tpu.memory_space<vmem>> -> memref<1x40x128xf32, #tpu.memory_space<vmem>>
      %dma_wait3A_87 = tpu.memref_squeeze %dma_wait3A_86 : memref<1x40x128xf32, #tpu.memory_space<vmem>> -> memref<40x128xf32, #tpu.memory_space<vmem>>
      %dma_wait3A_88 = arith.constant 0 : i32
      %dma_wait3A_89 = tpu.memref_slice %arg18[%add3A_49, %dma_wait3A_88] : memref<10240x128xf32, #tpu.memory_space<vmem_shared>> -> memref<40x128xf32, #tpu.memory_space<vmem_shared>>
      %dma_wait3A_90 = arith.constant 0 : i32
      %dma_wait3A_91 = tpu.memref_slice %arg18[%add3A_49, %dma_wait3A_90] : memref<10240x128xf32, #tpu.memory_space<vmem_shared>> -> memref<40x128xf32, #tpu.memory_space<vmem_shared>>
      %dma_wait3A_92 = arith.constant 0 : i32
      %dma_wait3A_93 = arith.constant 0 : i32
      %dma_wait3A_94 = tpu.memref_slice %arg14[%run_scoped3A_50, %dma_wait3A_92, %dma_wait3A_93] : memref<2x40x128xf32, #tpu.memory_space<vmem>> -> memref<1x40x128xf32, #tpu.memory_space<vmem>>
      %dma_wait3A_95 = tpu.memref_squeeze %dma_wait3A_94 : memref<1x40x128xf32, #tpu.memory_space<vmem>> -> memref<40x128xf32, #tpu.memory_space<vmem>>
      tpu.wait_dma2 semaphore(%run_scoped3A_73 : memref<!tpu.dma_semaphore, #tpu.memory_space<semaphore_mem>>) src(%dma_wait3A_95 : memref<40x128xf32, #tpu.memory_space<vmem>>) dst(%dma_wait3A_91 : memref<40x128xf32, #tpu.memory_space<vmem_shared>>)
      tpu.yield
    }) : () -> ()
    %add3A_51 = arith.constant 520 : i32
    %add3A_52 = arith.addi %mul3A_12, %add3A_51 : i32
    %run_scoped3A_53 = arith.constant 0 : i32
    "tpu.region"() ({
      %run_scoped3A_73 = tpu.sem_alloc : memref<!tpu.dma_semaphore, #tpu.memory_space<semaphore_mem>>
      %dma_start3A = arith.constant 0 : i32
      %dma_start3A_74 = arith.constant 0 : i32
      %dma_start3A_75 = tpu.memref_slice %arg14[%run_scoped3A_53, %dma_start3A, %dma_start3A_74] : memref<2x40x128xf32, #tpu.memory_space<vmem>> -> memref<1x40x128xf32, #tpu.memory_space<vmem>>
      %dma_start3A_76 = tpu.memref_squeeze %dma_start3A_75 : memref<1x40x128xf32, #tpu.memory_space<vmem>> -> memref<40x128xf32, #tpu.memory_space<vmem>>
      %dma_start3A_77 = arith.constant 0 : i32
      %dma_start3A_78 = tpu.memref_slice %arg18[%add3A_52, %dma_start3A_77] : memref<10240x128xf32, #tpu.memory_space<vmem_shared>> -> memref<40x128xf32, #tpu.memory_space<vmem_shared>>
      %dma_start3A_79 = arith.constant 0 : i32
      %dma_start3A_80 = tpu.memref_slice %arg18[%add3A_52, %dma_start3A_79] : memref<10240x128xf32, #tpu.memory_space<vmem_shared>> -> memref<40x128xf32, #tpu.memory_space<vmem_shared>>
      %dma_start3A_81 = arith.constant 0 : i32
      %dma_start3A_82 = arith.constant 0 : i32
      %dma_start3A_83 = tpu.memref_slice %arg14[%run_scoped3A_53, %dma_start3A_81, %dma_start3A_82] : memref<2x40x128xf32, #tpu.memory_space<vmem>> -> memref<1x40x128xf32, #tpu.memory_space<vmem>>
      %dma_start3A_84 = tpu.memref_squeeze %dma_start3A_83 : memref<1x40x128xf32, #tpu.memory_space<vmem>> -> memref<40x128xf32, #tpu.memory_space<vmem>>
      tpu.enqueue_dma source(%dma_start3A_84 : memref<40x128xf32, #tpu.memory_space<vmem>>) target(%dma_start3A_80 : memref<40x128xf32, #tpu.memory_space<vmem_shared>>) target_semaphore(%run_scoped3A_73 : memref<!tpu.dma_semaphore, #tpu.memory_space<semaphore_mem>>)
      %dma_wait3A = arith.constant 0 : i32
      %dma_wait3A_85 = arith.constant 0 : i32
      %dma_wait3A_86 = tpu.memref_slice %arg14[%run_scoped3A_53, %dma_wait3A, %dma_wait3A_85] : memref<2x40x128xf32, #tpu.memory_space<vmem>> -> memref<1x40x128xf32, #tpu.memory_space<vmem>>
      %dma_wait3A_87 = tpu.memref_squeeze %dma_wait3A_86 : memref<1x40x128xf32, #tpu.memory_space<vmem>> -> memref<40x128xf32, #tpu.memory_space<vmem>>
      %dma_wait3A_88 = arith.constant 0 : i32
      %dma_wait3A_89 = tpu.memref_slice %arg18[%add3A_52, %dma_wait3A_88] : memref<10240x128xf32, #tpu.memory_space<vmem_shared>> -> memref<40x128xf32, #tpu.memory_space<vmem_shared>>
      %dma_wait3A_90 = arith.constant 0 : i32
      %dma_wait3A_91 = tpu.memref_slice %arg18[%add3A_52, %dma_wait3A_90] : memref<10240x128xf32, #tpu.memory_space<vmem_shared>> -> memref<40x128xf32, #tpu.memory_space<vmem_shared>>
      %dma_wait3A_92 = arith.constant 0 : i32
      %dma_wait3A_93 = arith.constant 0 : i32
      %dma_wait3A_94 = tpu.memref_slice %arg14[%run_scoped3A_53, %dma_wait3A_92, %dma_wait3A_93] : memref<2x40x128xf32, #tpu.memory_space<vmem>> -> memref<1x40x128xf32, #tpu.memory_space<vmem>>
      %dma_wait3A_95 = tpu.memref_squeeze %dma_wait3A_94 : memref<1x40x128xf32, #tpu.memory_space<vmem>> -> memref<40x128xf32, #tpu.memory_space<vmem>>
      tpu.wait_dma2 semaphore(%run_scoped3A_73 : memref<!tpu.dma_semaphore, #tpu.memory_space<semaphore_mem>>) src(%dma_wait3A_95 : memref<40x128xf32, #tpu.memory_space<vmem>>) dst(%dma_wait3A_91 : memref<40x128xf32, #tpu.memory_space<vmem_shared>>)
      tpu.yield
    }) : () -> ()
    %add3A_54 = arith.constant 560 : i32
    %add3A_55 = arith.addi %mul3A_12, %add3A_54 : i32
    %run_scoped3A_56 = arith.constant 0 : i32
    "tpu.region"() ({
      %run_scoped3A_73 = tpu.sem_alloc : memref<!tpu.dma_semaphore, #tpu.memory_space<semaphore_mem>>
      %dma_start3A = arith.constant 0 : i32
      %dma_start3A_74 = arith.constant 0 : i32
      %dma_start3A_75 = tpu.memref_slice %arg14[%run_scoped3A_56, %dma_start3A, %dma_start3A_74] : memref<2x40x128xf32, #tpu.memory_space<vmem>> -> memref<1x40x128xf32, #tpu.memory_space<vmem>>
      %dma_start3A_76 = tpu.memref_squeeze %dma_start3A_75 : memref<1x40x128xf32, #tpu.memory_space<vmem>> -> memref<40x128xf32, #tpu.memory_space<vmem>>
      %dma_start3A_77 = arith.constant 0 : i32
      %dma_start3A_78 = tpu.memref_slice %arg18[%add3A_55, %dma_start3A_77] : memref<10240x128xf32, #tpu.memory_space<vmem_shared>> -> memref<40x128xf32, #tpu.memory_space<vmem_shared>>
      %dma_start3A_79 = arith.constant 0 : i32
      %dma_start3A_80 = tpu.memref_slice %arg18[%add3A_55, %dma_start3A_79] : memref<10240x128xf32, #tpu.memory_space<vmem_shared>> -> memref<40x128xf32, #tpu.memory_space<vmem_shared>>
      %dma_start3A_81 = arith.constant 0 : i32
      %dma_start3A_82 = arith.constant 0 : i32
      %dma_start3A_83 = tpu.memref_slice %arg14[%run_scoped3A_56, %dma_start3A_81, %dma_start3A_82] : memref<2x40x128xf32, #tpu.memory_space<vmem>> -> memref<1x40x128xf32, #tpu.memory_space<vmem>>
      %dma_start3A_84 = tpu.memref_squeeze %dma_start3A_83 : memref<1x40x128xf32, #tpu.memory_space<vmem>> -> memref<40x128xf32, #tpu.memory_space<vmem>>
      tpu.enqueue_dma source(%dma_start3A_84 : memref<40x128xf32, #tpu.memory_space<vmem>>) target(%dma_start3A_80 : memref<40x128xf32, #tpu.memory_space<vmem_shared>>) target_semaphore(%run_scoped3A_73 : memref<!tpu.dma_semaphore, #tpu.memory_space<semaphore_mem>>)
      %dma_wait3A = arith.constant 0 : i32
      %dma_wait3A_85 = arith.constant 0 : i32
      %dma_wait3A_86 = tpu.memref_slice %arg14[%run_scoped3A_56, %dma_wait3A, %dma_wait3A_85] : memref<2x40x128xf32, #tpu.memory_space<vmem>> -> memref<1x40x128xf32, #tpu.memory_space<vmem>>
      %dma_wait3A_87 = tpu.memref_squeeze %dma_wait3A_86 : memref<1x40x128xf32, #tpu.memory_space<vmem>> -> memref<40x128xf32, #tpu.memory_space<vmem>>
      %dma_wait3A_88 = arith.constant 0 : i32
      %dma_wait3A_89 = tpu.memref_slice %arg18[%add3A_55, %dma_wait3A_88] : memref<10240x128xf32, #tpu.memory_space<vmem_shared>> -> memref<40x128xf32, #tpu.memory_space<vmem_shared>>
      %dma_wait3A_90 = arith.constant 0 : i32
      %dma_wait3A_91 = tpu.memref_slice %arg18[%add3A_55, %dma_wait3A_90] : memref<10240x128xf32, #tpu.memory_space<vmem_shared>> -> memref<40x128xf32, #tpu.memory_space<vmem_shared>>
      %dma_wait3A_92 = arith.constant 0 : i32
      %dma_wait3A_93 = arith.constant 0 : i32
      %dma_wait3A_94 = tpu.memref_slice %arg14[%run_scoped3A_56, %dma_wait3A_92, %dma_wait3A_93] : memref<2x40x128xf32, #tpu.memory_space<vmem>> -> memref<1x40x128xf32, #tpu.memory_space<vmem>>
      %dma_wait3A_95 = tpu.memref_squeeze %dma_wait3A_94 : memref<1x40x128xf32, #tpu.memory_space<vmem>> -> memref<40x128xf32, #tpu.memory_space<vmem>>
      tpu.wait_dma2 semaphore(%run_scoped3A_73 : memref<!tpu.dma_semaphore, #tpu.memory_space<semaphore_mem>>) src(%dma_wait3A_95 : memref<40x128xf32, #tpu.memory_space<vmem>>) dst(%dma_wait3A_91 : memref<40x128xf32, #tpu.memory_space<vmem_shared>>)
      tpu.yield
    }) : () -> ()
    %add3A_57 = arith.constant 600 : i32
    %add3A_58 = arith.addi %mul3A_12, %add3A_57 : i32
    %run_scoped3A_59 = arith.constant 0 : i32
    "tpu.region"() ({
      %run_scoped3A_73 = tpu.sem_alloc : memref<!tpu.dma_semaphore, #tpu.memory_space<semaphore_mem>>
      %dma_start3A = arith.constant 0 : i32
      %dma_start3A_74 = arith.constant 0 : i32
      %dma_start3A_75 = tpu.memref_slice %arg14[%run_scoped3A_59, %dma_start3A, %dma_start3A_74] : memref<2x40x128xf32, #tpu.memory_space<vmem>> -> memref<1x40x128xf32, #tpu.memory_space<vmem>>
      %dma_start3A_76 = tpu.memref_squeeze %dma_start3A_75 : memref<1x40x128xf32, #tpu.memory_space<vmem>> -> memref<40x128xf32, #tpu.memory_space<vmem>>
      %dma_start3A_77 = arith.constant 0 : i32
      %dma_start3A_78 = tpu.memref_slice %arg18[%add3A_58, %dma_start3A_77] : memref<10240x128xf32, #tpu.memory_space<vmem_shared>> -> memref<40x128xf32, #tpu.memory_space<vmem_shared>>
      %dma_start3A_79 = arith.constant 0 : i32
      %dma_start3A_80 = tpu.memref_slice %arg18[%add3A_58, %dma_start3A_79] : memref<10240x128xf32, #tpu.memory_space<vmem_shared>> -> memref<40x128xf32, #tpu.memory_space<vmem_shared>>
      %dma_start3A_81 = arith.constant 0 : i32
      %dma_start3A_82 = arith.constant 0 : i32
      %dma_start3A_83 = tpu.memref_slice %arg14[%run_scoped3A_59, %dma_start3A_81, %dma_start3A_82] : memref<2x40x128xf32, #tpu.memory_space<vmem>> -> memref<1x40x128xf32, #tpu.memory_space<vmem>>
      %dma_start3A_84 = tpu.memref_squeeze %dma_start3A_83 : memref<1x40x128xf32, #tpu.memory_space<vmem>> -> memref<40x128xf32, #tpu.memory_space<vmem>>
      tpu.enqueue_dma source(%dma_start3A_84 : memref<40x128xf32, #tpu.memory_space<vmem>>) target(%dma_start3A_80 : memref<40x128xf32, #tpu.memory_space<vmem_shared>>) target_semaphore(%run_scoped3A_73 : memref<!tpu.dma_semaphore, #tpu.memory_space<semaphore_mem>>)
      %dma_wait3A = arith.constant 0 : i32
      %dma_wait3A_85 = arith.constant 0 : i32
      %dma_wait3A_86 = tpu.memref_slice %arg14[%run_scoped3A_59, %dma_wait3A, %dma_wait3A_85] : memref<2x40x128xf32, #tpu.memory_space<vmem>> -> memref<1x40x128xf32, #tpu.memory_space<vmem>>
      %dma_wait3A_87 = tpu.memref_squeeze %dma_wait3A_86 : memref<1x40x128xf32, #tpu.memory_space<vmem>> -> memref<40x128xf32, #tpu.memory_space<vmem>>
      %dma_wait3A_88 = arith.constant 0 : i32
      %dma_wait3A_89 = tpu.memref_slice %arg18[%add3A_58, %dma_wait3A_88] : memref<10240x128xf32, #tpu.memory_space<vmem_shared>> -> memref<40x128xf32, #tpu.memory_space<vmem_shared>>
      %dma_wait3A_90 = arith.constant 0 : i32
      %dma_wait3A_91 = tpu.memref_slice %arg18[%add3A_58, %dma_wait3A_90] : memref<10240x128xf32, #tpu.memory_space<vmem_shared>> -> memref<40x128xf32, #tpu.memory_space<vmem_shared>>
      %dma_wait3A_92 = arith.constant 0 : i32
      %dma_wait3A_93 = arith.constant 0 : i32
      %dma_wait3A_94 = tpu.memref_slice %arg14[%run_scoped3A_59, %dma_wait3A_92, %dma_wait3A_93] : memref<2x40x128xf32, #tpu.memory_space<vmem>> -> memref<1x40x128xf32, #tpu.memory_space<vmem>>
      %dma_wait3A_95 = tpu.memref_squeeze %dma_wait3A_94 : memref<1x40x128xf32, #tpu.memory_space<vmem>> -> memref<40x128xf32, #tpu.memory_space<vmem>>
      tpu.wait_dma2 semaphore(%run_scoped3A_73 : memref<!tpu.dma_semaphore, #tpu.memory_space<semaphore_mem>>) src(%dma_wait3A_95 : memref<40x128xf32, #tpu.memory_space<vmem>>) dst(%dma_wait3A_91 : memref<40x128xf32, #tpu.memory_space<vmem_shared>>)
      tpu.yield
    }) : () -> ()
    %scan3A_60 = arith.constant 0 : i32
    %scan3A_61 = arith.constant 0 : i32
    %scan3A_62 = arith.constant 640 : i32
    %scan3A_63 = arith.addi %scan3A_61, %scan3A_62 : i32
    %scan3A_64 = arith.constant 1 : i32
    scf.for %scan3A_73 = %scan3A_61 to %scan3A_63 step %scan3A_64  : i32 {
      %mul3A_74 = arith.constant 16 : i32
      %mul3A_75 = arith.muli %scan3A_73, %mul3A_74 : i32
      %swap3A = arith.index_cast %mul3A_75 : i32 to index
      %swap3A_76 = tpu.vector_load %arg17[%swap3A] {strides = array<i32>} : memref<10240xf32, #tpu.memory_space<vmem>>, vector<16xf32>,
      tpu.vector_store %arg17[%swap3A], %broadcast_in_dim3A_1 {strides = array<i32>} : memref<10240xf32, #tpu.memory_space<vmem>>, vector<16xf32>,
    }
    %scan3A_65 = arith.constant 640 : i32
    %barrier3A = arith.constant 0 : index
    tpu.barrier barrier_id(%barrier3A)
    %scan3A_66 = arith.constant 0 : i32
    %scan3A_67 = arith.constant 0 : i32
    %scan3A_68 = arith.constant 5 : i32
    %scan3A_69 = arith.addi %scan3A_67, %scan3A_68 : i32
    %scan3A_70 = arith.constant 1 : i32
    scf.for %scan3A_73 = %scan3A_67 to %scan3A_69 step %scan3A_70  : i32 {
      %mul3A_74 = arith.constant 10000 : i32
      %mul3A_75 = arith.muli %add3A, %mul3A_74 : i32
      %mul3A_76 = arith.constant 2000 : i32
      %mul3A_77 = arith.muli %scan3A_73, %mul3A_76 : i32
      %add3A_78 = arith.addi %mul3A_75, %mul3A_77 : i32
      %dma_start3A = tpu.memref_slice %arg2[%add3A_78] : memref<320000xi32, #tpu.memory_space<hbm>> -> memref<2000xi32, #tpu.memory_space<hbm>>
      %dma_start3A_79 = tpu.memref_slice %arg2[%add3A_78] : memref<320000xi32, #tpu.memory_space<hbm>> -> memref<2000xi32, #tpu.memory_space<hbm>>
      tpu.enqueue_dma source(%dma_start3A_79 : memref<2000xi32, #tpu.memory_space<hbm>>) target(%arg10 : memref<2000xi32, #tpu.memory_space<vmem>>) target_semaphore(%arg19 : memref<!tpu.dma_semaphore, #tpu.memory_space<semaphore_mem>>)
      %dma_start3A_80 = tpu.memref_slice %arg3[%add3A_78] : memref<320000xi32, #tpu.memory_space<hbm>> -> memref<2000xi32, #tpu.memory_space<hbm>>
      %dma_start3A_81 = tpu.memref_slice %arg3[%add3A_78] : memref<320000xi32, #tpu.memory_space<hbm>> -> memref<2000xi32, #tpu.memory_space<hbm>>
      tpu.enqueue_dma source(%dma_start3A_81 : memref<2000xi32, #tpu.memory_space<hbm>>) target(%arg11 : memref<2000xi32, #tpu.memory_space<vmem>>) target_semaphore(%arg19 : memref<!tpu.dma_semaphore, #tpu.memory_space<semaphore_mem>>)
      %dma_start3A_82 = tpu.memref_slice %arg4[%add3A_78] : memref<320000xi32, #tpu.memory_space<hbm>> -> memref<2000xi32, #tpu.memory_space<hbm>>
      %dma_start3A_83 = tpu.memref_slice %arg4[%add3A_78] : memref<320000xi32, #tpu.memory_space<hbm>> -> memref<2000xi32, #tpu.memory_space<hbm>>
      tpu.enqueue_dma source(%dma_start3A_83 : memref<2000xi32, #tpu.memory_space<hbm>>) target(%arg12 : memref<2000xi32, #tpu.memory_space<vmem>>) target_semaphore(%arg19 : memref<!tpu.dma_semaphore, #tpu.memory_space<semaphore_mem>>)
      %dma_wait3A = tpu.memref_slice %arg2[%add3A_78] : memref<320000xi32, #tpu.memory_space<hbm>> -> memref<2000xi32, #tpu.memory_space<hbm>>
      %dma_wait3A_84 = tpu.memref_slice %arg2[%add3A_78] : memref<320000xi32, #tpu.memory_space<hbm>> -> memref<2000xi32, #tpu.memory_space<hbm>>
      tpu.wait_dma2 semaphore(%arg19 : memref<!tpu.dma_semaphore, #tpu.memory_space<semaphore_mem>>) src(%dma_wait3A_84 : memref<2000xi32, #tpu.memory_space<hbm>>) dst(%arg10 : memref<2000xi32, #tpu.memory_space<vmem>>)
      %dma_wait3A_85 = tpu.memref_slice %arg3[%add3A_78] : memref<320000xi32, #tpu.memory_space<hbm>> -> memref<2000xi32, #tpu.memory_space<hbm>>
      %dma_wait3A_86 = tpu.memref_slice %arg3[%add3A_78] : memref<320000xi32, #tpu.memory_space<hbm>> -> memref<2000xi32, #tpu.memory_space<hbm>>
      tpu.wait_dma2 semaphore(%arg19 : memref<!tpu.dma_semaphore, #tpu.memory_space<semaphore_mem>>) src(%dma_wait3A_86 : memref<2000xi32, #tpu.memory_space<hbm>>) dst(%arg11 : memref<2000xi32, #tpu.memory_space<vmem>>)
      %dma_wait3A_87 = tpu.memref_slice %arg4[%add3A_78] : memref<320000xi32, #tpu.memory_space<hbm>> -> memref<2000xi32, #tpu.memory_space<hbm>>
      %dma_wait3A_88 = tpu.memref_slice %arg4[%add3A_78] : memref<320000xi32, #tpu.memory_space<hbm>> -> memref<2000xi32, #tpu.memory_space<hbm>>
      tpu.wait_dma2 semaphore(%arg19 : memref<!tpu.dma_semaphore, #tpu.memory_space<semaphore_mem>>) src(%dma_wait3A_88 : memref<2000xi32, #tpu.memory_space<hbm>>) dst(%arg12 : memref<2000xi32, #tpu.memory_space<vmem>>)
      %dma_start3A_89 = arith.constant 0 : i32
      %dma_start3A_90 = arith.constant 0 : i32
      %dma_start3A_91 = arith.constant 0 : i32
      %dma_start3A_92 = tpu.memref_slice %arg14[%dma_start3A_89, %dma_start3A_90, %dma_start3A_91] : memref<2x40x128xf32, #tpu.memory_space<vmem>> -> memref<1x40x128xf32, #tpu.memory_space<vmem>>
      %dma_start3A_93 = tpu.memref_squeeze %dma_start3A_92 : memref<1x40x128xf32, #tpu.memory_space<vmem>> -> memref<40x128xf32, #tpu.memory_space<vmem>>
      %dma_start3A_94 = arith.constant 0 : i32
      %dma_start3A_95 = tpu.memref_slice %arg10[%dma_start3A_94] : memref<2000xi32, #tpu.memory_space<vmem>> -> memref<40xi32, #tpu.memory_space<vmem>>
      %dma_start3A_96 = arith.constant 0 : i32
      %dma_start3A_97 = arith.constant 0 : i32
      %dma_start3A_98 = tpu.memref_slice %arg5[%dma_start3A_96, %dma_start3A_97] : memref<10000x128xf32, #tpu.memory_space<hbm>> -> memref<10000x128xf32, #tpu.memory_space<hbm>>
      tpu.enqueue_indirect_dma source(%dma_start3A_98 : memref<10000x128xf32, #tpu.memory_space<hbm>>) target(%dma_start3A_93 : memref<40x128xf32, #tpu.memory_space<vmem>>) offsets(%dma_start3A_95 : memref<40xi32, #tpu.memory_space<vmem>>) semaphore(%arg20 : memref<!tpu.dma_semaphore, #tpu.memory_space<semaphore_mem>>)
      %dma_start3A_99 = arith.constant 0 : i32
      %dma_start3A_100 = arith.constant 0 : i32
      %dma_start3A_101 = arith.constant 0 : i32
      %dma_start3A_102 = tpu.memref_slice %arg15[%dma_start3A_99, %dma_start3A_100, %dma_start3A_101] : memref<2x40x128xf32, #tpu.memory_space<vmem>> -> memref<1x40x128xf32, #tpu.memory_space<vmem>>
      %dma_start3A_103 = tpu.memref_squeeze %dma_start3A_102 : memref<1x40x128xf32, #tpu.memory_space<vmem>> -> memref<40x128xf32, #tpu.memory_space<vmem>>
      %dma_start3A_104 = arith.constant 0 : i32
      %dma_start3A_105 = tpu.memref_slice %arg11[%dma_start3A_104] : memref<2000xi32, #tpu.memory_space<vmem>> -> memref<40xi32, #tpu.memory_space<vmem>>
      %dma_start3A_106 = arith.constant 0 : i32
      %dma_start3A_107 = arith.constant 0 : i32
      %dma_start3A_108 = tpu.memref_slice %arg6[%dma_start3A_106, %dma_start3A_107] : memref<10000x128xf32, #tpu.memory_space<hbm>> -> memref<10000x128xf32, #tpu.memory_space<hbm>>
      tpu.enqueue_indirect_dma source(%dma_start3A_108 : memref<10000x128xf32, #tpu.memory_space<hbm>>) target(%dma_start3A_103 : memref<40x128xf32, #tpu.memory_space<vmem>>) offsets(%dma_start3A_105 : memref<40xi32, #tpu.memory_space<vmem>>) semaphore(%arg21 : memref<!tpu.dma_semaphore, #tpu.memory_space<semaphore_mem>>)
      %dma_start3A_109 = arith.constant 0 : i32
      %dma_start3A_110 = arith.constant 0 : i32
      %dma_start3A_111 = arith.constant 0 : i32
      %dma_start3A_112 = tpu.memref_slice %arg16[%dma_start3A_109, %dma_start3A_110, %dma_start3A_111] : memref<2x40x128xf32, #tpu.memory_space<vmem>> -> memref<1x40x128xf32, #tpu.memory_space<vmem>>
      %dma_start3A_113 = tpu.memref_squeeze %dma_start3A_112 : memref<1x40x128xf32, #tpu.memory_space<vmem>> -> memref<40x128xf32, #tpu.memory_space<vmem>>
      %dma_start3A_114 = arith.constant 0 : i32
      %dma_start3A_115 = tpu.memref_slice %arg12[%dma_start3A_114] : memref<2000xi32, #tpu.memory_space<vmem>> -> memref<40xi32, #tpu.memory_space<vmem>>
      %dma_start3A_116 = arith.constant 0 : i32
      %dma_start3A_117 = arith.constant 0 : i32
      %dma_start3A_118 = tpu.memref_slice %arg7[%dma_start3A_116, %dma_start3A_117] : memref<512x128xf32, #tpu.memory_space<hbm>> -> memref<512x128xf32, #tpu.memory_space<hbm>>
      tpu.enqueue_indirect_dma source(%dma_start3A_118 : memref<512x128xf32, #tpu.memory_space<hbm>>) target(%dma_start3A_113 : memref<40x128xf32, #tpu.memory_space<vmem>>) offsets(%dma_start3A_115 : memref<40xi32, #tpu.memory_space<vmem>>) semaphore(%arg22 : memref<!tpu.dma_semaphore, #tpu.memory_space<semaphore_mem>>)
      %scan3A_119 = arith.constant 0 : i32
      %scan3A_120 = arith.constant 0 : i32
      %scan3A_121 = arith.constant 25 : i32
      %scan3A_122 = arith.addi %scan3A_120, %scan3A_121 : i32
      %scan3A_123 = arith.constant 1 : i32
      scf.for %scan3A_137 = %scan3A_120 to %scan3A_122 step %scan3A_123  : i32 {
        %mul3A_138 = arith.constant 2 : i32
        %mul3A_139 = arith.muli %scan3A_137, %mul3A_138 : i32
        %add3A_140 = arith.constant 0 : i32
        %add3A_141 = arith.addi %mul3A_139, %add3A_140 : i32
        %mul3A_142 = arith.constant 40 : i32
        %mul3A_143 = arith.muli %add3A_141, %mul3A_142 : i32
        %dma_wait3A_144 = arith.constant 0 : i32
        %dma_wait3A_145 = arith.constant 0 : i32
        %dma_wait3A_146 = arith.constant 0 : i32
        %dma_wait3A_147 = tpu.memref_slice %arg14[%dma_wait3A_144, %dma_wait3A_145, %dma_wait3A_146] : memref<2x40x128xf32, #tpu.memory_space<vmem>> -> memref<1x40x128xf32, #tpu.memory_space<vmem>>
        %dma_wait3A_148 = tpu.memref_squeeze %dma_wait3A_147 : memref<1x40x128xf32, #tpu.memory_space<vmem>> -> memref<40x128xf32, #tpu.memory_space<vmem>>
        %dma_wait3A_149 = tpu.memref_slice %arg10[%mul3A_143] : memref<2000xi32, #tpu.memory_space<vmem>> -> memref<40xi32, #tpu.memory_space<vmem>>
        %dma_wait3A_150 = arith.constant 0 : i32
        %dma_wait3A_151 = arith.constant 0 : i32
        %dma_wait3A_152 = tpu.memref_slice %arg5[%dma_wait3A_150, %dma_wait3A_151] : memref<10000x128xf32, #tpu.memory_space<hbm>> -> memref<10000x128xf32, #tpu.memory_space<hbm>>
        tpu.wait_indirect_dma semaphore(%arg20 : memref<!tpu.dma_semaphore, #tpu.memory_space<semaphore_mem>>) src(%dma_wait3A_152 : memref<10000x128xf32, #tpu.memory_space<hbm>>) dst(%dma_wait3A_148 : memref<40x128xf32, #tpu.memory_space<vmem>>)
        %mul3A_153 = arith.constant 40 : i32
        %mul3A_154 = arith.muli %add3A_141, %mul3A_153 : i32
        %dma_wait3A_155 = arith.constant 0 : i32
        %dma_wait3A_156 = arith.constant 0 : i32
        %dma_wait3A_157 = arith.constant 0 : i32
        %dma_wait3A_158 = tpu.memref_slice %arg15[%dma_wait3A_155, %dma_wait3A_156, %dma_wait3A_157] : memref<2x40x128xf32, #tpu.memory_space<vmem>> -> memref<1x40x128xf32, #tpu.memory_space<vmem>>
        %dma_wait3A_159 = tpu.memref_squeeze %dma_wait3A_158 : memref<1x40x128xf32, #tpu.memory_space<vmem>> -> memref<40x128xf32, #tpu.memory_space<vmem>>
        %dma_wait3A_160 = tpu.memref_slice %arg11[%mul3A_154] : memref<2000xi32, #tpu.memory_space<vmem>> -> memref<40xi32, #tpu.memory_space<vmem>>
        %dma_wait3A_161 = arith.constant 0 : i32
        %dma_wait3A_162 = arith.constant 0 : i32
        %dma_wait3A_163 = tpu.memref_slice %arg6[%dma_wait3A_161, %dma_wait3A_162] : memref<10000x128xf32, #tpu.memory_space<hbm>> -> memref<10000x128xf32, #tpu.memory_space<hbm>>
        tpu.wait_indirect_dma semaphore(%arg21 : memref<!tpu.dma_semaphore, #tpu.memory_space<semaphore_mem>>) src(%dma_wait3A_163 : memref<10000x128xf32, #tpu.memory_space<hbm>>) dst(%dma_wait3A_159 : memref<40x128xf32, #tpu.memory_space<vmem>>)
        %mul3A_164 = arith.constant 40 : i32
        %mul3A_165 = arith.muli %add3A_141, %mul3A_164 : i32
        %dma_wait3A_166 = arith.constant 0 : i32
        %dma_wait3A_167 = arith.constant 0 : i32
        %dma_wait3A_168 = arith.constant 0 : i32
        %dma_wait3A_169 = tpu.memref_slice %arg16[%dma_wait3A_166, %dma_wait3A_167, %dma_wait3A_168] : memref<2x40x128xf32, #tpu.memory_space<vmem>> -> memref<1x40x128xf32, #tpu.memory_space<vmem>>
        %dma_wait3A_170 = tpu.memref_squeeze %dma_wait3A_169 : memref<1x40x128xf32, #tpu.memory_space<vmem>> -> memref<40x128xf32, #tpu.memory_space<vmem>>
        %dma_wait3A_171 = tpu.memref_slice %arg12[%mul3A_165] : memref<2000xi32, #tpu.memory_space<vmem>> -> memref<40xi32, #tpu.memory_space<vmem>>
        %dma_wait3A_172 = arith.constant 0 : i32
        %dma_wait3A_173 = arith.constant 0 : i32
        %dma_wait3A_174 = tpu.memref_slice %arg7[%dma_wait3A_172, %dma_wait3A_173] : memref<512x128xf32, #tpu.memory_space<hbm>> -> memref<512x128xf32, #tpu.memory_space<hbm>>
        tpu.wait_indirect_dma semaphore(%arg22 : memref<!tpu.dma_semaphore, #tpu.memory_space<semaphore_mem>>) src(%dma_wait3A_174 : memref<512x128xf32, #tpu.memory_space<hbm>>) dst(%dma_wait3A_170 : memref<40x128xf32, #tpu.memory_space<vmem>>)
        %ge3A_175 = arith.constant 1 : i32
        %ge3A_176 = arith.cmpi sge, %add3A_141, %ge3A_175 : i32
        %convert_element_type3A = arith.extui %ge3A_176 : i1 to i32
        %cond3A = arith.constant 0 : i32
        %cond3A_177 = arith.cmpi ne, %convert_element_type3A, %cond3A : i32
        scf.if %cond3A_177 {
          %dma_wait3A_351 = arith.constant 1 : i32
          %dma_wait3A_352 = arith.constant 1 : i32
          %dma_wait3A_353 = arith.constant 0 : i32
          %dma_wait3A_354 = arith.constant 0 : i32
          %dma_wait3A_355 = tpu.memref_slice %arg14[%dma_wait3A_351, %dma_wait3A_353, %dma_wait3A_354] : memref<2x40x128xf32, #tpu.memory_space<vmem>> -> memref<1x40x128xf32, #tpu.memory_space<vmem>>
          %dma_wait3A_356 = tpu.memref_squeeze %dma_wait3A_355 : memref<1x40x128xf32, #tpu.memory_space<vmem>> -> memref<40x128xf32, #tpu.memory_space<vmem>>
          %dma_wait3A_357 = arith.constant 0 : i32
          %dma_wait3A_358 = tpu.memref_slice %arg13[%dma_wait3A_352, %dma_wait3A_357] : memref<2x40xi32, #tpu.memory_space<vmem>> -> memref<1x40xi32, #tpu.memory_space<vmem>>
          %dma_wait3A_359 = tpu.memref_squeeze %dma_wait3A_358 : memref<1x40xi32, #tpu.memory_space<vmem>> -> memref<40xi32, #tpu.memory_space<vmem>>
          %dma_wait3A_360 = arith.constant 0 : i32
          %dma_wait3A_361 = arith.constant 0 : i32
          %dma_wait3A_362 = tpu.memref_slice %arg18[%dma_wait3A_360, %dma_wait3A_361] : memref<10240x128xf32, #tpu.memory_space<vmem_shared>> -> memref<10240x128xf32, #tpu.memory_space<vmem_shared>>
          tpu.wait_indirect_dma semaphore(%arg23 : memref<!tpu.dma_semaphore, #tpu.memory_space<semaphore_mem>>) src(%dma_wait3A_356 : memref<40x128xf32, #tpu.memory_space<vmem>>) dst(%dma_wait3A_362 : memref<10240x128xf32, #tpu.memory_space<vmem_shared>>)
        } else {
        }
        %add3A_178 = arith.constant 1 : i32
        %add3A_179 = arith.addi %add3A_141, %add3A_178 : i32
        %lt3A = arith.constant 50 : i32
        %lt3A_180 = arith.cmpi slt, %add3A_179, %lt3A : i32
        %convert_element_type3A_181 = arith.extui %lt3A_180 : i1 to i32
        %cond3A_182 = arith.constant 0 : i32
        %cond3A_183 = arith.cmpi ne, %convert_element_type3A_181, %cond3A_182 : i32
        scf.if %cond3A_183 {
          %add3A_351 = arith.constant 1 : i32
          %add3A_352 = arith.addi %add3A_141, %add3A_351 : i32
          %mul3A_353 = arith.constant 40 : i32
          %mul3A_354 = arith.muli %add3A_352, %mul3A_353 : i32
          %dma_start3A_355 = arith.constant 1 : i32
          %dma_start3A_356 = arith.constant 0 : i32
          %dma_start3A_357 = arith.constant 0 : i32
          %dma_start3A_358 = tpu.memref_slice %arg14[%dma_start3A_355, %dma_start3A_356, %dma_start3A_357] : memref<2x40x128xf32, #tpu.memory_space<vmem>> -> memref<1x40x128xf32, #tpu.memory_space<vmem>>
          %dma_start3A_359 = tpu.memref_squeeze %dma_start3A_358 : memref<1x40x128xf32, #tpu.memory_space<vmem>> -> memref<40x128xf32, #tpu.memory_space<vmem>>
          %dma_start3A_360 = tpu.memref_slice %arg10[%mul3A_354] : memref<2000xi32, #tpu.memory_space<vmem>> -> memref<40xi32, #tpu.memory_space<vmem>>
          %dma_start3A_361 = arith.constant 0 : i32
          %dma_start3A_362 = arith.constant 0 : i32
          %dma_start3A_363 = tpu.memref_slice %arg5[%dma_start3A_361, %dma_start3A_362] : memref<10000x128xf32, #tpu.memory_space<hbm>> -> memref<10000x128xf32, #tpu.memory_space<hbm>>
          tpu.enqueue_indirect_dma source(%dma_start3A_363 : memref<10000x128xf32, #tpu.memory_space<hbm>>) target(%dma_start3A_359 : memref<40x128xf32, #tpu.memory_space<vmem>>) offsets(%dma_start3A_360 : memref<40xi32, #tpu.memory_space<vmem>>) semaphore(%arg20 : memref<!tpu.dma_semaphore, #tpu.memory_space<semaphore_mem>>)
          %mul3A_364 = arith.constant 40 : i32
          %mul3A_365 = arith.muli %add3A_352, %mul3A_364 : i32
          %dma_start3A_366 = arith.constant 1 : i32
          %dma_start3A_367 = arith.constant 0 : i32
          %dma_start3A_368 = arith.constant 0 : i32
          %dma_start3A_369 = tpu.memref_slice %arg15[%dma_start3A_366, %dma_start3A_367, %dma_start3A_368] : memref<2x40x128xf32, #tpu.memory_space<vmem>> -> memref<1x40x128xf32, #tpu.memory_space<vmem>>
          %dma_start3A_370 = tpu.memref_squeeze %dma_start3A_369 : memref<1x40x128xf32, #tpu.memory_space<vmem>> -> memref<40x128xf32, #tpu.memory_space<vmem>>
          %dma_start3A_371 = tpu.memref_slice %arg11[%mul3A_365] : memref<2000xi32, #tpu.memory_space<vmem>> -> memref<40xi32, #tpu.memory_space<vmem>>
          %dma_start3A_372 = arith.constant 0 : i32
          %dma_start3A_373 = arith.constant 0 : i32
          %dma_start3A_374 = tpu.memref_slice %arg6[%dma_start3A_372, %dma_start3A_373] : memref<10000x128xf32, #tpu.memory_space<hbm>> -> memref<10000x128xf32, #tpu.memory_space<hbm>>
          tpu.enqueue_indirect_dma source(%dma_start3A_374 : memref<10000x128xf32, #tpu.memory_space<hbm>>) target(%dma_start3A_370 : memref<40x128xf32, #tpu.memory_space<vmem>>) offsets(%dma_start3A_371 : memref<40xi32, #tpu.memory_space<vmem>>) semaphore(%arg21 : memref<!tpu.dma_semaphore, #tpu.memory_space<semaphore_mem>>)
          %mul3A_375 = arith.constant 40 : i32
          %mul3A_376 = arith.muli %add3A_352, %mul3A_375 : i32
          %dma_start3A_377 = arith.constant 1 : i32
          %dma_start3A_378 = arith.constant 0 : i32
          %dma_start3A_379 = arith.constant 0 : i32
          %dma_start3A_380 = tpu.memref_slice %arg16[%dma_start3A_377, %dma_start3A_378, %dma_start3A_379] : memref<2x40x128xf32, #tpu.memory_space<vmem>> -> memref<1x40x128xf32, #tpu.memory_space<vmem>>
          %dma_start3A_381 = tpu.memref_squeeze %dma_start3A_380 : memref<1x40x128xf32, #tpu.memory_space<vmem>> -> memref<40x128xf32, #tpu.memory_space<vmem>>
          %dma_start3A_382 = tpu.memref_slice %arg12[%mul3A_376] : memref<2000xi32, #tpu.memory_space<vmem>> -> memref<40xi32, #tpu.memory_space<vmem>>
          %dma_start3A_383 = arith.constant 0 : i32
          %dma_start3A_384 = arith.constant 0 : i32
          %dma_start3A_385 = tpu.memref_slice %arg7[%dma_start3A_383, %dma_start3A_384] : memref<512x128xf32, #tpu.memory_space<hbm>> -> memref<512x128xf32, #tpu.memory_space<hbm>>
          tpu.enqueue_indirect_dma source(%dma_start3A_385 : memref<512x128xf32, #tpu.memory_space<hbm>>) target(%dma_start3A_381 : memref<40x128xf32, #tpu.memory_space<vmem>>) offsets(%dma_start3A_382 : memref<40xi32, #tpu.memory_space<vmem>>) semaphore(%arg22 : memref<!tpu.dma_semaphore, #tpu.memory_space<semaphore_mem>>)
        } else {
        }
        %mul3A_184 = arith.constant 40 : i32
        %mul3A_185 = arith.muli %add3A_141, %mul3A_184 : i32
        %add3A_186 = arith.constant 0 : i32
        %add3A_187 = arith.addi %mul3A_185, %add3A_186 : i32
        %get3A = arith.index_cast %add3A_187 : i32 to index
        %get3A_188 = tpu.vector_load %arg11[%get3A] {strides = array<i32>} : memref<2000xi32, #tpu.memory_space<vmem>>, vector<16xi32>,
        %swap3A = arith.constant 0 : i32
        %swap3A_189 = arith.index_cast %swap3A : i32 to index
        %swap3A_190 = arith.constant 0 : index
        %swap3A_191 = tpu.vector_load %arg13[%swap3A_189, %swap3A_190] {strides = array<i32>} : memref<2x40xi32, #tpu.memory_space<vmem>>, vector<16xi32>,
        tpu.vector_store %arg13[%swap3A_189, %swap3A_190], %get3A_188 {strides = array<i32>} : memref<2x40xi32, #tpu.memory_space<vmem>>, vector<16xi32>,
        %mul3A_192 = arith.constant 40 : i32
        %mul3A_193 = arith.muli %add3A_141, %mul3A_192 : i32
        %add3A_194 = arith.constant 16 : i32
        %add3A_195 = arith.addi %mul3A_193, %add3A_194 : i32
        %get3A_196 = arith.index_cast %add3A_195 : i32 to index
        %get3A_197 = tpu.vector_load %arg11[%get3A_196] {strides = array<i32>} : memref<2000xi32, #tpu.memory_space<vmem>>, vector<16xi32>,
        %swap3A_198 = arith.constant 0 : i32
        %swap3A_199 = arith.index_cast %swap3A_198 : i32 to index
        %swap3A_200 = arith.constant 16 : index
        %swap3A_201 = tpu.vector_load %arg13[%swap3A_199, %swap3A_200] {strides = array<i32>} : memref<2x40xi32, #tpu.memory_space<vmem>>, vector<16xi32>,
        tpu.vector_store %arg13[%swap3A_199, %swap3A_200], %get3A_197 {strides = array<i32>} : memref<2x40xi32, #tpu.memory_space<vmem>>, vector<16xi32>,
        %mul3A_202 = arith.constant 40 : i32
        %mul3A_203 = arith.muli %add3A_141, %mul3A_202 : i32
        %add3A_204 = arith.constant 24 : i32
        %add3A_205 = arith.addi %mul3A_203, %add3A_204 : i32
        %get3A_206 = arith.index_cast %add3A_205 : i32 to index
        %get3A_207 = tpu.vector_load %arg11[%get3A_206] {strides = array<i32>} : memref<2000xi32, #tpu.memory_space<vmem>>, vector<16xi32>,
        %swap3A_208 = arith.constant 0 : i32
        %swap3A_209 = arith.index_cast %swap3A_208 : i32 to index
        %swap3A_210 = arith.constant 24 : index
        %swap3A_211 = tpu.vector_load %arg13[%swap3A_209, %swap3A_210] {strides = array<i32>} : memref<2x40xi32, #tpu.memory_space<vmem>>, vector<16xi32>,
        tpu.vector_store %arg13[%swap3A_209, %swap3A_210], %get3A_207 {strides = array<i32>} : memref<2x40xi32, #tpu.memory_space<vmem>>, vector<16xi32>,
        %scan3A_212 = arith.constant 0 : i32
        %scan3A_213 = arith.constant 0 : i32
        %scan3A_214 = arith.constant 40 : i32
        %scan3A_215 = arith.addi %scan3A_213, %scan3A_214 : i32
        %scan3A_216 = arith.constant 1 : i32
        scf.for %scan3A_351 = %scan3A_213 to %scan3A_215 step %scan3A_216  : i32 {
          %get3A_352 = arith.constant 0 : i32
          %get3A_353 = arith.index_cast %get3A_352 : i32 to index
          %get3A_354 = arith.index_cast %scan3A_351 : i32 to index
          %get3A_355 = arith.constant 0 : index
          %get3A_356 = tpu.vector_load %arg14[%get3A_353, %get3A_354, %get3A_355] {strides = array<i32>} : memref<2x40x128xf32, #tpu.memory_space<vmem>>, vector<16xf32>,
          %get3A_357 = arith.constant 0 : i32
          %get3A_358 = arith.index_cast %get3A_357 : i32 to index
          %get3A_359 = arith.index_cast %scan3A_351 : i32 to index
          %get3A_360 = arith.constant 0 : index
          %get3A_361 = tpu.vector_load %arg15[%get3A_358, %get3A_359, %get3A_360] {strides = array<i32>} : memref<2x40x128xf32, #tpu.memory_space<vmem>>, vector<16xf32>,
          %add3A_362 = arith.addf %get3A_356, %get3A_361 : vector<16xf32>
          %get3A_363 = arith.constant 0 : i32
          %get3A_364 = arith.index_cast %get3A_363 : i32 to index
          %get3A_365 = arith.index_cast %scan3A_351 : i32 to index
          %get3A_366 = arith.constant 0 : index
          %get3A_367 = tpu.vector_load %arg16[%get3A_364, %get3A_365, %get3A_366] {strides = array<i32>} : memref<2x40x128xf32, #tpu.memory_space<vmem>>, vector<16xf32>,
          %add3A_368 = arith.addf %add3A_362, %get3A_367 : vector<16xf32>
          %add3A_369 = arith.addf %add3A_368, %add3A_368 : vector<16xf32>
          %exp3A = math.exp %add3A_369 : vector<16xf32>
          %add3A_370 = arith.constant 1.000000e+00 : f32
          %add3A_371 = vector.broadcast %add3A_370 : f32 to vector<16xf32>
          %add3A_372 = arith.addf %exp3A, %add3A_371 : vector<16xf32>
          %div3A = arith.constant 2.000000e+00 : f32
          %div3A_373 = vector.broadcast %div3A : f32 to vector<16xf32>
          %div3A_374 = arith.divf %div3A_373, %add3A_372 : vector<16xf32>
          %sub3A = arith.constant 1.000000e+00 : f32
          %sub3A_375 = vector.broadcast %sub3A : f32 to vector<16xf32>
          %sub3A_376 = arith.subf %sub3A_375, %div3A_374 : vector<16xf32>
          %swap3A_377 = arith.constant 0 : i32
          %swap3A_378 = arith.index_cast %swap3A_377 : i32 to index
          %swap3A_379 = arith.index_cast %scan3A_351 : i32 to index
          %swap3A_380 = arith.constant 0 : index
          %swap3A_381 = tpu.vector_load %arg14[%swap3A_378, %swap3A_379, %swap3A_380] {strides = array<i32>} : memref<2x40x128xf32, #tpu.memory_space<vmem>>, vector<16xf32>,
          tpu.vector_store %arg14[%swap3A_378, %swap3A_379, %swap3A_380], %sub3A_376 {strides = array<i32>} : memref<2x40x128xf32, #tpu.memory_space<vmem>>, vector<16xf32>,
          %get3A_382 = arith.constant 0 : i32
          %get3A_383 = arith.index_cast %get3A_382 : i32 to index
          %get3A_384 = arith.index_cast %scan3A_351 : i32 to index
          %get3A_385 = arith.constant 16 : index
          %get3A_386 = tpu.vector_load %arg14[%get3A_383, %get3A_384, %get3A_385] {strides = array<i32>} : memref<2x40x128xf32, #tpu.memory_space<vmem>>, vector<16xf32>,
          %get3A_387 = arith.constant 0 : i32
          %get3A_388 = arith.index_cast %get3A_387 : i32 to index
          %get3A_389 = arith.index_cast %scan3A_351 : i32 to index
          %get3A_390 = arith.constant 16 : index
          %get3A_391 = tpu.vector_load %arg15[%get3A_388, %get3A_389, %get3A_390] {strides = array<i32>} : memref<2x40x128xf32, #tpu.memory_space<vmem>>, vector<16xf32>,
          %add3A_392 = arith.addf %get3A_386, %get3A_391 : vector<16xf32>
          %get3A_393 = arith.constant 0 : i32
          %get3A_394 = arith.index_cast %get3A_393 : i32 to index
          %get3A_395 = arith.index_cast %scan3A_351 : i32 to index
          %get3A_396 = arith.constant 16 : index
          %get3A_397 = tpu.vector_load %arg16[%get3A_394, %get3A_395, %get3A_396] {strides = array<i32>} : memref<2x40x128xf32, #tpu.memory_space<vmem>>, vector<16xf32>,
          %add3A_398 = arith.addf %add3A_392, %get3A_397 : vector<16xf32>
          %add3A_399 = arith.addf %add3A_398, %add3A_398 : vector<16xf32>
          %exp3A_400 = math.exp %add3A_399 : vector<16xf32>
          %add3A_401 = arith.constant 1.000000e+00 : f32
          %add3A_402 = vector.broadcast %add3A_401 : f32 to vector<16xf32>
          %add3A_403 = arith.addf %exp3A_400, %add3A_402 : vector<16xf32>
          %div3A_404 = arith.constant 2.000000e+00 : f32
          %div3A_405 = vector.broadcast %div3A_404 : f32 to vector<16xf32>
          %div3A_406 = arith.divf %div3A_405, %add3A_403 : vector<16xf32>
          %sub3A_407 = arith.constant 1.000000e+00 : f32
          %sub3A_408 = vector.broadcast %sub3A_407 : f32 to vector<16xf32>
          %sub3A_409 = arith.subf %sub3A_408, %div3A_406 : vector<16xf32>
          %swap3A_410 = arith.constant 0 : i32
          %swap3A_411 = arith.index_cast %swap3A_410 : i32 to index
          %swap3A_412 = arith.index_cast %scan3A_351 : i32 to index
          %swap3A_413 = arith.constant 16 : index
          %swap3A_414 = tpu.vector_load %arg14[%swap3A_411, %swap3A_412, %swap3A_413] {strides = array<i32>} : memref<2x40x128xf32, #tpu.memory_space<vmem>>, vector<16xf32>,
          tpu.vector_store %arg14[%swap3A_411, %swap3A_412, %swap3A_413], %sub3A_409 {strides = array<i32>} : memref<2x40x128xf32, #tpu.memory_space<vmem>>, vector<16xf32>,
          %get3A_415 = arith.constant 0 : i32
          %get3A_416 = arith.index_cast %get3A_415 : i32 to index
          %get3A_417 = arith.index_cast %scan3A_351 : i32 to index
          %get3A_418 = arith.constant 32 : index
          %get3A_419 = tpu.vector_load %arg14[%get3A_416, %get3A_417, %get3A_418] {strides = array<i32>} : memref<2x40x128xf32, #tpu.memory_space<vmem>>, vector<16xf32>,
          %get3A_420 = arith.constant 0 : i32
          %get3A_421 = arith.index_cast %get3A_420 : i32 to index
          %get3A_422 = arith.index_cast %scan3A_351 : i32 to index
          %get3A_423 = arith.constant 32 : index
          %get3A_424 = tpu.vector_load %arg15[%get3A_421, %get3A_422, %get3A_423] {strides = array<i32>} : memref<2x40x128xf32, #tpu.memory_space<vmem>>, vector<16xf32>,
          %add3A_425 = arith.addf %get3A_419, %get3A_424 : vector<16xf32>
          %get3A_426 = arith.constant 0 : i32
          %get3A_427 = arith.index_cast %get3A_426 : i32 to index
          %get3A_428 = arith.index_cast %scan3A_351 : i32 to index
          %get3A_429 = arith.constant 32 : index
          %get3A_430 = tpu.vector_load %arg16[%get3A_427, %get3A_428, %get3A_429] {strides = array<i32>} : memref<2x40x128xf32, #tpu.memory_space<vmem>>, vector<16xf32>,
          %add3A_431 = arith.addf %add3A_425, %get3A_430 : vector<16xf32>
          %add3A_432 = arith.addf %add3A_431, %add3A_431 : vector<16xf32>
          %exp3A_433 = math.exp %add3A_432 : vector<16xf32>
          %add3A_434 = arith.constant 1.000000e+00 : f32
          %add3A_435 = vector.broadcast %add3A_434 : f32 to vector<16xf32>
          %add3A_436 = arith.addf %exp3A_433, %add3A_435 : vector<16xf32>
          %div3A_437 = arith.constant 2.000000e+00 : f32
          %div3A_438 = vector.broadcast %div3A_437 : f32 to vector<16xf32>
          %div3A_439 = arith.divf %div3A_438, %add3A_436 : vector<16xf32>
          %sub3A_440 = arith.constant 1.000000e+00 : f32
          %sub3A_441 = vector.broadcast %sub3A_440 : f32 to vector<16xf32>
          %sub3A_442 = arith.subf %sub3A_441, %div3A_439 : vector<16xf32>
          %swap3A_443 = arith.constant 0 : i32
          %swap3A_444 = arith.index_cast %swap3A_443 : i32 to index
          %swap3A_445 = arith.index_cast %scan3A_351 : i32 to index
          %swap3A_446 = arith.constant 32 : index
          %swap3A_447 = tpu.vector_load %arg14[%swap3A_444, %swap3A_445, %swap3A_446] {strides = array<i32>} : memref<2x40x128xf32, #tpu.memory_space<vmem>>, vector<16xf32>,
          tpu.vector_store %arg14[%swap3A_444, %swap3A_445, %swap3A_446], %sub3A_442 {strides = array<i32>} : memref<2x40x128xf32, #tpu.memory_space<vmem>>, vector<16xf32>,
          %get3A_448 = arith.constant 0 : i32
          %get3A_449 = arith.index_cast %get3A_448 : i32 to index
          %get3A_450 = arith.index_cast %scan3A_351 : i32 to index
          %get3A_451 = arith.constant 48 : index
          %get3A_452 = tpu.vector_load %arg14[%get3A_449, %get3A_450, %get3A_451] {strides = array<i32>} : memref<2x40x128xf32, #tpu.memory_space<vmem>>, vector<16xf32>,
          %get3A_453 = arith.constant 0 : i32
          %get3A_454 = arith.index_cast %get3A_453 : i32 to index
          %get3A_455 = arith.index_cast %scan3A_351 : i32 to index
          %get3A_456 = arith.constant 48 : index
          %get3A_457 = tpu.vector_load %arg15[%get3A_454, %get3A_455, %get3A_456] {strides = array<i32>} : memref<2x40x128xf32, #tpu.memory_space<vmem>>, vector<16xf32>,
          %add3A_458 = arith.addf %get3A_452, %get3A_457 : vector<16xf32>
          %get3A_459 = arith.constant 0 : i32
          %get3A_460 = arith.index_cast %get3A_459 : i32 to index
          %get3A_461 = arith.index_cast %scan3A_351 : i32 to index
          %get3A_462 = arith.constant 48 : index
          %get3A_463 = tpu.vector_load %arg16[%get3A_460, %get3A_461, %get3A_462] {strides = array<i32>} : memref<2x40x128xf32, #tpu.memory_space<vmem>>, vector<16xf32>,
          %add3A_464 = arith.addf %add3A_458, %get3A_463 : vector<16xf32>
          %add3A_465 = arith.addf %add3A_464, %add3A_464 : vector<16xf32>
          %exp3A_466 = math.exp %add3A_465 : vector<16xf32>
          %add3A_467 = arith.constant 1.000000e+00 : f32
          %add3A_468 = vector.broadcast %add3A_467 : f32 to vector<16xf32>
          %add3A_469 = arith.addf %exp3A_466, %add3A_468 : vector<16xf32>
          %div3A_470 = arith.constant 2.000000e+00 : f32
          %div3A_471 = vector.broadcast %div3A_470 : f32 to vector<16xf32>
          %div3A_472 = arith.divf %div3A_471, %add3A_469 : vector<16xf32>
          %sub3A_473 = arith.constant 1.000000e+00 : f32
          %sub3A_474 = vector.broadcast %sub3A_473 : f32 to vector<16xf32>
          %sub3A_475 = arith.subf %sub3A_474, %div3A_472 : vector<16xf32>
          %swap3A_476 = arith.constant 0 : i32
          %swap3A_477 = arith.index_cast %swap3A_476 : i32 to index
          %swap3A_478 = arith.index_cast %scan3A_351 : i32 to index
          %swap3A_479 = arith.constant 48 : index
          %swap3A_480 = tpu.vector_load %arg14[%swap3A_477, %swap3A_478, %swap3A_479] {strides = array<i32>} : memref<2x40x128xf32, #tpu.memory_space<vmem>>, vector<16xf32>,
          tpu.vector_store %arg14[%swap3A_477, %swap3A_478, %swap3A_479], %sub3A_475 {strides = array<i32>} : memref<2x40x128xf32, #tpu.memory_space<vmem>>, vector<16xf32>,
          %get3A_481 = arith.constant 0 : i32
          %get3A_482 = arith.index_cast %get3A_481 : i32 to index
          %get3A_483 = arith.index_cast %scan3A_351 : i32 to index
          %get3A_484 = arith.constant 64 : index
          %get3A_485 = tpu.vector_load %arg14[%get3A_482, %get3A_483, %get3A_484] {strides = array<i32>} : memref<2x40x128xf32, #tpu.memory_space<vmem>>, vector<16xf32>,
          %get3A_486 = arith.constant 0 : i32
          %get3A_487 = arith.index_cast %get3A_486 : i32 to index
          %get3A_488 = arith.index_cast %scan3A_351 : i32 to index
          %get3A_489 = arith.constant 64 : index
          %get3A_490 = tpu.vector_load %arg15[%get3A_487, %get3A_488, %get3A_489] {strides = array<i32>} : memref<2x40x128xf32, #tpu.memory_space<vmem>>, vector<16xf32>,
          %add3A_491 = arith.addf %get3A_485, %get3A_490 : vector<16xf32>
          %get3A_492 = arith.constant 0 : i32
          %get3A_493 = arith.index_cast %get3A_492 : i32 to index
          %get3A_494 = arith.index_cast %scan3A_351 : i32 to index
          %get3A_495 = arith.constant 64 : index
          %get3A_496 = tpu.vector_load %arg16[%get3A_493, %get3A_494, %get3A_495] {strides = array<i32>} : memref<2x40x128xf32, #tpu.memory_space<vmem>>, vector<16xf32>,
          %add3A_497 = arith.addf %add3A_491, %get3A_496 : vector<16xf32>
          %add3A_498 = arith.addf %add3A_497, %add3A_497 : vector<16xf32>
          %exp3A_499 = math.exp %add3A_498 : vector<16xf32>
          %add3A_500 = arith.constant 1.000000e+00 : f32
          %add3A_501 = vector.broadcast %add3A_500 : f32 to vector<16xf32>
          %add3A_502 = arith.addf %exp3A_499, %add3A_501 : vector<16xf32>
          %div3A_503 = arith.constant 2.000000e+00 : f32
          %div3A_504 = vector.broadcast %div3A_503 : f32 to vector<16xf32>
          %div3A_505 = arith.divf %div3A_504, %add3A_502 : vector<16xf32>
          %sub3A_506 = arith.constant 1.000000e+00 : f32
          %sub3A_507 = vector.broadcast %sub3A_506 : f32 to vector<16xf32>
          %sub3A_508 = arith.subf %sub3A_507, %div3A_505 : vector<16xf32>
          %swap3A_509 = arith.constant 0 : i32
          %swap3A_510 = arith.index_cast %swap3A_509 : i32 to index
          %swap3A_511 = arith.index_cast %scan3A_351 : i32 to index
          %swap3A_512 = arith.constant 64 : index
          %swap3A_513 = tpu.vector_load %arg14[%swap3A_510, %swap3A_511, %swap3A_512] {strides = array<i32>} : memref<2x40x128xf32, #tpu.memory_space<vmem>>, vector<16xf32>,
          tpu.vector_store %arg14[%swap3A_510, %swap3A_511, %swap3A_512], %sub3A_508 {strides = array<i32>} : memref<2x40x128xf32, #tpu.memory_space<vmem>>, vector<16xf32>,
          %get3A_514 = arith.constant 0 : i32
          %get3A_515 = arith.index_cast %get3A_514 : i32 to index
          %get3A_516 = arith.index_cast %scan3A_351 : i32 to index
          %get3A_517 = arith.constant 80 : index
          %get3A_518 = tpu.vector_load %arg14[%get3A_515, %get3A_516, %get3A_517] {strides = array<i32>} : memref<2x40x128xf32, #tpu.memory_space<vmem>>, vector<16xf32>,
          %get3A_519 = arith.constant 0 : i32
          %get3A_520 = arith.index_cast %get3A_519 : i32 to index
          %get3A_521 = arith.index_cast %scan3A_351 : i32 to index
          %get3A_522 = arith.constant 80 : index
          %get3A_523 = tpu.vector_load %arg15[%get3A_520, %get3A_521, %get3A_522] {strides = array<i32>} : memref<2x40x128xf32, #tpu.memory_space<vmem>>, vector<16xf32>,
          %add3A_524 = arith.addf %get3A_518, %get3A_523 : vector<16xf32>
          %get3A_525 = arith.constant 0 : i32
          %get3A_526 = arith.index_cast %get3A_525 : i32 to index
          %get3A_527 = arith.index_cast %scan3A_351 : i32 to index
          %get3A_528 = arith.constant 80 : index
          %get3A_529 = tpu.vector_load %arg16[%get3A_526, %get3A_527, %get3A_528] {strides = array<i32>} : memref<2x40x128xf32, #tpu.memory_space<vmem>>, vector<16xf32>,
          %add3A_530 = arith.addf %add3A_524, %get3A_529 : vector<16xf32>
          %add3A_531 = arith.addf %add3A_530, %add3A_530 : vector<16xf32>
          %exp3A_532 = math.exp %add3A_531 : vector<16xf32>
          %add3A_533 = arith.constant 1.000000e+00 : f32
          %add3A_534 = vector.broadcast %add3A_533 : f32 to vector<16xf32>
          %add3A_535 = arith.addf %exp3A_532, %add3A_534 : vector<16xf32>
          %div3A_536 = arith.constant 2.000000e+00 : f32
          %div3A_537 = vector.broadcast %div3A_536 : f32 to vector<16xf32>
          %div3A_538 = arith.divf %div3A_537, %add3A_535 : vector<16xf32>
          %sub3A_539 = arith.constant 1.000000e+00 : f32
          %sub3A_540 = vector.broadcast %sub3A_539 : f32 to vector<16xf32>
          %sub3A_541 = arith.subf %sub3A_540, %div3A_538 : vector<16xf32>
          %swap3A_542 = arith.constant 0 : i32
          %swap3A_543 = arith.index_cast %swap3A_542 : i32 to index
          %swap3A_544 = arith.index_cast %scan3A_351 : i32 to index
          %swap3A_545 = arith.constant 80 : index
          %swap3A_546 = tpu.vector_load %arg14[%swap3A_543, %swap3A_544, %swap3A_545] {strides = array<i32>} : memref<2x40x128xf32, #tpu.memory_space<vmem>>, vector<16xf32>,
          tpu.vector_store %arg14[%swap3A_543, %swap3A_544, %swap3A_545], %sub3A_541 {strides = array<i32>} : memref<2x40x128xf32, #tpu.memory_space<vmem>>, vector<16xf32>,
          %get3A_547 = arith.constant 0 : i32
          %get3A_548 = arith.index_cast %get3A_547 : i32 to index
          %get3A_549 = arith.index_cast %scan3A_351 : i32 to index
          %get3A_550 = arith.constant 96 : index
          %get3A_551 = tpu.vector_load %arg14[%get3A_548, %get3A_549, %get3A_550] {strides = array<i32>} : memref<2x40x128xf32, #tpu.memory_space<vmem>>, vector<16xf32>,
          %get3A_552 = arith.constant 0 : i32
          %get3A_553 = arith.index_cast %get3A_552 : i32 to index
          %get3A_554 = arith.index_cast %scan3A_351 : i32 to index
          %get3A_555 = arith.constant 96 : index
          %get3A_556 = tpu.vector_load %arg15[%get3A_553, %get3A_554, %get3A_555] {strides = array<i32>} : memref<2x40x128xf32, #tpu.memory_space<vmem>>, vector<16xf32>,
          %add3A_557 = arith.addf %get3A_551, %get3A_556 : vector<16xf32>
          %get3A_558 = arith.constant 0 : i32
          %get3A_559 = arith.index_cast %get3A_558 : i32 to index
          %get3A_560 = arith.index_cast %scan3A_351 : i32 to index
          %get3A_561 = arith.constant 96 : index
          %get3A_562 = tpu.vector_load %arg16[%get3A_559, %get3A_560, %get3A_561] {strides = array<i32>} : memref<2x40x128xf32, #tpu.memory_space<vmem>>, vector<16xf32>,
          %add3A_563 = arith.addf %add3A_557, %get3A_562 : vector<16xf32>
          %add3A_564 = arith.addf %add3A_563, %add3A_563 : vector<16xf32>
          %exp3A_565 = math.exp %add3A_564 : vector<16xf32>
          %add3A_566 = arith.constant 1.000000e+00 : f32
          %add3A_567 = vector.broadcast %add3A_566 : f32 to vector<16xf32>
          %add3A_568 = arith.addf %exp3A_565, %add3A_567 : vector<16xf32>
          %div3A_569 = arith.constant 2.000000e+00 : f32
          %div3A_570 = vector.broadcast %div3A_569 : f32 to vector<16xf32>
          %div3A_571 = arith.divf %div3A_570, %add3A_568 : vector<16xf32>
          %sub3A_572 = arith.constant 1.000000e+00 : f32
          %sub3A_573 = vector.broadcast %sub3A_572 : f32 to vector<16xf32>
          %sub3A_574 = arith.subf %sub3A_573, %div3A_571 : vector<16xf32>
          %swap3A_575 = arith.constant 0 : i32
          %swap3A_576 = arith.index_cast %swap3A_575 : i32 to index
          %swap3A_577 = arith.index_cast %scan3A_351 : i32 to index
          %swap3A_578 = arith.constant 96 : index
          %swap3A_579 = tpu.vector_load %arg14[%swap3A_576, %swap3A_577, %swap3A_578] {strides = array<i32>} : memref<2x40x128xf32, #tpu.memory_space<vmem>>, vector<16xf32>,
          tpu.vector_store %arg14[%swap3A_576, %swap3A_577, %swap3A_578], %sub3A_574 {strides = array<i32>} : memref<2x40x128xf32, #tpu.memory_space<vmem>>, vector<16xf32>,
          %get3A_580 = arith.constant 0 : i32
          %get3A_581 = arith.index_cast %get3A_580 : i32 to index
          %get3A_582 = arith.index_cast %scan3A_351 : i32 to index
          %get3A_583 = arith.constant 112 : index
          %get3A_584 = tpu.vector_load %arg14[%get3A_581, %get3A_582, %get3A_583] {strides = array<i32>} : memref<2x40x128xf32, #tpu.memory_space<vmem>>, vector<16xf32>,
          %get3A_585 = arith.constant 0 : i32
          %get3A_586 = arith.index_cast %get3A_585 : i32 to index
          %get3A_587 = arith.index_cast %scan3A_351 : i32 to index
          %get3A_588 = arith.constant 112 : index
          %get3A_589 = tpu.vector_load %arg15[%get3A_586, %get3A_587, %get3A_588] {strides = array<i32>} : memref<2x40x128xf32, #tpu.memory_space<vmem>>, vector<16xf32>,
          %add3A_590 = arith.addf %get3A_584, %get3A_589 : vector<16xf32>
          %get3A_591 = arith.constant 0 : i32
          %get3A_592 = arith.index_cast %get3A_591 : i32 to index
          %get3A_593 = arith.index_cast %scan3A_351 : i32 to index
          %get3A_594 = arith.constant 112 : index
          %get3A_595 = tpu.vector_load %arg16[%get3A_592, %get3A_593, %get3A_594] {strides = array<i32>} : memref<2x40x128xf32, #tpu.memory_space<vmem>>, vector<16xf32>,
          %add3A_596 = arith.addf %add3A_590, %get3A_595 : vector<16xf32>
          %add3A_597 = arith.addf %add3A_596, %add3A_596 : vector<16xf32>
          %exp3A_598 = math.exp %add3A_597 : vector<16xf32>
          %add3A_599 = arith.constant 1.000000e+00 : f32
          %add3A_600 = vector.broadcast %add3A_599 : f32 to vector<16xf32>
          %add3A_601 = arith.addf %exp3A_598, %add3A_600 : vector<16xf32>
          %div3A_602 = arith.constant 2.000000e+00 : f32
          %div3A_603 = vector.broadcast %div3A_602 : f32 to vector<16xf32>
          %div3A_604 = arith.divf %div3A_603, %add3A_601 : vector<16xf32>
          %sub3A_605 = arith.constant 1.000000e+00 : f32
          %sub3A_606 = vector.broadcast %sub3A_605 : f32 to vector<16xf32>
          %sub3A_607 = arith.subf %sub3A_606, %div3A_604 : vector<16xf32>
          %swap3A_608 = arith.constant 0 : i32
          %swap3A_609 = arith.index_cast %swap3A_608 : i32 to index
          %swap3A_610 = arith.index_cast %scan3A_351 : i32 to index
          %swap3A_611 = arith.constant 112 : index
          %swap3A_612 = tpu.vector_load %arg14[%swap3A_609, %swap3A_610, %swap3A_611] {strides = array<i32>} : memref<2x40x128xf32, #tpu.memory_space<vmem>>, vector<16xf32>,
          tpu.vector_store %arg14[%swap3A_609, %swap3A_610, %swap3A_611], %sub3A_607 {strides = array<i32>} : memref<2x40x128xf32, #tpu.memory_space<vmem>>, vector<16xf32>,
        }
        %scan3A_217 = arith.constant 40 : i32
        %dma_start3A_218 = arith.constant 0 : i32
        %dma_start3A_219 = arith.constant 0 : i32
        %dma_start3A_220 = arith.constant 0 : i32
        %dma_start3A_221 = arith.constant 0 : i32
        %dma_start3A_222 = tpu.memref_slice %arg14[%dma_start3A_218, %dma_start3A_220, %dma_start3A_221] : memref<2x40x128xf32, #tpu.memory_space<vmem>> -> memref<1x40x128xf32, #tpu.memory_space<vmem>>
        %dma_start3A_223 = tpu.memref_squeeze %dma_start3A_222 : memref<1x40x128xf32, #tpu.memory_space<vmem>> -> memref<40x128xf32, #tpu.memory_space<vmem>>
        %dma_start3A_224 = arith.constant 0 : i32
        %dma_start3A_225 = tpu.memref_slice %arg13[%dma_start3A_219, %dma_start3A_224] : memref<2x40xi32, #tpu.memory_space<vmem>> -> memref<1x40xi32, #tpu.memory_space<vmem>>
        %dma_start3A_226 = tpu.memref_squeeze %dma_start3A_225 : memref<1x40xi32, #tpu.memory_space<vmem>> -> memref<40xi32, #tpu.memory_space<vmem>>
        %dma_start3A_227 = arith.constant 0 : i32
        %dma_start3A_228 = arith.constant 0 : i32
        %dma_start3A_229 = tpu.memref_slice %arg18[%dma_start3A_227, %dma_start3A_228] : memref<10240x128xf32, #tpu.memory_space<vmem_shared>> -> memref<10240x128xf32, #tpu.memory_space<vmem_shared>>
        tpu.enqueue_indirect_dma source(%dma_start3A_223 : memref<40x128xf32, #tpu.memory_space<vmem>>) target(%dma_start3A_229 : memref<10240x128xf32, #tpu.memory_space<vmem_shared>>) offsets(%dma_start3A_226 : memref<40xi32, #tpu.memory_space<vmem>>) semaphore(%arg23 : memref<!tpu.dma_semaphore, #tpu.memory_space<semaphore_mem>>) {add = true}
        %get3A_230 = arith.constant 0 : i32
        %get3A_231 = arith.index_cast %get3A_230 : i32 to index
        %get3A_232 = arith.constant 0 : index
        %get3A_233 = tpu.vector_load %arg13[%get3A_231, %get3A_232] {strides = array<i32>} : memref<2x40xi32, #tpu.memory_space<vmem>>, vector<16xi32>,
        tpu.vector_store_idx %arg17[%get3A_233], %broadcast_in_dim3A_3 {add = true} : memref<10240xf32, #tpu.memory_space<vmem>>[vector<16xi32>], vector<16xf32>,
        %get3A_234 = arith.constant 0 : i32
        %get3A_235 = arith.index_cast %get3A_234 : i32 to index
        %get3A_236 = arith.constant 16 : index
        %get3A_237 = tpu.vector_load %arg13[%get3A_235, %get3A_236] {strides = array<i32>} : memref<2x40xi32, #tpu.memory_space<vmem>>, vector<16xi32>,
        tpu.vector_store_idx %arg17[%get3A_237], %broadcast_in_dim3A_3 {add = true} : memref<10240xf32, #tpu.memory_space<vmem>>[vector<16xi32>], vector<16xf32>,
        %get3A_238 = arith.constant 0 : i32
        %get3A_239 = arith.index_cast %get3A_238 : i32 to index
        %get3A_240 = arith.constant 24 : index
        %get3A_241 = tpu.vector_load %arg13[%get3A_239, %get3A_240] {strides = array<i32>} : memref<2x40xi32, #tpu.memory_space<vmem>>, vector<16xi32>,
        tpu.vector_store_idx %arg17[%get3A_241], %broadcast_in_dim3A_3 masked %ge3A_5 {add = true} : memref<10240xf32, #tpu.memory_space<vmem>>[vector<16xi32>], vector<16xf32>, vector<16xi1>
        %mul3A_242 = arith.constant 2 : i32
        %mul3A_243 = arith.muli %scan3A_137, %mul3A_242 : i32
        %add3A_244 = arith.constant 1 : i32
        %add3A_245 = arith.addi %mul3A_243, %add3A_244 : i32
        %mul3A_246 = arith.constant 40 : i32
        %mul3A_247 = arith.muli %add3A_245, %mul3A_246 : i32
        %dma_wait3A_248 = arith.constant 1 : i32
        %dma_wait3A_249 = arith.constant 0 : i32
        %dma_wait3A_250 = arith.constant 0 : i32
        %dma_wait3A_251 = tpu.memref_slice %arg14[%dma_wait3A_248, %dma_wait3A_249, %dma_wait3A_250] : memref<2x40x128xf32, #tpu.memory_space<vmem>> -> memref<1x40x128xf32, #tpu.memory_space<vmem>>
        %dma_wait3A_252 = tpu.memref_squeeze %dma_wait3A_251 : memref<1x40x128xf32, #tpu.memory_space<vmem>> -> memref<40x128xf32, #tpu.memory_space<vmem>>
        %dma_wait3A_253 = tpu.memref_slice %arg10[%mul3A_247] : memref<2000xi32, #tpu.memory_space<vmem>> -> memref<40xi32, #tpu.memory_space<vmem>>
        %dma_wait3A_254 = arith.constant 0 : i32
        %dma_wait3A_255 = arith.constant 0 : i32
        %dma_wait3A_256 = tpu.memref_slice %arg5[%dma_wait3A_254, %dma_wait3A_255] : memref<10000x128xf32, #tpu.memory_space<hbm>> -> memref<10000x128xf32, #tpu.memory_space<hbm>>
        tpu.wait_indirect_dma semaphore(%arg20 : memref<!tpu.dma_semaphore, #tpu.memory_space<semaphore_mem>>) src(%dma_wait3A_256 : memref<10000x128xf32, #tpu.memory_space<hbm>>) dst(%dma_wait3A_252 : memref<40x128xf32, #tpu.memory_space<vmem>>)
        %mul3A_257 = arith.constant 40 : i32
        %mul3A_258 = arith.muli %add3A_245, %mul3A_257 : i32
        %dma_wait3A_259 = arith.constant 1 : i32
        %dma_wait3A_260 = arith.constant 0 : i32
        %dma_wait3A_261 = arith.constant 0 : i32
        %dma_wait3A_262 = tpu.memref_slice %arg15[%dma_wait3A_259, %dma_wait3A_260, %dma_wait3A_261] : memref<2x40x128xf32, #tpu.memory_space<vmem>> -> memref<1x40x128xf32, #tpu.memory_space<vmem>>
        %dma_wait3A_263 = tpu.memref_squeeze %dma_wait3A_262 : memref<1x40x128xf32, #tpu.memory_space<vmem>> -> memref<40x128xf32, #tpu.memory_space<vmem>>
        %dma_wait3A_264 = tpu.memref_slice %arg11[%mul3A_258] : memref<2000xi32, #tpu.memory_space<vmem>> -> memref<40xi32, #tpu.memory_space<vmem>>
        %dma_wait3A_265 = arith.constant 0 : i32
        %dma_wait3A_266 = arith.constant 0 : i32
        %dma_wait3A_267 = tpu.memref_slice %arg6[%dma_wait3A_265, %dma_wait3A_266] : memref<10000x128xf32, #tpu.memory_space<hbm>> -> memref<10000x128xf32, #tpu.memory_space<hbm>>
        tpu.wait_indirect_dma semaphore(%arg21 : memref<!tpu.dma_semaphore, #tpu.memory_space<semaphore_mem>>) src(%dma_wait3A_267 : memref<10000x128xf32, #tpu.memory_space<hbm>>) dst(%dma_wait3A_263 : memref<40x128xf32, #tpu.memory_space<vmem>>)
        %mul3A_268 = arith.constant 40 : i32
        %mul3A_269 = arith.muli %add3A_245, %mul3A_268 : i32
        %dma_wait3A_270 = arith.constant 1 : i32
        %dma_wait3A_271 = arith.constant 0 : i32
        %dma_wait3A_272 = arith.constant 0 : i32
        %dma_wait3A_273 = tpu.memref_slice %arg16[%dma_wait3A_270, %dma_wait3A_271, %dma_wait3A_272] : memref<2x40x128xf32, #tpu.memory_space<vmem>> -> memref<1x40x128xf32, #tpu.memory_space<vmem>>
        %dma_wait3A_274 = tpu.memref_squeeze %dma_wait3A_273 : memref<1x40x128xf32, #tpu.memory_space<vmem>> -> memref<40x128xf32, #tpu.memory_space<vmem>>
        %dma_wait3A_275 = tpu.memref_slice %arg12[%mul3A_269] : memref<2000xi32, #tpu.memory_space<vmem>> -> memref<40xi32, #tpu.memory_space<vmem>>
        %dma_wait3A_276 = arith.constant 0 : i32
        %dma_wait3A_277 = arith.constant 0 : i32
        %dma_wait3A_278 = tpu.memref_slice %arg7[%dma_wait3A_276, %dma_wait3A_277] : memref<512x128xf32, #tpu.memory_space<hbm>> -> memref<512x128xf32, #tpu.memory_space<hbm>>
        tpu.wait_indirect_dma semaphore(%arg22 : memref<!tpu.dma_semaphore, #tpu.memory_space<semaphore_mem>>) src(%dma_wait3A_278 : memref<512x128xf32, #tpu.memory_space<hbm>>) dst(%dma_wait3A_274 : memref<40x128xf32, #tpu.memory_space<vmem>>)
        %ge3A_279 = arith.constant 1 : i32
        %ge3A_280 = arith.cmpi sge, %add3A_245, %ge3A_279 : i32
        %convert_element_type3A_281 = arith.extui %ge3A_280 : i1 to i32
        %cond3A_282 = arith.constant 0 : i32
        %cond3A_283 = arith.cmpi ne, %convert_element_type3A_281, %cond3A_282 : i32
        scf.if %cond3A_283 {
          %dma_wait3A_351 = arith.constant 0 : i32
          %dma_wait3A_352 = arith.constant 0 : i32
          %dma_wait3A_353 = arith.constant 0 : i32
          %dma_wait3A_354 = arith.constant 0 : i32
          %dma_wait3A_355 = tpu.memref_slice %arg14[%dma_wait3A_351, %dma_wait3A_353, %dma_wait3A_354] : memref<2x40x128xf32, #tpu.memory_space<vmem>> -> memref<1x40x128xf32, #tpu.memory_space<vmem>>
          %dma_wait3A_356 = tpu.memref_squeeze %dma_wait3A_355 : memref<1x40x128xf32, #tpu.memory_space<vmem>> -> memref<40x128xf32, #tpu.memory_space<vmem>>
          %dma_wait3A_357 = arith.constant 0 : i32
          %dma_wait3A_358 = tpu.memref_slice %arg13[%dma_wait3A_352, %dma_wait3A_357] : memref<2x40xi32, #tpu.memory_space<vmem>> -> memref<1x40xi32, #tpu.memory_space<vmem>>
          %dma_wait3A_359 = tpu.memref_squeeze %dma_wait3A_358 : memref<1x40xi32, #tpu.memory_space<vmem>> -> memref<40xi32, #tpu.memory_space<vmem>>
          %dma_wait3A_360 = arith.constant 0 : i32
          %dma_wait3A_361 = arith.constant 0 : i32
          %dma_wait3A_362 = tpu.memref_slice %arg18[%dma_wait3A_360, %dma_wait3A_361] : memref<10240x128xf32, #tpu.memory_space<vmem_shared>> -> memref<10240x128xf32, #tpu.memory_space<vmem_shared>>
          tpu.wait_indirect_dma semaphore(%arg23 : memref<!tpu.dma_semaphore, #tpu.memory_space<semaphore_mem>>) src(%dma_wait3A_356 : memref<40x128xf32, #tpu.memory_space<vmem>>) dst(%dma_wait3A_362 : memref<10240x128xf32, #tpu.memory_space<vmem_shared>>)
        } else {
        }
        %add3A_284 = arith.constant 1 : i32
        %add3A_285 = arith.addi %add3A_245, %add3A_284 : i32
        %lt3A_286 = arith.constant 50 : i32
        %lt3A_287 = arith.cmpi slt, %add3A_285, %lt3A_286 : i32
        %convert_element_type3A_288 = arith.extui %lt3A_287 : i1 to i32
        %cond3A_289 = arith.constant 0 : i32
        %cond3A_290 = arith.cmpi ne, %convert_element_type3A_288, %cond3A_289 : i32
        scf.if %cond3A_290 {
          %add3A_351 = arith.constant 1 : i32
          %add3A_352 = arith.addi %add3A_245, %add3A_351 : i32
          %mul3A_353 = arith.constant 40 : i32
          %mul3A_354 = arith.muli %add3A_352, %mul3A_353 : i32
          %dma_start3A_355 = arith.constant 0 : i32
          %dma_start3A_356 = arith.constant 0 : i32
          %dma_start3A_357 = arith.constant 0 : i32
          %dma_start3A_358 = tpu.memref_slice %arg14[%dma_start3A_355, %dma_start3A_356, %dma_start3A_357] : memref<2x40x128xf32, #tpu.memory_space<vmem>> -> memref<1x40x128xf32, #tpu.memory_space<vmem>>
          %dma_start3A_359 = tpu.memref_squeeze %dma_start3A_358 : memref<1x40x128xf32, #tpu.memory_space<vmem>> -> memref<40x128xf32, #tpu.memory_space<vmem>>
          %dma_start3A_360 = tpu.memref_slice %arg10[%mul3A_354] : memref<2000xi32, #tpu.memory_space<vmem>> -> memref<40xi32, #tpu.memory_space<vmem>>
          %dma_start3A_361 = arith.constant 0 : i32
          %dma_start3A_362 = arith.constant 0 : i32
          %dma_start3A_363 = tpu.memref_slice %arg5[%dma_start3A_361, %dma_start3A_362] : memref<10000x128xf32, #tpu.memory_space<hbm>> -> memref<10000x128xf32, #tpu.memory_space<hbm>>
          tpu.enqueue_indirect_dma source(%dma_start3A_363 : memref<10000x128xf32, #tpu.memory_space<hbm>>) target(%dma_start3A_359 : memref<40x128xf32, #tpu.memory_space<vmem>>) offsets(%dma_start3A_360 : memref<40xi32, #tpu.memory_space<vmem>>) semaphore(%arg20 : memref<!tpu.dma_semaphore, #tpu.memory_space<semaphore_mem>>)
          %mul3A_364 = arith.constant 40 : i32
          %mul3A_365 = arith.muli %add3A_352, %mul3A_364 : i32
          %dma_start3A_366 = arith.constant 0 : i32
          %dma_start3A_367 = arith.constant 0 : i32
          %dma_start3A_368 = arith.constant 0 : i32
          %dma_start3A_369 = tpu.memref_slice %arg15[%dma_start3A_366, %dma_start3A_367, %dma_start3A_368] : memref<2x40x128xf32, #tpu.memory_space<vmem>> -> memref<1x40x128xf32, #tpu.memory_space<vmem>>
          %dma_start3A_370 = tpu.memref_squeeze %dma_start3A_369 : memref<1x40x128xf32, #tpu.memory_space<vmem>> -> memref<40x128xf32, #tpu.memory_space<vmem>>
          %dma_start3A_371 = tpu.memref_slice %arg11[%mul3A_365] : memref<2000xi32, #tpu.memory_space<vmem>> -> memref<40xi32, #tpu.memory_space<vmem>>
          %dma_start3A_372 = arith.constant 0 : i32
          %dma_start3A_373 = arith.constant 0 : i32
          %dma_start3A_374 = tpu.memref_slice %arg6[%dma_start3A_372, %dma_start3A_373] : memref<10000x128xf32, #tpu.memory_space<hbm>> -> memref<10000x128xf32, #tpu.memory_space<hbm>>
          tpu.enqueue_indirect_dma source(%dma_start3A_374 : memref<10000x128xf32, #tpu.memory_space<hbm>>) target(%dma_start3A_370 : memref<40x128xf32, #tpu.memory_space<vmem>>) offsets(%dma_start3A_371 : memref<40xi32, #tpu.memory_space<vmem>>) semaphore(%arg21 : memref<!tpu.dma_semaphore, #tpu.memory_space<semaphore_mem>>)
          %mul3A_375 = arith.constant 40 : i32
          %mul3A_376 = arith.muli %add3A_352, %mul3A_375 : i32
          %dma_start3A_377 = arith.constant 0 : i32
          %dma_start3A_378 = arith.constant 0 : i32
          %dma_start3A_379 = arith.constant 0 : i32
          %dma_start3A_380 = tpu.memref_slice %arg16[%dma_start3A_377, %dma_start3A_378, %dma_start3A_379] : memref<2x40x128xf32, #tpu.memory_space<vmem>> -> memref<1x40x128xf32, #tpu.memory_space<vmem>>
          %dma_start3A_381 = tpu.memref_squeeze %dma_start3A_380 : memref<1x40x128xf32, #tpu.memory_space<vmem>> -> memref<40x128xf32, #tpu.memory_space<vmem>>
          %dma_start3A_382 = tpu.memref_slice %arg12[%mul3A_376] : memref<2000xi32, #tpu.memory_space<vmem>> -> memref<40xi32, #tpu.memory_space<vmem>>
          %dma_start3A_383 = arith.constant 0 : i32
          %dma_start3A_384 = arith.constant 0 : i32
          %dma_start3A_385 = tpu.memref_slice %arg7[%dma_start3A_383, %dma_start3A_384] : memref<512x128xf32, #tpu.memory_space<hbm>> -> memref<512x128xf32, #tpu.memory_space<hbm>>
          tpu.enqueue_indirect_dma source(%dma_start3A_385 : memref<512x128xf32, #tpu.memory_space<hbm>>) target(%dma_start3A_381 : memref<40x128xf32, #tpu.memory_space<vmem>>) offsets(%dma_start3A_382 : memref<40xi32, #tpu.memory_space<vmem>>) semaphore(%arg22 : memref<!tpu.dma_semaphore, #tpu.memory_space<semaphore_mem>>)
        } else {
        }
        %mul3A_291 = arith.constant 40 : i32
        %mul3A_292 = arith.muli %add3A_245, %mul3A_291 : i32
        %add3A_293 = arith.constant 0 : i32
        %add3A_294 = arith.addi %mul3A_292, %add3A_293 : i32
        %get3A_295 = arith.index_cast %add3A_294 : i32 to index
        %get3A_296 = tpu.vector_load %arg11[%get3A_295] {strides = array<i32>} : memref<2000xi32, #tpu.memory_space<vmem>>, vector<16xi32>,
        %swap3A_297 = arith.constant 1 : i32
        %swap3A_298 = arith.index_cast %swap3A_297 : i32 to index
        %swap3A_299 = arith.constant 0 : index
        %swap3A_300 = tpu.vector_load %arg13[%swap3A_298, %swap3A_299] {strides = array<i32>} : memref<2x40xi32, #tpu.memory_space<vmem>>, vector<16xi32>,
        tpu.vector_store %arg13[%swap3A_298, %swap3A_299], %get3A_296 {strides = array<i32>} : memref<2x40xi32, #tpu.memory_space<vmem>>, vector<16xi32>,
        %mul3A_301 = arith.constant 40 : i32
        %mul3A_302 = arith.muli %add3A_245, %mul3A_301 : i32
        %add3A_303 = arith.constant 16 : i32
        %add3A_304 = arith.addi %mul3A_302, %add3A_303 : i32
        %get3A_305 = arith.index_cast %add3A_304 : i32 to index
        %get3A_306 = tpu.vector_load %arg11[%get3A_305] {strides = array<i32>} : memref<2000xi32, #tpu.memory_space<vmem>>, vector<16xi32>,
        %swap3A_307 = arith.constant 1 : i32
        %swap3A_308 = arith.index_cast %swap3A_307 : i32 to index
        %swap3A_309 = arith.constant 16 : index
        %swap3A_310 = tpu.vector_load %arg13[%swap3A_308, %swap3A_309] {strides = array<i32>} : memref<2x40xi32, #tpu.memory_space<vmem>>, vector<16xi32>,
        tpu.vector_store %arg13[%swap3A_308, %swap3A_309], %get3A_306 {strides = array<i32>} : memref<2x40xi32, #tpu.memory_space<vmem>>, vector<16xi32>,
        %mul3A_311 = arith.constant 40 : i32
        %mul3A_312 = arith.muli %add3A_245, %mul3A_311 : i32
        %add3A_313 = arith.constant 24 : i32
        %add3A_314 = arith.addi %mul3A_312, %add3A_313 : i32
        %get3A_315 = arith.index_cast %add3A_314 : i32 to index
        %get3A_316 = tpu.vector_load %arg11[%get3A_315] {strides = array<i32>} : memref<2000xi32, #tpu.memory_space<vmem>>, vector<16xi32>,
        %swap3A_317 = arith.constant 1 : i32
        %swap3A_318 = arith.index_cast %swap3A_317 : i32 to index
        %swap3A_319 = arith.constant 24 : index
        %swap3A_320 = tpu.vector_load %arg13[%swap3A_318, %swap3A_319] {strides = array<i32>} : memref<2x40xi32, #tpu.memory_space<vmem>>, vector<16xi32>,
        tpu.vector_store %arg13[%swap3A_318, %swap3A_319], %get3A_316 {strides = array<i32>} : memref<2x40xi32, #tpu.memory_space<vmem>>, vector<16xi32>,
        %scan3A_321 = arith.constant 0 : i32
        %scan3A_322 = arith.constant 0 : i32
        %scan3A_323 = arith.constant 40 : i32
        %scan3A_324 = arith.addi %scan3A_322, %scan3A_323 : i32
        %scan3A_325 = arith.constant 1 : i32
        scf.for %scan3A_351 = %scan3A_322 to %scan3A_324 step %scan3A_325  : i32 {
          %get3A_352 = arith.constant 1 : i32
          %get3A_353 = arith.index_cast %get3A_352 : i32 to index
          %get3A_354 = arith.index_cast %scan3A_351 : i32 to index
          %get3A_355 = arith.constant 0 : index
          %get3A_356 = tpu.vector_load %arg14[%get3A_353, %get3A_354, %get3A_355] {strides = array<i32>} : memref<2x40x128xf32, #tpu.memory_space<vmem>>, vector<16xf32>,
          %get3A_357 = arith.constant 1 : i32
          %get3A_358 = arith.index_cast %get3A_357 : i32 to index
          %get3A_359 = arith.index_cast %scan3A_351 : i32 to index
          %get3A_360 = arith.constant 0 : index
          %get3A_361 = tpu.vector_load %arg15[%get3A_358, %get3A_359, %get3A_360] {strides = array<i32>} : memref<2x40x128xf32, #tpu.memory_space<vmem>>, vector<16xf32>,
          %add3A_362 = arith.addf %get3A_356, %get3A_361 : vector<16xf32>
          %get3A_363 = arith.constant 1 : i32
          %get3A_364 = arith.index_cast %get3A_363 : i32 to index
          %get3A_365 = arith.index_cast %scan3A_351 : i32 to index
          %get3A_366 = arith.constant 0 : index
          %get3A_367 = tpu.vector_load %arg16[%get3A_364, %get3A_365, %get3A_366] {strides = array<i32>} : memref<2x40x128xf32, #tpu.memory_space<vmem>>, vector<16xf32>,
          %add3A_368 = arith.addf %add3A_362, %get3A_367 : vector<16xf32>
          %add3A_369 = arith.addf %add3A_368, %add3A_368 : vector<16xf32>
          %exp3A = math.exp %add3A_369 : vector<16xf32>
          %add3A_370 = arith.constant 1.000000e+00 : f32
          %add3A_371 = vector.broadcast %add3A_370 : f32 to vector<16xf32>
          %add3A_372 = arith.addf %exp3A, %add3A_371 : vector<16xf32>
          %div3A = arith.constant 2.000000e+00 : f32
          %div3A_373 = vector.broadcast %div3A : f32 to vector<16xf32>
          %div3A_374 = arith.divf %div3A_373, %add3A_372 : vector<16xf32>
          %sub3A = arith.constant 1.000000e+00 : f32
          %sub3A_375 = vector.broadcast %sub3A : f32 to vector<16xf32>
          %sub3A_376 = arith.subf %sub3A_375, %div3A_374 : vector<16xf32>
          %swap3A_377 = arith.constant 1 : i32
          %swap3A_378 = arith.index_cast %swap3A_377 : i32 to index
          %swap3A_379 = arith.index_cast %scan3A_351 : i32 to index
          %swap3A_380 = arith.constant 0 : index
          %swap3A_381 = tpu.vector_load %arg14[%swap3A_378, %swap3A_379, %swap3A_380] {strides = array<i32>} : memref<2x40x128xf32, #tpu.memory_space<vmem>>, vector<16xf32>,
          tpu.vector_store %arg14[%swap3A_378, %swap3A_379, %swap3A_380], %sub3A_376 {strides = array<i32>} : memref<2x40x128xf32, #tpu.memory_space<vmem>>, vector<16xf32>,
          %get3A_382 = arith.constant 1 : i32
          %get3A_383 = arith.index_cast %get3A_382 : i32 to index
          %get3A_384 = arith.index_cast %scan3A_351 : i32 to index
          %get3A_385 = arith.constant 16 : index
          %get3A_386 = tpu.vector_load %arg14[%get3A_383, %get3A_384, %get3A_385] {strides = array<i32>} : memref<2x40x128xf32, #tpu.memory_space<vmem>>, vector<16xf32>,
          %get3A_387 = arith.constant 1 : i32
          %get3A_388 = arith.index_cast %get3A_387 : i32 to index
          %get3A_389 = arith.index_cast %scan3A_351 : i32 to index
          %get3A_390 = arith.constant 16 : index
          %get3A_391 = tpu.vector_load %arg15[%get3A_388, %get3A_389, %get3A_390] {strides = array<i32>} : memref<2x40x128xf32, #tpu.memory_space<vmem>>, vector<16xf32>,
          %add3A_392 = arith.addf %get3A_386, %get3A_391 : vector<16xf32>
          %get3A_393 = arith.constant 1 : i32
          %get3A_394 = arith.index_cast %get3A_393 : i32 to index
          %get3A_395 = arith.index_cast %scan3A_351 : i32 to index
          %get3A_396 = arith.constant 16 : index
          %get3A_397 = tpu.vector_load %arg16[%get3A_394, %get3A_395, %get3A_396] {strides = array<i32>} : memref<2x40x128xf32, #tpu.memory_space<vmem>>, vector<16xf32>,
          %add3A_398 = arith.addf %add3A_392, %get3A_397 : vector<16xf32>
          %add3A_399 = arith.addf %add3A_398, %add3A_398 : vector<16xf32>
          %exp3A_400 = math.exp %add3A_399 : vector<16xf32>
          %add3A_401 = arith.constant 1.000000e+00 : f32
          %add3A_402 = vector.broadcast %add3A_401 : f32 to vector<16xf32>
          %add3A_403 = arith.addf %exp3A_400, %add3A_402 : vector<16xf32>
          %div3A_404 = arith.constant 2.000000e+00 : f32
          %div3A_405 = vector.broadcast %div3A_404 : f32 to vector<16xf32>
          %div3A_406 = arith.divf %div3A_405, %add3A_403 : vector<16xf32>
          %sub3A_407 = arith.constant 1.000000e+00 : f32
          %sub3A_408 = vector.broadcast %sub3A_407 : f32 to vector<16xf32>
          %sub3A_409 = arith.subf %sub3A_408, %div3A_406 : vector<16xf32>
          %swap3A_410 = arith.constant 1 : i32
          %swap3A_411 = arith.index_cast %swap3A_410 : i32 to index
          %swap3A_412 = arith.index_cast %scan3A_351 : i32 to index
          %swap3A_413 = arith.constant 16 : index
          %swap3A_414 = tpu.vector_load %arg14[%swap3A_411, %swap3A_412, %swap3A_413] {strides = array<i32>} : memref<2x40x128xf32, #tpu.memory_space<vmem>>, vector<16xf32>,
          tpu.vector_store %arg14[%swap3A_411, %swap3A_412, %swap3A_413], %sub3A_409 {strides = array<i32>} : memref<2x40x128xf32, #tpu.memory_space<vmem>>, vector<16xf32>,
          %get3A_415 = arith.constant 1 : i32
          %get3A_416 = arith.index_cast %get3A_415 : i32 to index
          %get3A_417 = arith.index_cast %scan3A_351 : i32 to index
          %get3A_418 = arith.constant 32 : index
          %get3A_419 = tpu.vector_load %arg14[%get3A_416, %get3A_417, %get3A_418] {strides = array<i32>} : memref<2x40x128xf32, #tpu.memory_space<vmem>>, vector<16xf32>,
          %get3A_420 = arith.constant 1 : i32
          %get3A_421 = arith.index_cast %get3A_420 : i32 to index
          %get3A_422 = arith.index_cast %scan3A_351 : i32 to index
          %get3A_423 = arith.constant 32 : index
          %get3A_424 = tpu.vector_load %arg15[%get3A_421, %get3A_422, %get3A_423] {strides = array<i32>} : memref<2x40x128xf32, #tpu.memory_space<vmem>>, vector<16xf32>,
          %add3A_425 = arith.addf %get3A_419, %get3A_424 : vector<16xf32>
          %get3A_426 = arith.constant 1 : i32
          %get3A_427 = arith.index_cast %get3A_426 : i32 to index
          %get3A_428 = arith.index_cast %scan3A_351 : i32 to index
          %get3A_429 = arith.constant 32 : index
          %get3A_430 = tpu.vector_load %arg16[%get3A_427, %get3A_428, %get3A_429] {strides = array<i32>} : memref<2x40x128xf32, #tpu.memory_space<vmem>>, vector<16xf32>,
          %add3A_431 = arith.addf %add3A_425, %get3A_430 : vector<16xf32>
          %add3A_432 = arith.addf %add3A_431, %add3A_431 : vector<16xf32>
          %exp3A_433 = math.exp %add3A_432 : vector<16xf32>
          %add3A_434 = arith.constant 1.000000e+00 : f32
          %add3A_435 = vector.broadcast %add3A_434 : f32 to vector<16xf32>
          %add3A_436 = arith.addf %exp3A_433, %add3A_435 : vector<16xf32>
          %div3A_437 = arith.constant 2.000000e+00 : f32
          %div3A_438 = vector.broadcast %div3A_437 : f32 to vector<16xf32>
          %div3A_439 = arith.divf %div3A_438, %add3A_436 : vector<16xf32>
          %sub3A_440 = arith.constant 1.000000e+00 : f32
          %sub3A_441 = vector.broadcast %sub3A_440 : f32 to vector<16xf32>
          %sub3A_442 = arith.subf %sub3A_441, %div3A_439 : vector<16xf32>
          %swap3A_443 = arith.constant 1 : i32
          %swap3A_444 = arith.index_cast %swap3A_443 : i32 to index
          %swap3A_445 = arith.index_cast %scan3A_351 : i32 to index
          %swap3A_446 = arith.constant 32 : index
          %swap3A_447 = tpu.vector_load %arg14[%swap3A_444, %swap3A_445, %swap3A_446] {strides = array<i32>} : memref<2x40x128xf32, #tpu.memory_space<vmem>>, vector<16xf32>,
          tpu.vector_store %arg14[%swap3A_444, %swap3A_445, %swap3A_446], %sub3A_442 {strides = array<i32>} : memref<2x40x128xf32, #tpu.memory_space<vmem>>, vector<16xf32>,
          %get3A_448 = arith.constant 1 : i32
          %get3A_449 = arith.index_cast %get3A_448 : i32 to index
          %get3A_450 = arith.index_cast %scan3A_351 : i32 to index
          %get3A_451 = arith.constant 48 : index
          %get3A_452 = tpu.vector_load %arg14[%get3A_449, %get3A_450, %get3A_451] {strides = array<i32>} : memref<2x40x128xf32, #tpu.memory_space<vmem>>, vector<16xf32>,
          %get3A_453 = arith.constant 1 : i32
          %get3A_454 = arith.index_cast %get3A_453 : i32 to index
          %get3A_455 = arith.index_cast %scan3A_351 : i32 to index
          %get3A_456 = arith.constant 48 : index
          %get3A_457 = tpu.vector_load %arg15[%get3A_454, %get3A_455, %get3A_456] {strides = array<i32>} : memref<2x40x128xf32, #tpu.memory_space<vmem>>, vector<16xf32>,
          %add3A_458 = arith.addf %get3A_452, %get3A_457 : vector<16xf32>
          %get3A_459 = arith.constant 1 : i32
          %get3A_460 = arith.index_cast %get3A_459 : i32 to index
          %get3A_461 = arith.index_cast %scan3A_351 : i32 to index
          %get3A_462 = arith.constant 48 : index
          %get3A_463 = tpu.vector_load %arg16[%get3A_460, %get3A_461, %get3A_462] {strides = array<i32>} : memref<2x40x128xf32, #tpu.memory_space<vmem>>, vector<16xf32>,
          %add3A_464 = arith.addf %add3A_458, %get3A_463 : vector<16xf32>
          %add3A_465 = arith.addf %add3A_464, %add3A_464 : vector<16xf32>
          %exp3A_466 = math.exp %add3A_465 : vector<16xf32>
          %add3A_467 = arith.constant 1.000000e+00 : f32
          %add3A_468 = vector.broadcast %add3A_467 : f32 to vector<16xf32>
          %add3A_469 = arith.addf %exp3A_466, %add3A_468 : vector<16xf32>
          %div3A_470 = arith.constant 2.000000e+00 : f32
          %div3A_471 = vector.broadcast %div3A_470 : f32 to vector<16xf32>
          %div3A_472 = arith.divf %div3A_471, %add3A_469 : vector<16xf32>
          %sub3A_473 = arith.constant 1.000000e+00 : f32
          %sub3A_474 = vector.broadcast %sub3A_473 : f32 to vector<16xf32>
          %sub3A_475 = arith.subf %sub3A_474, %div3A_472 : vector<16xf32>
          %swap3A_476 = arith.constant 1 : i32
          %swap3A_477 = arith.index_cast %swap3A_476 : i32 to index
          %swap3A_478 = arith.index_cast %scan3A_351 : i32 to index
          %swap3A_479 = arith.constant 48 : index
          %swap3A_480 = tpu.vector_load %arg14[%swap3A_477, %swap3A_478, %swap3A_479] {strides = array<i32>} : memref<2x40x128xf32, #tpu.memory_space<vmem>>, vector<16xf32>,
          tpu.vector_store %arg14[%swap3A_477, %swap3A_478, %swap3A_479], %sub3A_475 {strides = array<i32>} : memref<2x40x128xf32, #tpu.memory_space<vmem>>, vector<16xf32>,
          %get3A_481 = arith.constant 1 : i32
          %get3A_482 = arith.index_cast %get3A_481 : i32 to index
          %get3A_483 = arith.index_cast %scan3A_351 : i32 to index
          %get3A_484 = arith.constant 64 : index
          %get3A_485 = tpu.vector_load %arg14[%get3A_482, %get3A_483, %get3A_484] {strides = array<i32>} : memref<2x40x128xf32, #tpu.memory_space<vmem>>, vector<16xf32>,
          %get3A_486 = arith.constant 1 : i32
          %get3A_487 = arith.index_cast %get3A_486 : i32 to index
          %get3A_488 = arith.index_cast %scan3A_351 : i32 to index
          %get3A_489 = arith.constant 64 : index
          %get3A_490 = tpu.vector_load %arg15[%get3A_487, %get3A_488, %get3A_489] {strides = array<i32>} : memref<2x40x128xf32, #tpu.memory_space<vmem>>, vector<16xf32>,
          %add3A_491 = arith.addf %get3A_485, %get3A_490 : vector<16xf32>
          %get3A_492 = arith.constant 1 : i32
          %get3A_493 = arith.index_cast %get3A_492 : i32 to index
          %get3A_494 = arith.index_cast %scan3A_351 : i32 to index
          %get3A_495 = arith.constant 64 : index
          %get3A_496 = tpu.vector_load %arg16[%get3A_493, %get3A_494, %get3A_495] {strides = array<i32>} : memref<2x40x128xf32, #tpu.memory_space<vmem>>, vector<16xf32>,
          %add3A_497 = arith.addf %add3A_491, %get3A_496 : vector<16xf32>
          %add3A_498 = arith.addf %add3A_497, %add3A_497 : vector<16xf32>
          %exp3A_499 = math.exp %add3A_498 : vector<16xf32>
          %add3A_500 = arith.constant 1.000000e+00 : f32
          %add3A_501 = vector.broadcast %add3A_500 : f32 to vector<16xf32>
          %add3A_502 = arith.addf %exp3A_499, %add3A_501 : vector<16xf32>
          %div3A_503 = arith.constant 2.000000e+00 : f32
          %div3A_504 = vector.broadcast %div3A_503 : f32 to vector<16xf32>
          %div3A_505 = arith.divf %div3A_504, %add3A_502 : vector<16xf32>
          %sub3A_506 = arith.constant 1.000000e+00 : f32
          %sub3A_507 = vector.broadcast %sub3A_506 : f32 to vector<16xf32>
          %sub3A_508 = arith.subf %sub3A_507, %div3A_505 : vector<16xf32>
          %swap3A_509 = arith.constant 1 : i32
          %swap3A_510 = arith.index_cast %swap3A_509 : i32 to index
          %swap3A_511 = arith.index_cast %scan3A_351 : i32 to index
          %swap3A_512 = arith.constant 64 : index
          %swap3A_513 = tpu.vector_load %arg14[%swap3A_510, %swap3A_511, %swap3A_512] {strides = array<i32>} : memref<2x40x128xf32, #tpu.memory_space<vmem>>, vector<16xf32>,
          tpu.vector_store %arg14[%swap3A_510, %swap3A_511, %swap3A_512], %sub3A_508 {strides = array<i32>} : memref<2x40x128xf32, #tpu.memory_space<vmem>>, vector<16xf32>,
          %get3A_514 = arith.constant 1 : i32
          %get3A_515 = arith.index_cast %get3A_514 : i32 to index
          %get3A_516 = arith.index_cast %scan3A_351 : i32 to index
          %get3A_517 = arith.constant 80 : index
          %get3A_518 = tpu.vector_load %arg14[%get3A_515, %get3A_516, %get3A_517] {strides = array<i32>} : memref<2x40x128xf32, #tpu.memory_space<vmem>>, vector<16xf32>,
          %get3A_519 = arith.constant 1 : i32
          %get3A_520 = arith.index_cast %get3A_519 : i32 to index
          %get3A_521 = arith.index_cast %scan3A_351 : i32 to index
          %get3A_522 = arith.constant 80 : index
          %get3A_523 = tpu.vector_load %arg15[%get3A_520, %get3A_521, %get3A_522] {strides = array<i32>} : memref<2x40x128xf32, #tpu.memory_space<vmem>>, vector<16xf32>,
          %add3A_524 = arith.addf %get3A_518, %get3A_523 : vector<16xf32>
          %get3A_525 = arith.constant 1 : i32
          %get3A_526 = arith.index_cast %get3A_525 : i32 to index
          %get3A_527 = arith.index_cast %scan3A_351 : i32 to index
          %get3A_528 = arith.constant 80 : index
          %get3A_529 = tpu.vector_load %arg16[%get3A_526, %get3A_527, %get3A_528] {strides = array<i32>} : memref<2x40x128xf32, #tpu.memory_space<vmem>>, vector<16xf32>,
          %add3A_530 = arith.addf %add3A_524, %get3A_529 : vector<16xf32>
          %add3A_531 = arith.addf %add3A_530, %add3A_530 : vector<16xf32>
          %exp3A_532 = math.exp %add3A_531 : vector<16xf32>
          %add3A_533 = arith.constant 1.000000e+00 : f32
          %add3A_534 = vector.broadcast %add3A_533 : f32 to vector<16xf32>
          %add3A_535 = arith.addf %exp3A_532, %add3A_534 : vector<16xf32>
          %div3A_536 = arith.constant 2.000000e+00 : f32
          %div3A_537 = vector.broadcast %div3A_536 : f32 to vector<16xf32>
          %div3A_538 = arith.divf %div3A_537, %add3A_535 : vector<16xf32>
          %sub3A_539 = arith.constant 1.000000e+00 : f32
          %sub3A_540 = vector.broadcast %sub3A_539 : f32 to vector<16xf32>
          %sub3A_541 = arith.subf %sub3A_540, %div3A_538 : vector<16xf32>
          %swap3A_542 = arith.constant 1 : i32
          %swap3A_543 = arith.index_cast %swap3A_542 : i32 to index
          %swap3A_544 = arith.index_cast %scan3A_351 : i32 to index
          %swap3A_545 = arith.constant 80 : index
          %swap3A_546 = tpu.vector_load %arg14[%swap3A_543, %swap3A_544, %swap3A_545] {strides = array<i32>} : memref<2x40x128xf32, #tpu.memory_space<vmem>>, vector<16xf32>,
          tpu.vector_store %arg14[%swap3A_543, %swap3A_544, %swap3A_545], %sub3A_541 {strides = array<i32>} : memref<2x40x128xf32, #tpu.memory_space<vmem>>, vector<16xf32>,
          %get3A_547 = arith.constant 1 : i32
          %get3A_548 = arith.index_cast %get3A_547 : i32 to index
          %get3A_549 = arith.index_cast %scan3A_351 : i32 to index
          %get3A_550 = arith.constant 96 : index
          %get3A_551 = tpu.vector_load %arg14[%get3A_548, %get3A_549, %get3A_550] {strides = array<i32>} : memref<2x40x128xf32, #tpu.memory_space<vmem>>, vector<16xf32>,
          %get3A_552 = arith.constant 1 : i32
          %get3A_553 = arith.index_cast %get3A_552 : i32 to index
          %get3A_554 = arith.index_cast %scan3A_351 : i32 to index
          %get3A_555 = arith.constant 96 : index
          %get3A_556 = tpu.vector_load %arg15[%get3A_553, %get3A_554, %get3A_555] {strides = array<i32>} : memref<2x40x128xf32, #tpu.memory_space<vmem>>, vector<16xf32>,
          %add3A_557 = arith.addf %get3A_551, %get3A_556 : vector<16xf32>
          %get3A_558 = arith.constant 1 : i32
          %get3A_559 = arith.index_cast %get3A_558 : i32 to index
          %get3A_560 = arith.index_cast %scan3A_351 : i32 to index
          %get3A_561 = arith.constant 96 : index
          %get3A_562 = tpu.vector_load %arg16[%get3A_559, %get3A_560, %get3A_561] {strides = array<i32>} : memref<2x40x128xf32, #tpu.memory_space<vmem>>, vector<16xf32>,
          %add3A_563 = arith.addf %add3A_557, %get3A_562 : vector<16xf32>
          %add3A_564 = arith.addf %add3A_563, %add3A_563 : vector<16xf32>
          %exp3A_565 = math.exp %add3A_564 : vector<16xf32>
          %add3A_566 = arith.constant 1.000000e+00 : f32
          %add3A_567 = vector.broadcast %add3A_566 : f32 to vector<16xf32>
          %add3A_568 = arith.addf %exp3A_565, %add3A_567 : vector<16xf32>
          %div3A_569 = arith.constant 2.000000e+00 : f32
          %div3A_570 = vector.broadcast %div3A_569 : f32 to vector<16xf32>
          %div3A_571 = arith.divf %div3A_570, %add3A_568 : vector<16xf32>
          %sub3A_572 = arith.constant 1.000000e+00 : f32
          %sub3A_573 = vector.broadcast %sub3A_572 : f32 to vector<16xf32>
          %sub3A_574 = arith.subf %sub3A_573, %div3A_571 : vector<16xf32>
          %swap3A_575 = arith.constant 1 : i32
          %swap3A_576 = arith.index_cast %swap3A_575 : i32 to index
          %swap3A_577 = arith.index_cast %scan3A_351 : i32 to index
          %swap3A_578 = arith.constant 96 : index
          %swap3A_579 = tpu.vector_load %arg14[%swap3A_576, %swap3A_577, %swap3A_578] {strides = array<i32>} : memref<2x40x128xf32, #tpu.memory_space<vmem>>, vector<16xf32>,
          tpu.vector_store %arg14[%swap3A_576, %swap3A_577, %swap3A_578], %sub3A_574 {strides = array<i32>} : memref<2x40x128xf32, #tpu.memory_space<vmem>>, vector<16xf32>,
          %get3A_580 = arith.constant 1 : i32
          %get3A_581 = arith.index_cast %get3A_580 : i32 to index
          %get3A_582 = arith.index_cast %scan3A_351 : i32 to index
          %get3A_583 = arith.constant 112 : index
          %get3A_584 = tpu.vector_load %arg14[%get3A_581, %get3A_582, %get3A_583] {strides = array<i32>} : memref<2x40x128xf32, #tpu.memory_space<vmem>>, vector<16xf32>,
          %get3A_585 = arith.constant 1 : i32
          %get3A_586 = arith.index_cast %get3A_585 : i32 to index
          %get3A_587 = arith.index_cast %scan3A_351 : i32 to index
          %get3A_588 = arith.constant 112 : index
          %get3A_589 = tpu.vector_load %arg15[%get3A_586, %get3A_587, %get3A_588] {strides = array<i32>} : memref<2x40x128xf32, #tpu.memory_space<vmem>>, vector<16xf32>,
          %add3A_590 = arith.addf %get3A_584, %get3A_589 : vector<16xf32>
          %get3A_591 = arith.constant 1 : i32
          %get3A_592 = arith.index_cast %get3A_591 : i32 to index
          %get3A_593 = arith.index_cast %scan3A_351 : i32 to index
          %get3A_594 = arith.constant 112 : index
          %get3A_595 = tpu.vector_load %arg16[%get3A_592, %get3A_593, %get3A_594] {strides = array<i32>} : memref<2x40x128xf32, #tpu.memory_space<vmem>>, vector<16xf32>,
          %add3A_596 = arith.addf %add3A_590, %get3A_595 : vector<16xf32>
          %add3A_597 = arith.addf %add3A_596, %add3A_596 : vector<16xf32>
          %exp3A_598 = math.exp %add3A_597 : vector<16xf32>
          %add3A_599 = arith.constant 1.000000e+00 : f32
          %add3A_600 = vector.broadcast %add3A_599 : f32 to vector<16xf32>
          %add3A_601 = arith.addf %exp3A_598, %add3A_600 : vector<16xf32>
          %div3A_602 = arith.constant 2.000000e+00 : f32
          %div3A_603 = vector.broadcast %div3A_602 : f32 to vector<16xf32>
          %div3A_604 = arith.divf %div3A_603, %add3A_601 : vector<16xf32>
          %sub3A_605 = arith.constant 1.000000e+00 : f32
          %sub3A_606 = vector.broadcast %sub3A_605 : f32 to vector<16xf32>
          %sub3A_607 = arith.subf %sub3A_606, %div3A_604 : vector<16xf32>
          %swap3A_608 = arith.constant 1 : i32
          %swap3A_609 = arith.index_cast %swap3A_608 : i32 to index
          %swap3A_610 = arith.index_cast %scan3A_351 : i32 to index
          %swap3A_611 = arith.constant 112 : index
          %swap3A_612 = tpu.vector_load %arg14[%swap3A_609, %swap3A_610, %swap3A_611] {strides = array<i32>} : memref<2x40x128xf32, #tpu.memory_space<vmem>>, vector<16xf32>,
          tpu.vector_store %arg14[%swap3A_609, %swap3A_610, %swap3A_611], %sub3A_607 {strides = array<i32>} : memref<2x40x128xf32, #tpu.memory_space<vmem>>, vector<16xf32>,
        }
        %scan3A_326 = arith.constant 40 : i32
        %dma_start3A_327 = arith.constant 1 : i32
        %dma_start3A_328 = arith.constant 1 : i32
        %dma_start3A_329 = arith.constant 0 : i32
        %dma_start3A_330 = arith.constant 0 : i32
        %dma_start3A_331 = tpu.memref_slice %arg14[%dma_start3A_327, %dma_start3A_329, %dma_start3A_330] : memref<2x40x128xf32, #tpu.memory_space<vmem>> -> memref<1x40x128xf32, #tpu.memory_space<vmem>>
        %dma_start3A_332 = tpu.memref_squeeze %dma_start3A_331 : memref<1x40x128xf32, #tpu.memory_space<vmem>> -> memref<40x128xf32, #tpu.memory_space<vmem>>
        %dma_start3A_333 = arith.constant 0 : i32
        %dma_start3A_334 = tpu.memref_slice %arg13[%dma_start3A_328, %dma_start3A_333] : memref<2x40xi32, #tpu.memory_space<vmem>> -> memref<1x40xi32, #tpu.memory_space<vmem>>
        %dma_start3A_335 = tpu.memref_squeeze %dma_start3A_334 : memref<1x40xi32, #tpu.memory_space<vmem>> -> memref<40xi32, #tpu.memory_space<vmem>>
        %dma_start3A_336 = arith.constant 0 : i32
        %dma_start3A_337 = arith.constant 0 : i32
        %dma_start3A_338 = tpu.memref_slice %arg18[%dma_start3A_336, %dma_start3A_337] : memref<10240x128xf32, #tpu.memory_space<vmem_shared>> -> memref<10240x128xf32, #tpu.memory_space<vmem_shared>>
        tpu.enqueue_indirect_dma source(%dma_start3A_332 : memref<40x128xf32, #tpu.memory_space<vmem>>) target(%dma_start3A_338 : memref<10240x128xf32, #tpu.memory_space<vmem_shared>>) offsets(%dma_start3A_335 : memref<40xi32, #tpu.memory_space<vmem>>) semaphore(%arg23 : memref<!tpu.dma_semaphore, #tpu.memory_space<semaphore_mem>>) {add = true}
        %get3A_339 = arith.constant 1 : i32
        %get3A_340 = arith.index_cast %get3A_339 : i32 to index
        %get3A_341 = arith.constant 0 : index
        %get3A_342 = tpu.vector_load %arg13[%get3A_340, %get3A_341] {strides = array<i32>} : memref<2x40xi32, #tpu.memory_space<vmem>>, vector<16xi32>,
        tpu.vector_store_idx %arg17[%get3A_342], %broadcast_in_dim3A_3 {add = true} : memref<10240xf32, #tpu.memory_space<vmem>>[vector<16xi32>], vector<16xf32>,
        %get3A_343 = arith.constant 1 : i32
        %get3A_344 = arith.index_cast %get3A_343 : i32 to index
        %get3A_345 = arith.constant 16 : index
        %get3A_346 = tpu.vector_load %arg13[%get3A_344, %get3A_345] {strides = array<i32>} : memref<2x40xi32, #tpu.memory_space<vmem>>, vector<16xi32>,
        tpu.vector_store_idx %arg17[%get3A_346], %broadcast_in_dim3A_3 {add = true} : memref<10240xf32, #tpu.memory_space<vmem>>[vector<16xi32>], vector<16xf32>,
        %get3A_347 = arith.constant 1 : i32
        %get3A_348 = arith.index_cast %get3A_347 : i32 to index
        %get3A_349 = arith.constant 24 : index
        %get3A_350 = tpu.vector_load %arg13[%get3A_348, %get3A_349] {strides = array<i32>} : memref<2x40xi32, #tpu.memory_space<vmem>>, vector<16xi32>,
        tpu.vector_store_idx %arg17[%get3A_350], %broadcast_in_dim3A_3 masked %ge3A_5 {add = true} : memref<10240xf32, #tpu.memory_space<vmem>>[vector<16xi32>], vector<16xf32>, vector<16xi1>
      }
      %scan3A_124 = arith.constant 25 : i32
      %dma_wait3A_125 = arith.constant 1 : i32
      %dma_wait3A_126 = arith.constant 1 : i32
      %dma_wait3A_127 = arith.constant 0 : i32
      %dma_wait3A_128 = arith.constant 0 : i32
      %dma_wait3A_129 = tpu.memref_slice %arg14[%dma_wait3A_125, %dma_wait3A_127, %dma_wait3A_128] : memref<2x40x128xf32, #tpu.memory_space<vmem>> -> memref<1x40x128xf32, #tpu.memory_space<vmem>>
      %dma_wait3A_130 = tpu.memref_squeeze %dma_wait3A_129 : memref<1x40x128xf32, #tpu.memory_space<vmem>> -> memref<40x128xf32, #tpu.memory_space<vmem>>
      %dma_wait3A_131 = arith.constant 0 : i32
      %dma_wait3A_132 = tpu.memref_slice %arg13[%dma_wait3A_126, %dma_wait3A_131] : memref<2x40xi32, #tpu.memory_space<vmem>> -> memref<1x40xi32, #tpu.memory_space<vmem>>
      %dma_wait3A_133 = tpu.memref_squeeze %dma_wait3A_132 : memref<1x40xi32, #tpu.memory_space<vmem>> -> memref<40xi32, #tpu.memory_space<vmem>>
      %dma_wait3A_134 = arith.constant 0 : i32
      %dma_wait3A_135 = arith.constant 0 : i32
      %dma_wait3A_136 = tpu.memref_slice %arg18[%dma_wait3A_134, %dma_wait3A_135] : memref<10240x128xf32, #tpu.memory_space<vmem_shared>> -> memref<10240x128xf32, #tpu.memory_space<vmem_shared>>
      tpu.wait_indirect_dma semaphore(%arg23 : memref<!tpu.dma_semaphore, #tpu.memory_space<semaphore_mem>>) src(%dma_wait3A_130 : memref<40x128xf32, #tpu.memory_space<vmem>>) dst(%dma_wait3A_136 : memref<10240x128xf32, #tpu.memory_space<vmem_shared>>)
    }
    %scan3A_71 = arith.constant 5 : i32
    "tpu.region"() ({
      %run_scoped3A_73 = tpu.sem_alloc : memref<!tpu.dma_semaphore, #tpu.memory_space<semaphore_mem>>
      %dma_start3A = arith.constant 0 : i32
      %dma_start3A_74 = tpu.memref_slice %arg9[%arg0, %arg1, %dma_start3A] : memref<2x16x10240xf32, #tpu.memory_space<hbm>> -> memref<1x1x10240xf32, #tpu.memory_space<hbm>>
      %dma_start3A_75 = tpu.memref_squeeze %dma_start3A_74 : memref<1x1x10240xf32, #tpu.memory_space<hbm>> -> memref<10240xf32, #tpu.memory_space<hbm>>
      %dma_start3A_76 = arith.constant 0 : i32
      %dma_start3A_77 = tpu.memref_slice %arg9[%arg0, %arg1, %dma_start3A_76] : memref<2x16x10240xf32, #tpu.memory_space<hbm>> -> memref<1x1x10240xf32, #tpu.memory_space<hbm>>
      %dma_start3A_78 = tpu.memref_squeeze %dma_start3A_77 : memref<1x1x10240xf32, #tpu.memory_space<hbm>> -> memref<10240xf32, #tpu.memory_space<hbm>>
      tpu.enqueue_dma source(%arg17 : memref<10240xf32, #tpu.memory_space<vmem>>) target(%dma_start3A_78 : memref<10240xf32, #tpu.memory_space<hbm>>) target_semaphore(%run_scoped3A_73 : memref<!tpu.dma_semaphore, #tpu.memory_space<semaphore_mem>>)
      %dma_wait3A = arith.constant 0 : i32
      %dma_wait3A_79 = tpu.memref_slice %arg9[%arg0, %arg1, %dma_wait3A] : memref<2x16x10240xf32, #tpu.memory_space<hbm>> -> memref<1x1x10240xf32, #tpu.memory_space<hbm>>
      %dma_wait3A_80 = tpu.memref_squeeze %dma_wait3A_79 : memref<1x1x10240xf32, #tpu.memory_space<hbm>> -> memref<10240xf32, #tpu.memory_space<hbm>>
      %dma_wait3A_81 = arith.constant 0 : i32
      %dma_wait3A_82 = tpu.memref_slice %arg9[%arg0, %arg1, %dma_wait3A_81] : memref<2x16x10240xf32, #tpu.memory_space<hbm>> -> memref<1x1x10240xf32, #tpu.memory_space<hbm>>
      %dma_wait3A_83 = tpu.memref_squeeze %dma_wait3A_82 : memref<1x1x10240xf32, #tpu.memory_space<hbm>> -> memref<10240xf32, #tpu.memory_space<hbm>>
      tpu.wait_dma2 semaphore(%run_scoped3A_73 : memref<!tpu.dma_semaphore, #tpu.memory_space<semaphore_mem>>) src(%arg17 : memref<10240xf32, #tpu.memory_space<vmem>>) dst(%dma_wait3A_83 : memref<10240xf32, #tpu.memory_space<hbm>>)
      tpu.yield
    }) : () -> ()
    %barrier3A_72 = arith.constant 0 : index
    tpu.barrier barrier_id(%barrier3A_72)
    "tpu.region"() ({
      %run_scoped3A_73 = tpu.sem_alloc : memref<!tpu.dma_semaphore, #tpu.memory_space<semaphore_mem>>
      %dma_start3A = arith.constant 0 : i32
      %dma_start3A_74 = tpu.memref_slice %arg8[%arg0, %mul3A_12, %dma_start3A] : memref<2x10240x128xf32, #tpu.memory_space<hbm>> -> memref<1x640x128xf32, #tpu.memory_space<hbm>>
      %dma_start3A_75 = tpu.memref_squeeze %dma_start3A_74 : memref<1x640x128xf32, #tpu.memory_space<hbm>> -> memref<640x128xf32, #tpu.memory_space<hbm>>
      %dma_start3A_76 = arith.constant 0 : i32
      %dma_start3A_77 = tpu.memref_slice %arg18[%mul3A_12, %dma_start3A_76] : memref<10240x128xf32, #tpu.memory_space<vmem_shared>> -> memref<640x128xf32, #tpu.memory_space<vmem_shared>>
      tpu.enqueue_dma source(%dma_start3A_77 : memref<640x128xf32, #tpu.memory_space<vmem_shared>>) target(%dma_start3A_75 : memref<640x128xf32, #tpu.memory_space<hbm>>) target_semaphore(%run_scoped3A_73 : memref<!tpu.dma_semaphore, #tpu.memory_space<semaphore_mem>>)
      %dma_wait3A = arith.constant 0 : i32
      %dma_wait3A_78 = tpu.memref_slice %arg8[%arg0, %mul3A_12, %dma_wait3A] : memref<2x10240x128xf32, #tpu.memory_space<hbm>> -> memref<1x640x128xf32, #tpu.memory_space<hbm>>
      %dma_wait3A_79 = tpu.memref_squeeze %dma_wait3A_78 : memref<1x640x128xf32, #tpu.memory_space<hbm>> -> memref<640x128xf32, #tpu.memory_space<hbm>>
      %dma_wait3A_80 = arith.constant 0 : i32
      %dma_wait3A_81 = tpu.memref_slice %arg18[%mul3A_12, %dma_wait3A_80] : memref<10240x128xf32, #tpu.memory_space<vmem_shared>> -> memref<640x128xf32, #tpu.memory_space<vmem_shared>>
      tpu.wait_dma2 semaphore(%run_scoped3A_73 : memref<!tpu.dma_semaphore, #tpu.memory_space<semaphore_mem>>) src(%dma_wait3A_81 : memref<640x128xf32, #tpu.memory_space<vmem_shared>>) dst(%dma_wait3A_79 : memref<640x128xf32, #tpu.memory_space<hbm>>)
      tpu.yield
    }) : () -> ()
    return
  }
}

module attributes {stable_mosaic.version = 14 : i64} {
  func.func @_proj_nodes_body(%arg0: i32, %arg1: memref<1000x128xf32, #tpu.memory_space<vmem>>, %arg2: memref<384x128xf32, #tpu.memory_space<vmem>>, %arg3: memref<1000x128xf32, #tpu.memory_space<vmem>>, %arg4: memref<1000x128xf32, #tpu.memory_space<vmem>>) attributes {dimension_semantics = [#tpu.dimension_semantics<arbitrary>], iteration_bounds = array<i64: 10>, scalar_prefetch = 0 : i64, scratch_operands = 0 : i64, tpu.core_type = #tpu.core_type<tc>, window_params = [{transform_indices = @transform_0, window_bounds = array<i64: 1000, 128>}, {pipeline_mode = #tpu.pipeline_mode<synchronous>, transform_indices = @transform_1, window_bounds = array<i64: 384, 128>}, {transform_indices = @transform_2, window_bounds = array<i64: 1000, 128>}, {transform_indices = @transform_3, window_bounds = array<i64: 1000, 128>}]} {
    %get3A = arith.constant 0 : index
    %get3A_0 = arith.constant 0 : index
    %get3A_1 = vector.load %arg1[%get3A, %get3A_0] : memref<1000x128xf32, #tpu.memory_space<vmem>>, vector<1000x128xf32>
    %get3A_2 = arith.constant 0 : index
    %get3A_3 = arith.constant 0 : index
    %get3A_4 = vector.load %arg2[%get3A_2, %get3A_3] : memref<384x128xf32, #tpu.memory_space<vmem>>, vector<384x128xf32>
    %slice3A = vector.extract_strided_slice %get3A_4 {offsets = [0, 0], sizes = [128, 128], strides = [1, 1]} : vector<384x128xf32> to vector<128x128xf32>
    %dot_general3A = arith.constant dense<0.000000e+00> : vector<1000x128xf32>
    %dot_general3A_5 = tpu.matmul %get3A_1, %slice3A, %dot_general3A {dimension_numbers = #tpu.dot_dimension_numbers<[1], [0], [0], [1], [0, 0, 1, 1], [], []>, transpose_lhs_hint = false} : vector<1000x128xf32>, vector<128x128xf32>, vector<1000x128xf32> -> vector<1000x128xf32>
    %swap3A = arith.constant 0 : index
    %swap3A_6 = arith.constant 0 : index
    %swap3A_7 = vector.load %arg3[%swap3A, %swap3A_6] : memref<1000x128xf32, #tpu.memory_space<vmem>>, vector<1000x128xf32>
    tpu.vector_store %arg3[%swap3A, %swap3A_6], %dot_general3A_5 {strides = array<i32>} : memref<1000x128xf32, #tpu.memory_space<vmem>>, vector<1000x128xf32>,
    %slice3A_8 = vector.extract_strided_slice %get3A_4 {offsets = [256, 0], sizes = [128, 128], strides = [1, 1]} : vector<384x128xf32> to vector<128x128xf32>
    %dot_general3A_9 = arith.constant dense<0.000000e+00> : vector<1000x128xf32>
    %dot_general3A_10 = tpu.matmul %get3A_1, %slice3A_8, %dot_general3A_9 {dimension_numbers = #tpu.dot_dimension_numbers<[1], [0], [0], [1], [0, 0, 1, 1], [], []>, transpose_lhs_hint = false} : vector<1000x128xf32>, vector<128x128xf32>, vector<1000x128xf32> -> vector<1000x128xf32>
    %swap3A_11 = arith.constant 0 : index
    %swap3A_12 = arith.constant 0 : index
    %swap3A_13 = vector.load %arg4[%swap3A_11, %swap3A_12] : memref<1000x128xf32, #tpu.memory_space<vmem>>, vector<1000x128xf32>
    tpu.vector_store %arg4[%swap3A_11, %swap3A_12], %dot_general3A_10 {strides = array<i32>} : memref<1000x128xf32, #tpu.memory_space<vmem>>, vector<1000x128xf32>,
    return
  }
  func.func @transform_0(%arg0: i32) -> (i32, i32) {
    %c0_i32 = arith.constant 0 : i32
    %c0_i32_0 = arith.constant 0 : i32
    return %arg0, %c0_i32 : i32, i32
  }
  func.func @transform_1(%arg0: i32) -> (i32, i32) {
    %c0_i32 = arith.constant 0 : i32
    %c0_i32_0 = arith.constant 0 : i32
    %c0_i32_1 = arith.constant 0 : i32
    return %c0_i32, %c0_i32_0 : i32, i32
  }
  func.func @transform_2(%arg0: i32) -> (i32, i32) {
    %c0_i32 = arith.constant 0 : i32
    %c0_i32_0 = arith.constant 0 : i32
    return %arg0, %c0_i32 : i32, i32
  }
  func.func @transform_3(%arg0: i32) -> (i32, i32) {
    %c0_i32 = arith.constant 0 : i32
    %c0_i32_0 = arith.constant 0 : i32
    return %arg0, %c0_i32 : i32, i32
  }
}

module attributes {stable_mosaic.version = 14 : i64} {
  func.func @_proj_rel_body(%arg0: memref<512x128xf32, #tpu.memory_space<vmem>>, %arg1: memref<384x128xf32, #tpu.memory_space<vmem>>, %arg2: memref<128xf32, #tpu.memory_space<vmem>>, %arg3: memref<512x128xf32, #tpu.memory_space<vmem>>) attributes {dimension_semantics = [], scalar_prefetch = 0 : i64, scratch_operands = 0 : i64, tpu.core_type = #tpu.core_type<tc>} {
    %get3A = arith.constant 0 : index
    %get3A_0 = arith.constant 0 : index
    %get3A_1 = vector.load %arg0[%get3A, %get3A_0] : memref<512x128xf32, #tpu.memory_space<vmem>>, vector<512x128xf32>
    %get3A_2 = arith.constant 0 : index
    %get3A_3 = arith.constant 0 : index
    %get3A_4 = vector.load %arg1[%get3A_2, %get3A_3] : memref<384x128xf32, #tpu.memory_space<vmem>>, vector<384x128xf32>
    %slice3A = vector.extract_strided_slice %get3A_4 {offsets = [128, 0], sizes = [128, 128], strides = [1, 1]} : vector<384x128xf32> to vector<128x128xf32>
    %dot_general3A = arith.constant dense<0.000000e+00> : vector<512x128xf32>
    %dot_general3A_5 = tpu.matmul %get3A_1, %slice3A, %dot_general3A {dimension_numbers = #tpu.dot_dimension_numbers<[1], [0], [0], [1], [0, 0, 1, 1], [], []>, transpose_lhs_hint = false} : vector<512x128xf32>, vector<128x128xf32>, vector<512x128xf32> -> vector<512x128xf32>
    %get3A_6 = arith.constant 0 : index
    %get3A_7 = vector.load %arg2[%get3A_6] : memref<128xf32, #tpu.memory_space<vmem>>, vector<128xf32>
    %broadcast_in_dim3A = vector.shape_cast %get3A_7 : vector<128xf32> to vector<1x128xf32>
    %add3A = vector.broadcast %broadcast_in_dim3A : vector<1x128xf32> to vector<512x128xf32>
    %add3A_8 = arith.addf %dot_general3A_5, %add3A : vector<512x128xf32>
    %swap3A = arith.constant 0 : index
    %swap3A_9 = arith.constant 0 : index
    %swap3A_10 = vector.load %arg3[%swap3A, %swap3A_9] : memref<512x128xf32, #tpu.memory_space<vmem>>, vector<512x128xf32>
    tpu.vector_store %arg3[%swap3A, %swap3A_9], %add3A_8 {strides = array<i32>} : memref<512x128xf32, #tpu.memory_space<vmem>>, vector<512x128xf32>,
    return
  }
}

module attributes {stable_mosaic.version = 14 : i64} {
  func.func @_pre_body(%arg0: i32, %arg1: memref<1000x128xf32, #tpu.memory_space<vmem>>, %arg2: memref<1000x128xf32, #tpu.memory_space<vmem>>, %arg3: memref<384x128xf32, #tpu.memory_space<vmem>>, %arg4: memref<128xf32, #tpu.memory_space<vmem>>, %arg5: memref<1000x128xf32, #tpu.memory_space<vmem>>) attributes {dimension_semantics = [#tpu.dimension_semantics<arbitrary>], iteration_bounds = array<i64: 10>, scalar_prefetch = 0 : i64, scratch_operands = 0 : i64, tpu.core_type = #tpu.core_type<tc>, window_params = [{transform_indices = @transform_0, window_bounds = array<i64: 1000, 128>}, {transform_indices = @transform_1, window_bounds = array<i64: 1000, 128>}, {pipeline_mode = #tpu.pipeline_mode<synchronous>, transform_indices = @transform_2, window_bounds = array<i64: 384, 128>}, {pipeline_mode = #tpu.pipeline_mode<synchronous>, transform_indices = @transform_3, window_bounds = array<i64: 128>}, {transform_indices = @transform_4, window_bounds = array<i64: 1000, 128>}]} {
    %get3A = arith.constant 0 : index
    %get3A_0 = arith.constant 0 : index
    %get3A_1 = vector.load %arg1[%get3A, %get3A_0] : memref<1000x128xf32, #tpu.memory_space<vmem>>, vector<1000x128xf32>
    %get3A_2 = arith.constant 0 : index
    %get3A_3 = arith.constant 0 : index
    %get3A_4 = vector.load %arg3[%get3A_2, %get3A_3] : memref<384x128xf32, #tpu.memory_space<vmem>>, vector<384x128xf32>
    %slice3A = vector.extract_strided_slice %get3A_4 {offsets = [128, 0], sizes = [128, 128], strides = [1, 1]} : vector<384x128xf32> to vector<128x128xf32>
    %dot_general3A = arith.constant dense<0.000000e+00> : vector<1000x128xf32>
    %dot_general3A_5 = tpu.matmul %get3A_1, %slice3A, %dot_general3A {dimension_numbers = #tpu.dot_dimension_numbers<[1], [0], [0], [1], [0, 0, 1, 1], [], []>, transpose_lhs_hint = false} : vector<1000x128xf32>, vector<128x128xf32>, vector<1000x128xf32> -> vector<1000x128xf32>
    %get3A_6 = arith.constant 0 : index
    %get3A_7 = arith.constant 0 : index
    %get3A_8 = vector.load %arg2[%get3A_6, %get3A_7] : memref<1000x128xf32, #tpu.memory_space<vmem>>, vector<1000x128xf32>
    %get3A_9 = arith.constant 0 : index
    %get3A_10 = arith.constant 0 : index
    %get3A_11 = vector.load %arg3[%get3A_9, %get3A_10] : memref<384x128xf32, #tpu.memory_space<vmem>>, vector<384x128xf32>
    %slice3A_12 = vector.extract_strided_slice %get3A_11 {offsets = [256, 0], sizes = [128, 128], strides = [1, 1]} : vector<384x128xf32> to vector<128x128xf32>
    %dot_general3A_13 = arith.constant dense<0.000000e+00> : vector<1000x128xf32>
    %dot_general3A_14 = tpu.matmul %get3A_8, %slice3A_12, %dot_general3A_13 {dimension_numbers = #tpu.dot_dimension_numbers<[1], [0], [0], [1], [0, 0, 1, 1], [], []>, transpose_lhs_hint = false} : vector<1000x128xf32>, vector<128x128xf32>, vector<1000x128xf32> -> vector<1000x128xf32>
    %add3A = arith.addf %dot_general3A_5, %dot_general3A_14 : vector<1000x128xf32>
    %get3A_15 = arith.constant 0 : index
    %get3A_16 = vector.load %arg4[%get3A_15] : memref<128xf32, #tpu.memory_space<vmem>>, vector<128xf32>
    %broadcast_in_dim3A = vector.shape_cast %get3A_16 : vector<128xf32> to vector<1x128xf32>
    %add3A_17 = vector.broadcast %broadcast_in_dim3A : vector<1x128xf32> to vector<1000x128xf32>
    %add3A_18 = arith.addf %add3A, %add3A_17 : vector<1000x128xf32>
    %swap3A = arith.constant 0 : index
    %swap3A_19 = arith.constant 0 : index
    %swap3A_20 = vector.load %arg5[%swap3A, %swap3A_19] : memref<1000x128xf32, #tpu.memory_space<vmem>>, vector<1000x128xf32>
    tpu.vector_store %arg5[%swap3A, %swap3A_19], %add3A_18 {strides = array<i32>} : memref<1000x128xf32, #tpu.memory_space<vmem>>, vector<1000x128xf32>,
    return
  }
  func.func @transform_0(%arg0: i32) -> (i32, i32) {
    %c0_i32 = arith.constant 0 : i32
    %c0_i32_0 = arith.constant 0 : i32
    return %arg0, %c0_i32 : i32, i32
  }
  func.func @transform_1(%arg0: i32) -> (i32, i32) {
    %c0_i32 = arith.constant 0 : i32
    %c0_i32_0 = arith.constant 0 : i32
    return %arg0, %c0_i32 : i32, i32
  }
  func.func @transform_2(%arg0: i32) -> (i32, i32) {
    %c0_i32 = arith.constant 0 : i32
    %c0_i32_0 = arith.constant 0 : i32
    %c0_i32_1 = arith.constant 0 : i32
    return %c0_i32, %c0_i32_0 : i32, i32
  }
  func.func @transform_3(%arg0: i32) -> i32 {
    %c0_i32 = arith.constant 0 : i32
    %c0_i32_0 = arith.constant 0 : i32
    return %c0_i32 : i32
  }
  func.func @transform_4(%arg0: i32) -> (i32, i32) {
    %c0_i32 = arith.constant 0 : i32
    %c0_i32_0 = arith.constant 0 : i32
    return %arg0, %c0_i32 : i32, i32
  }
}

module attributes {stable_mosaic.version = 14 : i64} {
  func.func @_node_update_body(%arg0: i32, %arg1: memref<2x1000x128xf32, #tpu.memory_space<vmem>>, %arg2: memref<1000x1xf32, #tpu.memory_space<vmem>>, %arg3: memref<1000x128xf32, #tpu.memory_space<vmem>>, %arg4: memref<1000x128xf32, #tpu.memory_space<vmem>>, %arg5: memref<384x128xf32, #tpu.memory_space<vmem>>, %arg6: memref<1000x128xf32, #tpu.memory_space<vmem>>) attributes {dimension_semantics = [#tpu.dimension_semantics<arbitrary>], iteration_bounds = array<i64: 10>, scalar_prefetch = 0 : i64, scratch_operands = 0 : i64, tpu.core_type = #tpu.core_type<tc>, window_params = [{transform_indices = @transform_0, window_bounds = array<i64: 2, 1000, 128>}, {transform_indices = @transform_1, window_bounds = array<i64: 1000, 1>}, {transform_indices = @transform_2, window_bounds = array<i64: 1000, 128>}, {transform_indices = @transform_3, window_bounds = array<i64: 1000, 128>}, {pipeline_mode = #tpu.pipeline_mode<synchronous>, transform_indices = @transform_4, window_bounds = array<i64: 384, 128>}, {transform_indices = @transform_5, window_bounds = array<i64: 1000, 128>}]} {
    %get3A = arith.constant 0 : index
    %get3A_0 = arith.constant 0 : index
    %get3A_1 = arith.constant 0 : index
    %get3A_2 = vector.load %arg1[%get3A, %get3A_0, %get3A_1] : memref<2x1000x128xf32, #tpu.memory_space<vmem>>, vector<1x1000x128xf32>
    %get3A_3 = vector.shape_cast %get3A_2 : vector<1x1000x128xf32> to vector<1000x128xf32>
    %get3A_4 = arith.constant 1 : index
    %get3A_5 = arith.constant 0 : index
    %get3A_6 = arith.constant 0 : index
    %get3A_7 = vector.load %arg1[%get3A_4, %get3A_5, %get3A_6] : memref<2x1000x128xf32, #tpu.memory_space<vmem>>, vector<1x1000x128xf32>
    %get3A_8 = vector.shape_cast %get3A_7 : vector<1x1000x128xf32> to vector<1000x128xf32>
    %add3A = arith.addf %get3A_3, %get3A_8 : vector<1000x128xf32>
    %get3A_9 = arith.constant 0 : index
    %get3A_10 = arith.constant 0 : index
    %get3A_11 = vector.load %arg2[%get3A_9, %get3A_10] : memref<1000x1xf32, #tpu.memory_space<vmem>>, vector<1000x1xf32>
    %rsqrt3A = math.rsqrt %get3A_11 : vector<1000x1xf32>
    %mul3A = vector.broadcast %rsqrt3A : vector<1000x1xf32> to vector<1000x128xf32>
    %mul3A_12 = arith.mulf %add3A, %mul3A : vector<1000x128xf32>
    %get3A_13 = arith.constant 0 : index
    %get3A_14 = arith.constant 0 : index
    %get3A_15 = vector.load %arg5[%get3A_13, %get3A_14] : memref<384x128xf32, #tpu.memory_space<vmem>>, vector<384x128xf32>
    %slice3A = vector.extract_strided_slice %get3A_15 {offsets = [0, 0], sizes = [128, 128], strides = [1, 1]} : vector<384x128xf32> to vector<128x128xf32>
    %dot_general3A = arith.constant dense<0.000000e+00> : vector<1000x128xf32>
    %dot_general3A_16 = tpu.matmul %mul3A_12, %slice3A, %dot_general3A {dimension_numbers = #tpu.dot_dimension_numbers<[1], [0], [0], [1], [0, 0, 1, 1], [], []>, transpose_lhs_hint = false} : vector<1000x128xf32>, vector<128x128xf32>, vector<1000x128xf32> -> vector<1000x128xf32>
    %get3A_17 = arith.constant 0 : index
    %get3A_18 = arith.constant 0 : index
    %get3A_19 = vector.load %arg4[%get3A_17, %get3A_18] : memref<1000x128xf32, #tpu.memory_space<vmem>>, vector<1000x128xf32>
    %add3A_20 = arith.addf %dot_general3A_16, %get3A_19 : vector<1000x128xf32>
    %tanh3A = math.tanh %add3A_20 : vector<1000x128xf32>
    %get3A_21 = arith.constant 0 : index
    %get3A_22 = arith.constant 0 : index
    %get3A_23 = vector.load %arg3[%get3A_21, %get3A_22] : memref<1000x128xf32, #tpu.memory_space<vmem>>, vector<1000x128xf32>
    %add3A_24 = arith.addf %get3A_23, %tanh3A : vector<1000x128xf32>
    %swap3A = arith.constant 0 : index
    %swap3A_25 = arith.constant 0 : index
    %swap3A_26 = vector.load %arg6[%swap3A, %swap3A_25] : memref<1000x128xf32, #tpu.memory_space<vmem>>, vector<1000x128xf32>
    tpu.vector_store %arg6[%swap3A, %swap3A_25], %add3A_24 {strides = array<i32>} : memref<1000x128xf32, #tpu.memory_space<vmem>>, vector<1000x128xf32>,
    return
  }
  func.func @transform_0(%arg0: i32) -> (i32, i32, i32) {
    %c0_i32 = arith.constant 0 : i32
    %c0_i32_0 = arith.constant 0 : i32
    %c0_i32_1 = arith.constant 0 : i32
    return %c0_i32, %arg0, %c0_i32_0 : i32, i32, i32
  }
  func.func @transform_1(%arg0: i32) -> (i32, i32) {
    %c0_i32 = arith.constant 0 : i32
    %c0_i32_0 = arith.constant 0 : i32
    return %arg0, %c0_i32 : i32, i32
  }
  func.func @transform_2(%arg0: i32) -> (i32, i32) {
    %c0_i32 = arith.constant 0 : i32
    %c0_i32_0 = arith.constant 0 : i32
    return %arg0, %c0_i32 : i32, i32
  }
  func.func @transform_3(%arg0: i32) -> (i32, i32) {
    %c0_i32 = arith.constant 0 : i32
    %c0_i32_0 = arith.constant 0 : i32
    return %arg0, %c0_i32 : i32, i32
  }
  func.func @transform_4(%arg0: i32) -> (i32, i32) {
    %c0_i32 = arith.constant 0 : i32
    %c0_i32_0 = arith.constant 0 : i32
    %c0_i32_1 = arith.constant 0 : i32
    return %c0_i32, %c0_i32_0 : i32, i32
  }
  func.func @transform_5(%arg0: i32) -> (i32, i32) {
    %c0_i32 = arith.constant 0 : i32
    %c0_i32_0 = arith.constant 0 : i32
    return %arg0, %c0_i32 : i32, i32
  }
}

</mosaic_0001>

<sc_bundles>
// kernel: kernel.7.cloned.1.call-start
scs
__scs_entry_jumppad:
0x0: {  	(pc) =	sbr.rel $0x88, $3  }
0x1: {  	(tag) =	ssettag $0x0;
	lr =	simm.s32 $0x1  }
0x2: {  	[smem:$0x3F99] =	sst lr;
	_ =	strace $0xD0000000  }
0x3: {  	_ = 	snop  }
0x4: {  	_ = 	snop  }
0x5: {  	_ = 	snop  }
0x6: {  	_ = 	snop  }
0x7: {  	_ = 	snop  }
__scs_overlays_trampoline_lowered:
0x8: {  	[smem:$0x3FA8] =	sst s0  }
0x9: {  	[smem:$0x3FA9] =	sst s1  }
0xa: {  	[smem:$0x3FAA] =	sst s2  }
0xb: {  	[smem:$0x3FAB] =	sst s3  }
0xc: {  	[smem:$0x3FAC] =	sst s4  }
0xd: {  	[smem:$0x3FAD] =	sst s5  }
0xe: {  	[smem:$0x3FAE] =	sst s6  }
0xf: {  	[smem:$0x3FAF] =	sst s7  }
0x10: {  	[smem:$0x3FB0] =	sst s8  }
0x11: {  	[smem:$0x3FB1] =	sst s9;
	s0 =	simm.s32 @!p0 $0x0  }
0x12: {  	s1 =	sld [smem:$0x3F97];
	s0 =	simm.s32 @p0 $0x1  }
0x13: {  	[smem:$0x3FB2] =	sst s0;
	s0 =	simm.s32 @!p1 $0x0  }
0x14: {  	s2 =	sld [smem:$0x3F96];
	s0 =	simm.s32 @p1 $0x1  }
0x15: {  	[smem:$0x3FB3] =	sst s0;
	s0 =	simm.s32 @!p2 $0x0  }
0x16: {  	s3 =	sld [smem:$0x3FDB];
	s0 =	simm.s32 @p2 $0x1  }
0x17: {  	s4 =	simm.s32 $0x1BF5;
	[smem:$0x3FB5] =	sst s0  }
0x18: {  	s0 =	sld [smem:$0x3F98];
	_ =	swait.ge [sflag:s4], $0x0  }
0x19: {  	s7 =	sld [smem:$0x3F99]  }
0x1a: {  	s8 =	sadd.s32 $0xFFFFE003, lr  }
0x1b: {  	s9 =	sadd.s32 $0xFFFFFEF7, lr;
	s5 =	simm.s32 $0xFFFFFFFF;
	p2 =	slt.u32 s8, $0xFFFFF086  }
0x1c: {  	p1 =	slt.u32 s9, $0xF7A;
	s5 =	simm.s32 @!p2 $0x0  }
0x1d: {  	s5 =	simm.s32 @p1 $0x1;
	p0 =	seq.s32 s7, s2  }
0x1e: {  	s7 =	smul.u32 @!p0 $0xF7A, s2;
	p2 =	seq.s32 @!p0 s5, $0x0  }
0x1f: {  	s9 =	smul.u32 $0xF7A, s1;
	s8 =	simm.s32 @!p0 $0x1BF5;
	p2 =	por !p2, p0  }
0x20: {  	[sflag:s8] =	ssyncset.s32 @!p0 $0xFFFFF086;
	s6 =	sadd.s32 @!p0 s3, s7;
	s7 =	simm.s32 @!p0 $0x108  }
0x21: {  	s3 =	sadd.s32 s3, s9;
	s6 =	sadd.s32 @!p0 $0x88, s6;
	s7 =	simm.s32 @p2 $0x1082  }
0x22: {  	[simem:s7], [sflag:s8] =	dma.local @!p0 [hbm:s6], $0xF7A  }
0x23: {  	s9 =	sor.u32 $0xD0000000, s2;
	s6 =	simm.s32 $0x108;
	_ =	swait.ge @!p0 [sflag:s8], $0x0  }
0x24: {  	s3 =	sadd.s32 $0x88, s3;
	s6 =	simm.s32 @!p1 $0x1082;
	[sflag:s4] =	ssyncset.s32 $0xFFFFF086  }
0x25: {  	[simem:s6], [sflag:s4] =	dma.local [hbm:s3], $0xF7A  }
0x26: {  	[smem:$0x3F99] =	sst s1;
	(tag) =	ssettag s2;
	_ =	strace s9  }
0x27: {  	s1 =	sld [smem:$0x3FA9]  }
0x28: {  	s2 =	sld [smem:$0x3FAA]  }
0x29: {  	s4 =	sld [smem:$0x3FAC]  }
0x2a: {  	p0 =	seq.s32 s5, $0x0;
	s5 =	sld [smem:$0x3FAD]  }
0x2b: {  	s6 =	sld [smem:$0x3FAE]  }
0x2c: {  	s7 =	sld [smem:$0x3FAF]  }
0x2d: {  	s3 =	simm.s32 $0x108;
	s8 =	sld [smem:$0x3FB0]  }
0x2e: {  	s3 =	simm.s32 @!p0 $0x1082;
	s9 =	sld [smem:$0x3FB1]  }
0x2f: {  	lr =	sadd.s32 s0, s3;
	s0 =	sld [smem:$0x3FA8]  }
0x30: {  	s3 =	sld [smem:$0x3FAB]  }
0x31: {  	[smem:$0x3FB4] =	sst s10  }
0x32: {  	s10 =	sld [smem:$0x3FB2];
	_ =	sdelay $0x3  }
0x33: {  	p0 =	seq.s32 s10, $0x1;
	s10 =	sld [smem:$0x3FB4];
	_ =	sdelay $0x3  }
0x34: {  	[smem:$0x3FB4] =	sst s10  }
0x35: {  	s10 =	sld [smem:$0x3FB3];
	_ =	sdelay $0x3  }
0x36: {  	p1 =	seq.s32 s10, $0x1;
	s10 =	sld [smem:$0x3FB4];
	_ =	sdelay $0x3  }
0x37: {  	[smem:$0x3FB4] =	sst s10  }
0x38: {  	s10 =	sld [smem:$0x3FB5]  }
0x39: {  	_ = 	snop;
	(pc) =	sbr.ind lr, $3  }
0x3a: {  	_ = 	snop  }
0x3b: {  	_ = 	snop  }
0x3c: {  	p2 =	seq.s32 s10, $0x1;
	s10 =	sld [smem:$0x3FB4]  }
0x3d: {  	_ =	shalt  }
0x3e: {  	_ =	shalt  }
0x3f: {  	_ =	shalt  }
0x40: {  	_ =	shalt  }
0x41: {  	_ =	shalt  }
0x42: {  	_ =	shalt  }
0x43: {  	_ =	shalt  }
0x44: {  	_ =	shalt  }
0x45: {  	_ =	shalt  }
0x46: {  	_ =	shalt  }
0x47: {  	_ =	shalt  }
0x48: {  	_ =	shalt  }
0x49: {  	_ =	shalt  }
0x4a: {  	_ =	shalt  }
0x4b: {  	_ =	shalt  }
0x4c: {  	_ =	shalt  }
0x4d: {  	_ =	shalt  }
0x4e: {  	_ =	shalt  }
0x4f: {  	_ =	shalt  }
0x50: {  	_ =	shalt  }
0x51: {  	_ =	shalt  }
0x52: {  	_ =	shalt  }
0x53: {  	_ =	shalt  }
0x54: {  	_ =	shalt  }
0x55: {  	_ =	shalt  }
0x56: {  	_ =	shalt  }
0x57: {  	_ =	shalt  }
0x58: {  	_ =	shalt  }
0x59: {  	_ =	shalt  }
0x5a: {  	_ =	shalt  }
0x5b: {  	_ =	shalt  }
0x5c: {  	_ =	shalt  }
0x5d: {  	_ =	shalt  }
0x5e: {  	_ =	shalt  }
0x5f: {  	_ =	shalt  }
0x60: {  	_ =	shalt  }
0x61: {  	_ =	shalt  }
0x62: {  	_ =	shalt  }
0x63: {  	_ =	shalt  }
0x64: {  	_ =	shalt  }
0x65: {  	_ =	shalt  }
0x66: {  	_ =	shalt  }
0x67: {  	_ =	shalt  }
0x68: {  	_ =	shalt  }
0x69: {  	_ =	shalt  }
0x6a: {  	_ =	shalt  }
0x6b: {  	_ =	shalt  }
0x6c: {  	_ =	shalt  }
0x6d: {  	_ =	shalt  }
0x6e: {  	_ =	shalt  }
0x6f: {  	_ =	shalt  }
0x70: {  	_ =	shalt  }
0x71: {  	_ =	shalt  }
0x72: {  	_ =	shalt  }
0x73: {  	_ =	shalt  }
0x74: {  	_ =	shalt  }
0x75: {  	_ =	shalt  }
0x76: {  	_ =	shalt  }
0x77: {  	_ =	shalt  }
0x78: {  	_ =	shalt  }
0x79: {  	_ =	shalt  }
0x7a: {  	_ =	shalt  }
0x7b: {  	_ =	shalt  }
0x7c: {  	_ =	shalt  }
0x7d: {  	_ =	shalt  }
0x7e: {  	_ =	shalt  }
0x7f: {  	_ =	shalt  }
0x80: {  	_ =	shalt  }
0x81: {  	_ =	shalt  }
0x82: {  	_ =	shalt  }
0x83: {  	_ =	shalt  }
0x84: {  	_ =	shalt  }
0x85: {  	_ =	shalt  }
0x86: {  	_ =	shalt  }
0x87: {  	_ =	shalt  }
.Lfunc_end0:
.L_simem_size_0:
called_computation_lowered:
.L_overlay_start_0:
0x88: {  	s2 =	sld [smem:$0x3FD9]  }
0x89: {  	s3 =	sld [smem:$0x3FFE];
	_ =	sdelay $0x1  }
0x8a: {  	s1 =	srdreg.scid  }
0x8b: {  	s0 =	sand.u32 $0x1, s1  }
0x8c: {  	s17 =	sshll.u32 s0, $0xA;
	s2 =	sadd.s32 s3, s2  }
0x8d: {  	s2 =	sadd.s32 s2, s17  }
0x8e: {  	[smem:$0x3FC0] =	sst s2  }
0x8f: {  	_ = 	snop  }
0x90: {  	s2 =	sld [smem:$0x3FD0];
	(tm) =	ssettm $0x1  }
0x91: {  	s18 =	sld [smem:$0x3FFB];
	_ =	sdelay $0x3  }
0x92: {  	_ =	strace s18  }
0x93: {  	s3 =	sld [smem:$0x3FFC];
	_ =	sdelay $0x3  }
0x94: {  	_ =	strace s3  }
0x95: {  	s3 =	sld [smem:$0x3FFD];
	_ =	sdelay $0x3  }
0x96: {  	_ =	strace s3  }
0x97: {  	_ =	strace $0x8FFFFFFF  }
0x98: {  	s19 =	sld [smem:$0x3FDB];
	_ =	sdelay $0x1  }
0x99: {  	s4 =	simm.s32 $_scs_section_size  }
0x9a: {  	s5 =	simm.s32 $_size__tile_overlayer_lowered;
	s6 =	simm.s32 $_tile_overlayer_lowered  }
0x9b: {  	s22 =	simm.s32 $0x1BFF;
	s21 =	sshll.u32 s6, $0x1;
	s3 =	sadd.s32 s4, s19  }
0x9c: {  	s7 =	simm.s32 $0x0;
	s20 =	sshll.u32 s5, $0x1;
	s5 =	sadd.s32 s21, s3  }
0x9d: {  	[timem:s7], [sflag:s22] =	dma.local [hbm:s5], s20  }
0x9e: {  	_ =	swait.ge [sflag:s22], s20  }
0x9f: {  	s4 =	ssub.s32 $0x0, s20;
	[sflag:s22] =	ssyncset.done $0x0  }
0xa0: {  	[sflag:s22] =	ssyncadd.s32 s4;
	_ =	sdelay $0x1  }
0xa1: {  	s23 =	simm.s32 $0x1B8B  }
0xa2: {  	_ =	swait.ge [sflag:s23], $0x1  }
0xa3: {  	[sflag:s23] =	ssyncset.done $0x0  }
0xa4: {  	s25 =	simm.s32 $0x1B8E;
	s24 =	sld [smem:$0x3FFE];
	[sflag:s23] =	ssyncadd.s32 $0xFFFFFFFF  }
0xa5: {  	s26 =	simm.s32 $execute0_lowered;
	[smem:$0x3FD2] =	sst s25  }
0xa6: {  	s5 =	sshll.u32 s26, $0x1;
	_ =	strace $0x80000046;
	[dreg:$0x1] =	wrdreg $0xFFFFFFFF  }
0xa7: {  	s28 =	simm.s32 $_size_execute0_lowered;
	s3 =	sadd.s32 s3, s5;
	[dreg:$0x0] =	wrdreg $0x0  }
0xa8: {  	s5 =	sshll.u32 s28, $0x1;
	[dreg:$0x2] =	wrdreg s3  }
0xa9: {  	[dreg:$0x3] =	wrdreg s5  }
0xaa: {  	[dreg:$0x4] =	wrdreg $0xC0  }
0xab: {  	_ =	task [dreg:s7], $0x5FFFF  }
0xac: {  	[dreg:$0x1] =	wrdreg $0xFFFFFFFF  }
0xad: {  	[dreg:$0x0] =	wrdreg $0x60  }
0xae: {  	[dreg:$0x2] =	wrdreg s24  }
0xaf: {  	[dreg:$0x3] =	wrdreg s2  }
0xb0: {  	[dreg:$0x4] =	wrdreg $0xB9000  }
0xb1: {  	[dreg:$0x5] =	wrdreg $0x9  }
0xb2: {  	_ =	task.clear_ibuf [dreg:s7], $0x6FFFF;
	_ =	strace $0x90000046  }
0xb3: {  	s29 =	simm.s32 $0x9;
	_ =	strace $0x80000048  }
0xb4: {  	_ =	swait.ge [sflag:s29], $0x1  }
0xb5: {  	[sflag:s29] =	ssyncadd.s32 $0xFFFFFFFF  }
0xb6: {  	_ =	strace $0x90000048  }
0xb7: {  	_ =	sfence  }
0xb8: {  	s30 =	sld [smem:$0x0];
	_ =	sdelay $0x2  }
0xb9: {  	s31 =	sshll.u32 s1, $0xD;
	s1 =	sshrl.u32 s1, $0x2  }
0xba: {  	s3 =	sand.u32 $0x4000, s31;
	s1 =	sadd.s32 s1, s30  }
0xbb: {  	s0 =	sor.u32 s3, s0;
	s1 =	sshll.u32 s1, $0x11  }
0xbc: {  	s0 =	sor.u32 s1, s0  }
0xbd: {  	s0 =	sadd.s32 $0x8F2B, s0  }
0xbe: {  	[sflag:s0] =	ssyncadd.remote.s32 $0x1  }
0xbf: {  	_ =	sfence.sel $0xFFFF  }
0xc0: {  	[dreg:$0x0] =	wrdreg $0xFFFFFFFF;
	(pc) =	sbr.abs _section_cstart, $3  }
0xc1: {  	[dreg:$0x1] =	wrdreg $0xFFFFFFFF  }
0xc2: {  	_ =	task.clear_ibuf [dreg:s7], $0x2FFFF;
	_ =	strace $0x9FFFFFFF  }
0xc3: {  	(tm) =	ssettm $0x7FFFFFFF  }
tec
execute0_lowered:
.L_overlay_start_1:
0x0: {  	(tag) =	ssettag $0x1  }
0x1: {  	s0 =	rddreg [dreg:$0x0]  }
0x2: {  	s1 =	rddreg [dreg:$0x1]  }
0x3: {  	s2 =	rddreg [dreg:$0x2];
	s14 =	simm.s32 $0x0;
	s3 =	srdreg.scid  }
0x4: {  	s12 =	stileid.u32;
	s31 =	simm.s32 $0x1900;
	s28 =	simm.s32 $0x0  }
0x5: {  	[smem:$0x7FF] =	sst s14;
	s3 =	sand.u32 $0x1, s3;
	s10 =	smul.u32 $0x14000, s12  }
0x6: {  	s7 =	sshrl.u32 s12, $0x3;
	s6 =	sadd.s32 $0x14C00, s0;
	s25 =	smul.u32 $0x50000, s12  }
0x7: {  	s11 =	sshll.u32 s12, $0x7;
	s8 =	sadd.s32 $0x1EA00, s0;
	s4 =	smul.u32 $0x140000, s3  }
0x8: {  	s12 =	sshll.u32 s12, $0x1;
	_ =	strace $0x80000047;
	s5 =	smul.u32 $0x28000, s3  }
0x9: {  	[dreg:$0x5] =	wrdreg s6;
	s6 =	sadd.s32 $0xAE00, s0;
	s9 =	smul.u32 $0x14000, s7  }
0xa: {  	s7 =	sadd.s32 $0x1000, s0;
	s4 =	sadd.s32 s10, s4;
	s10 =	sshrl.u32 s25, $0x2  }
0xb: {  	s11 =	sand.u32 $0x380, s11;
	s26 =	ssub.s32 $0x2, s3;
	s10 =	sadd.s32 s10, s2  }
0xc: {  	s3 =	sor.u32 s3, s12;
	s30 =	sadd.s32 $0x1400, s10;
	[dreg:$0x6] =	wrdreg s10  }
0xd: {  	s29 =	sshrl.u32 s26, $0x1;
	s12 =	sadd.s32 $0x2800, s10;
	[dreg:$0x7] =	wrdreg s30  }
0xe: {  	s5 =	sadd.s32 s5, s9;
	s13 =	sadd.s32 $0x3C00, s10;
	[dreg:$0x8] =	wrdreg s12  }
0xf: {  	s9 =	sadd.s32 $0x45C00, s0;
	s15 =	sadd.s32 $0x5000, s10;
	[dreg:$0x9] =	wrdreg s13  }
0x10: {  	s5 =	sor.u32 s11, s5;
	s16 =	sadd.s32 $0x6400, s10;
	[dreg:$0xa] =	wrdreg s15  }
0x11: {  	s4 =	sshrl.u32 s4, $0x3;
	s17 =	sadd.s32 $0x7800, s10;
	[dreg:$0xb] =	wrdreg s16  }
0x12: {  	s11 =	simm.s32 $0x1000;
	s18 =	sadd.s32 $0x8C00, s10;
	[dreg:$0xc] =	wrdreg s17  }
0x13: {  	s5 =	sshrl.u32 s5, $0x3;
	s19 =	sadd.s32 $0xA000, s10;
	[dreg:$0xd] =	wrdreg s18  }
0x14: {  	s4 =	sadd.s32 s4, s0;
	s20 =	sadd.s32 $0xB400, s10;
	[dreg:$0xe] =	wrdreg s19  }
0x15: {  	s21 =	sadd.s32 $0xC800, s10;
	s22 =	sadd.s32 $0xDC00, s10;
	[dreg:$0xf] =	wrdreg s20  }
0x16: {  	s25 =	sadd.s32 $0xF000, s10;
	s0 =	sadd.s32 s5, s0;
	[dreg:$0x10] =	wrdreg s21  }
0x17: {  	s5 =	ssub.s32 s26, s29;
	[dreg:$0x11] =	wrdreg s22;
	s22 =	smul.u32 $0x2710, s3  }
0x18: {  	s23 =	sadd.s32 $0x51C00, s4;
	[dreg:$0x15] =	wrdreg s25;
	s26 =	sadd.s32 $0x10400, s10  }
0x19: {  	s29 =	sadd.s32 $0x11800, s10;
	s30 =	sadd.s32 $0x12C00, s10;
	s15 =	simm.s32 $0x6  }
0x1a: {  	s3 =	simm.s32 $0x800;
	s12 =	simm.s32 $0x1;
	s13 =	simm.s32 $0x28  }
0x1b: {  	s16 =	simm.s32 $0x2;
	s17 =	simm.s32 $0x3;
	[dreg:$0x13] =	wrdreg s23  }
0x1c: {  	s18 =	simm.s32 $0x4;
	s19 =	simm.s32 $0x2D00;
	[dreg:$0x16] =	wrdreg s26  }
0x1d: {  	s20 =	simm.s32 $0x5500;
	s21 =	simm.s32 $0x7D00;
	[dreg:$0x17] =	wrdreg s29  }
0x1e: {  	s25 =	simm.s32 $0x5;
	s0 =	sadd.s32 $0x47C00, s0;
	[dreg:$0x18] =	wrdreg s30  }
0x1f: {  	s24 =	smax.u32 s5, $0x1;
	s23 =	simm.s32 $0x1800;
	[dreg:$0x12] =	wrdreg s0  }
0x20: {  	v0 =	vimm.f32 $0.0e+00;
	v1 =	vimm.f32 $1.000000000e+00;
	vm0 =	vcmask $0x3F20;
	s26 =	simm.s32 $0x1880;
	[dreg:$0x14] =	wrdreg s24;
	s24 =	simm.s32 $0x9100  }
.LBB2_1:
0x21: {  	s0 =	simm.s32 $0x0;
	s4 =	simm.s32 $0x200  }
.LBB2_2:
0x22: {  	p0 =	sne.s32 s4, $0x4E00;
	[tilespmem:s0+$0x1970] =	vst v0  }
0x23: {  	[tilespmem:s0+$0x1900] =	vst v0  }
0x24: {  	[tilespmem:s0+$0x1910] =	vst v0  }
.Ltmp0:
0x25: {  	[tilespmem:s0+$0x1920] =	vst v0;
	(pc) =	sbr.rel @p0 .LBB2_2-.Ltmp0, $4  }
0x26: {  	[tilespmem:s0+$0x1930] =	vst v0  }
0x27: {  	[tilespmem:s0+$0x1940] =	vst v0  }
0x28: {  	[tilespmem:s0+$0x1950] =	vst v0  }
0x29: {  	[tilespmem:s0+$0x1960] =	vst v0;
	s0 =	sshra.s32 s4, $0x2;
	s4 =	sadd.s32 $0x200, s4  }
0x2a: {  	[tilespmem:s0+$0x1970] =	vst v0  }
0x2b: {  	[tilespmem:s0+$0x1900] =	vst v0  }
0x2c: {  	[tilespmem:s0+$0x1910] =	vst v0  }
0x2d: {  	[tilespmem:s0+$0x1920] =	vst v0  }
0x2e: {  	[tilespmem:s0+$0x1930] =	vst v0  }
0x2f: {  	[tilespmem:s0+$0x1940] =	vst v0  }
0x30: {  	[tilespmem:s0+$0x1950] =	vst v0  }
0x31: {  	[dreg:$0x4] =	wrdreg s14;
	[tilespmem:s0+$0x1960] =	vst v0  }
0x32: {  	[spmem:s10] =	stream.linear.scatter [tilespmem:s31], [sflag:$0x6], $0x1400, $0x38;
	[tilespmem:$0x1F900] =	vst v63  }
0x33: {  	_ =	swait.ge [sflag:s15], $0x1400  }
0x34: {  	[sflag:s15] =	ssyncset.done $0x0  }
0x35: {  	s14 =	rddreg [dreg:$0x7];
	[sflag:s15] =	ssyncadd.s32 $0xFFFFEC00  }
0x36: {  	[spmem:s14] =	stream.linear.scatter [tilespmem:s31], [sflag:$0x6], $0x1400, $0x38;
	[tilespmem:$0x1F900] =	vst v63  }
0x37: {  	_ =	swait.ge [sflag:s15], $0x1400  }
0x38: {  	[sflag:s15] =	ssyncset.done $0x0  }
0x39: {  	s29 =	rddreg [dreg:$0x8];
	[sflag:s15] =	ssyncadd.s32 $0xFFFFEC00  }
0x3a: {  	[spmem:s29] =	stream.linear.scatter [tilespmem:s31], [sflag:$0x6], $0x1400, $0x38;
	[tilespmem:$0x1F900] =	vst v63  }
0x3b: {  	_ =	swait.ge [sflag:s15], $0x1400  }
0x3c: {  	[sflag:s15] =	ssyncset.done $0x0  }
0x3d: {  	s30 =	rddreg [dreg:$0x9];
	[sflag:s15] =	ssyncadd.s32 $0xFFFFEC00  }
0x3e: {  	[spmem:s30] =	stream.linear.scatter [tilespmem:s31], [sflag:$0x6], $0x1400, $0x38;
	[tilespmem:$0x1F900] =	vst v63  }
0x3f: {  	_ =	swait.ge [sflag:s15], $0x1400  }
0x40: {  	[sflag:s15] =	ssyncset.done $0x0  }
0x41: {  	s4 =	rddreg [dreg:$0xa];
	[sflag:s15] =	ssyncadd.s32 $0xFFFFEC00  }
0x42: {  	[spmem:s4] =	stream.linear.scatter [tilespmem:s31], [sflag:$0x6], $0x1400, $0x38;
	[tilespmem:$0x1F900] =	vst v63  }
0x43: {  	_ =	swait.ge [sflag:s15], $0x1400  }
0x44: {  	[sflag:s15] =	ssyncset.done $0x0  }
0x45: {  	s5 =	rddreg [dreg:$0xb];
	[sflag:s15] =	ssyncadd.s32 $0xFFFFEC00  }
0x46: {  	[spmem:s5] =	stream.linear.scatter [tilespmem:s31], [sflag:$0x6], $0x1400, $0x38;
	[tilespmem:$0x1F900] =	vst v63  }
0x47: {  	_ =	swait.ge [sflag:s15], $0x1400  }
0x48: {  	[sflag:s15] =	ssyncset.done $0x0  }
0x49: {  	s10 =	rddreg [dreg:$0xc];
	[sflag:s15] =	ssyncadd.s32 $0xFFFFEC00  }
0x4a: {  	[spmem:s10] =	stream.linear.scatter [tilespmem:s31], [sflag:$0x6], $0x1400, $0x38;
	[tilespmem:$0x1F900] =	vst v63  }
0x4b: {  	_ =	swait.ge [sflag:s15], $0x1400  }
0x4c: {  	[sflag:s15] =	ssyncset.done $0x0  }
0x4d: {  	s14 =	rddreg [dreg:$0xd];
	[sflag:s15] =	ssyncadd.s32 $0xFFFFEC00  }
0x4e: {  	[spmem:s14] =	stream.linear.scatter [tilespmem:s31], [sflag:$0x6], $0x1400, $0x38;
	[tilespmem:$0x1F900] =	vst v63  }
0x4f: {  	_ =	swait.ge [sflag:s15], $0x1400  }
0x50: {  	[sflag:s15] =	ssyncset.done $0x0  }
0x51: {  	s29 =	rddreg [dreg:$0xe];
	[sflag:s15] =	ssyncadd.s32 $0xFFFFEC00  }
0x52: {  	[spmem:s29] =	stream.linear.scatter [tilespmem:s31], [sflag:$0x6], $0x1400, $0x38;
	[tilespmem:$0x1F900] =	vst v63  }
0x53: {  	_ =	swait.ge [sflag:s15], $0x1400  }
0x54: {  	[sflag:s15] =	ssyncset.done $0x0  }
0x55: {  	s30 =	rddreg [dreg:$0xf];
	[sflag:s15] =	ssyncadd.s32 $0xFFFFEC00  }
0x56: {  	[spmem:s30] =	stream.linear.scatter [tilespmem:s31], [sflag:$0x6], $0x1400, $0x38;
	[tilespmem:$0x1F900] =	vst v63  }
0x57: {  	_ =	swait.ge [sflag:s15], $0x1400  }
0x58: {  	[sflag:s15] =	ssyncset.done $0x0  }
0x59: {  	s4 =	rddreg [dreg:$0x10];
	[sflag:s15] =	ssyncadd.s32 $0xFFFFEC00  }
0x5a: {  	[spmem:s4] =	stream.linear.scatter [tilespmem:s31], [sflag:$0x6], $0x1400, $0x38;
	[tilespmem:$0x1F900] =	vst v63  }
0x5b: {  	_ =	swait.ge [sflag:s15], $0x1400  }
0x5c: {  	[sflag:s15] =	ssyncset.done $0x0  }
0x5d: {  	s5 =	rddreg [dreg:$0x11];
	[sflag:s15] =	ssyncadd.s32 $0xFFFFEC00  }
0x5e: {  	[spmem:s5] =	stream.linear.scatter [tilespmem:s31], [sflag:$0x6], $0x1400, $0x38;
	[tilespmem:$0x1F900] =	vst v63  }
0x5f: {  	_ =	swait.ge [sflag:s15], $0x1400  }
0x60: {  	[sflag:s15] =	ssyncset.done $0x0  }
0x61: {  	s10 =	rddreg [dreg:$0x15];
	[sflag:s15] =	ssyncadd.s32 $0xFFFFEC00  }
0x62: {  	[spmem:s10] =	stream.linear.scatter [tilespmem:s31], [sflag:$0x6], $0x1400, $0x38;
	[tilespmem:$0x1F900] =	vst v63  }
0x63: {  	_ =	swait.ge [sflag:s15], $0x1400  }
0x64: {  	[sflag:s15] =	ssyncset.done $0x0  }
0x65: {  	s14 =	rddreg [dreg:$0x16];
	[sflag:s15] =	ssyncadd.s32 $0xFFFFEC00  }
0x66: {  	[spmem:s14] =	stream.linear.scatter [tilespmem:s31], [sflag:$0x6], $0x1400, $0x38;
	[tilespmem:$0x1F900] =	vst v63  }
0x67: {  	_ =	swait.ge [sflag:s15], $0x1400  }
0x68: {  	[sflag:s15] =	ssyncset.done $0x0  }
0x69: {  	s29 =	rddreg [dreg:$0x17];
	[sflag:s15] =	ssyncadd.s32 $0xFFFFEC00  }
0x6a: {  	[spmem:s29] =	stream.linear.scatter [tilespmem:s31], [sflag:$0x6], $0x1400, $0x38;
	[tilespmem:$0x1F900] =	vst v63  }
0x6b: {  	_ =	swait.ge [sflag:s15], $0x1400  }
0x6c: {  	[sflag:s15] =	ssyncset.done $0x0  }
0x6d: {  	s30 =	rddreg [dreg:$0x18];
	[sflag:s15] =	ssyncadd.s32 $0xFFFFEC00  }
0x6e: {  	[spmem:s30] =	stream.linear.scatter [tilespmem:s31], [sflag:$0x6], $0x1400, $0x38;
	[tilespmem:$0x1F900] =	vst v63  }
0x6f: {  	_ =	swait.ge [sflag:s15], $0x1400  }
0x70: {  	[sflag:s15] =	ssyncset.done $0x0  }
0x71: {  	s0 =	simm.s32 $0x40;
	s4 =	simm.s32 $0x0;
	[sflag:s15] =	ssyncadd.s32 $0xFFFFEC00  }
.LBB2_4:
0x72: {  	p0 =	sne.s32 s0, $0x9FC0;
	[tilespmem:s4+$0x9100] =	vst v0;
	s4 =	smov.u32 s0;
	s0 =	sadd.s32 $0x40, s0  }
.Ltmp1:
0x73: {  	(pc) =	sbr.rel @p0 .LBB2_4-.Ltmp1, $2  }
0x74: {  	_ =	sdelay $0x2  }
0x75: {  	s4 =	sshra.s32 s4, $0x2  }
0x76: {  	[tilespmem:s4+$0x9100] =	vst v0  }
0x77: {  	s29 =	simm.s32 $0x0;
	[bflag:$0x0] =	sbarrier.arrive $0xFFFF  }
.LBB2_6:
0x78: {  	s0 =	smul.u32 $0x7D0, s29;
	_ =	sdelay $0x1  }
0x79: {  	s0 =	sadd.s32 s22, s0  }
0x7a: {  	s4 =	rddreg [dreg:$0x5];
	s0 =	sshrl.u32 s0, $0x3  }
0x7b: {  	s4 =	sadd.s32 s4, s0  }
0x7c: {  	[tilespmem:s28], [sflag:$0x1] =	stream.linear.gather [hbm4b:s4+s28], $0x7D0, $0x38;
	[tilespmem:$0x1F900] =	vst v63  }
0x7d: {  	s10 =	sadd.s32 s6, s0  }
0x7e: {  	[tilespmem:s3], [sflag:$0x1] =	stream.linear.gather [hbm4b:s10+s28], $0x7D0, $0x38;
	[tilespmem:$0x1F900] =	vst v63  }
0x7f: {  	s0 =	sadd.s32 s7, s0  }
0x80: {  	[tilespmem:s11], [sflag:$0x1] =	stream.linear.gather [hbm4b:s0+s28], $0x7D0, $0x38;
	[tilespmem:$0x1F900] =	vst v63  }
0x81: {  	_ =	swait.ge [sflag:s12], $0x7D0  }
0x82: {  	[sflag:s12] =	ssyncset.done $0x0  }
0x83: {  	[sflag:s12] =	ssyncadd.s32 $0xFFFFF830  }
0x84: {  	_ =	swait.ge [sflag:s12], $0x7D0  }
0x85: {  	[sflag:s12] =	ssyncset.done $0x0  }
0x86: {  	[sflag:s12] =	ssyncadd.s32 $0xFFFFF830  }
0x87: {  	_ =	swait.ge [sflag:s12], $0x7D0  }
0x88: {  	[sflag:s12] =	ssyncset.done $0x0  }
0x89: {  	[sflag:s12] =	ssyncadd.s32 $0xFFFFF830  }
0x8a: {  	[tilespmem:s31], [sflag:$0x2] =	stream.indirect.gather [hbm4b:s1+s13], $0x80, s28, s13, $0xb8;
	[tilespmem:$0x1F900] =	vst v63  }
0x8b: {  	s14 =	simm.s32 $0x4100  }
0x8c: {  	[tilespmem:s14], [sflag:$0x3] =	stream.indirect.gather [hbm4b:s8+s13], $0x80, s3, s13, $0xb8;
	[tilespmem:$0x1F900] =	vst v63  }
0x8d: {  	s15 =	simm.s32 $0x6900;
	s30 =	simm.s32 $0x0  }
0x8e: {  	[tilespmem:s15], [sflag:$0x4] =	stream.indirect.gather [hbm4b:s9+s13], $0x80, s11, s13, $0xb8;
	[tilespmem:$0x1F900] =	vst v63  }
.LBB2_7:
0x8f: {  	_ =	swait.ge [sflag:s16], $0x1400  }
0x90: {  	[sflag:s16] =	ssyncset.done $0x0  }
0x91: {  	[sflag:s16] =	ssyncadd.s32 $0xFFFFEC00  }
0x92: {  	_ =	swait.ge [sflag:s17], $0x1400  }
0x93: {  	[sflag:s17] =	ssyncset.done $0x0  }
0x94: {  	[sflag:s17] =	ssyncadd.s32 $0xFFFFEC00  }
0x95: {  	_ =	swait.ge [sflag:s18], $0x1400  }
0x96: {  	p0 =	seq.s32 s30, $0x0;
	[sflag:s18] =	ssyncset.done $0x0  }
0x97: {  	s0 =	simm.s32 @!p0 $0x5;
	[sflag:s18] =	ssyncadd.s32 $0xFFFFEC00  }
0x98: {  	s4 =	smul.u32 $0x50, s30;
	_ =	swait.ge @!p0 [sflag:s0], $0x1400  }
0x99: {  	[sflag:s0] =	ssyncset.done @!p0 $0x0  }
0x9a: {  	s10 =	sadd.s32 $0x28, s4;
	[sflag:s0] =	ssyncadd.s32 @!p0 $0xFFFFEC00  }
0x9b: {  	[tilespmem:s19], [sflag:$0x2] =	stream.indirect.gather [hbm4b:s1+s13], $0x80, s10, s13, $0xb8;
	[tilespmem:$0x1F900] =	vst v63  }
0x9c: {  	s14 =	sadd.s32 $0x828, s4  }
0x9d: {  	[tilespmem:s20], [sflag:$0x3] =	stream.indirect.gather [hbm4b:s8+s13], $0x80, s14, s13, $0xb8;
	[tilespmem:$0x1F900] =	vst v63  }
0x9e: {  	s15 =	sadd.s32 $0x1028, s4  }
0x9f: {  	[tilespmem:s21], [sflag:$0x4] =	stream.indirect.gather [hbm4b:s9+s13], $0x80, s15, s13, $0xb8;
	[tilespmem:$0x1F900] =	vst v63  }
0xa0: {  	v2 =	vld [tilespmem:s4+$0x800];
	_ =	sdelay $0x4  }
0xa1: {  	[tilespmem:$0x1800] =	vst v2  }
0xa2: {  	v2 =	vld [tilespmem:s4+$0x810];
	_ =	sdelay $0x4  }
0xa3: {  	[tilespmem:$0x1810] =	vst v2  }
0xa4: {  	v2 =	vld [tilespmem:s4+$0x818];
	_ =	sdelay $0x4  }
0xa5: {  	s14 =	simm.s32 $0x0;
	[tilespmem:$0x1818] =	vst v2  }
0xa6: {  	v2 =	vld [tilespmem:s14+$0x4110]  }
0xa7: {  	v3 =	vld [tilespmem:s14+$0x1910];
	_ =	sdelay $0x1  }
0xa8: {  	v4 =	vld [tilespmem:s14+$0x6910]  }
0xa9: {  	v5 =	vld [tilespmem:s14+$0x4120]  }
0xaa: {  	v6 =	vld [tilespmem:s14+$0x1920]  }
0xab: {  	v2 =	vadd.f32 v2, v3  }
0xac: {  	v3 =	vld [tilespmem:s14+$0x6920]  }
0xad: {  	v7 =	vld [tilespmem:s14+$0x6950];
	v2 =	vadd.f32 v4, v2  }
0xae: {  	v8 =	vld [tilespmem:s14+$0x4150]  }
0xaf: {  	v9 =	vld [tilespmem:s14+$0x6940];
	v5 =	vadd.f32 v5, v6;
	v2 =	vadd.f32 v2, v2  }
0xb0: {  	v10 =	vld [tilespmem:s14+$0x1940]  }
0xb1: {  	v6 =	vld [tilespmem:s14+$0x1950];
	v3 =	vadd.f32 v3, v5;
	v2 =	vmul.f32 $1.442695020e+00, v2  }
0xb2: {  	v11 =	vld [tilespmem:s14+$0x1900]  }
0xb3: {  	v3 =	vadd.f32 v3, v3;
	(erf) = vpow2.f32 v2;
	v2 =	vld [tilespmem:s14+$0x4100]  }
0xb4: {  	v4 =	vld [tilespmem:s14+$0x4140]  }
0xb5: {  	v12 =	vld [tilespmem:s14+$0x6900];
	v3 =	vmul.f32 $1.442695020e+00, v3  }
0xb6: {  	v5 =	vld [tilespmem:s14+$0x4170];
	v6 =	vadd.f32 v8, v6  }
0xb7: {  	v8 =	vld [tilespmem:s14+$0x1970];
	(erf) = vpow2.f32 v3  }
0xb8: {  	v6 =	vadd.f32 v7, v6;
	v2 =	vadd.f32 v2, v11  }
0xb9: {  	v13 =	vld [tilespmem:s14+$0x6970];
	v4 =	vadd.f32 v4, v10  }
0xba: {  	v7 =	vld [tilespmem:s14+$0x1930];
	v6 =	vadd.f32 v6, v6;
	v2 =	vadd.f32 v12, v2  }
0xbb: {  	v4 =	vadd.f32 v9, v4;
	v3 =	vld [tilespmem:s14+$0x4130]  }
0xbc: {  	v60 =	vld [tilespmem:s14+$0x4160];
	v5 =	vadd.f32 v5, v8;
	v6 =	vmul.f32 $1.442695020e+00, v6;
	v61 =	vpop (erf);
	v2 =	vadd.f32 v2, v2  }
0xbd: {  	v62 =	vld [tilespmem:s14+$0x6930];
	v4 =	vadd.f32 v4, v4;
	v8 =	vadd.f32 $1.000000000e+00, v61  }
0xbe: {  	v63 =	vld [tilespmem:s14+$0x1960];
	v5 =	vadd.f32 v13, v5;
	(erf) = vpow2.f32 v6  }
0xbf: {  	v4 =	vmul.f32 $1.442695020e+00, v4;
	(erf) = vrcp.f32 v8  }
0xc0: {  	v5 =	vadd.f32 v5, v5;
	v6 =	vadd.f32 v3, v7;
	v7 =	vmul.f32 $1.442695020e+00, v2;
	v2 =	vpop (erf)  }
0xc1: {  	v3 =	vadd.f32 $1.000000000e+00, v2;
	v2 =	vld [tilespmem:s14+$0x6960]  }
0xc2: {  	v5 =	vmul.f32 $1.442695020e+00, v5;
	(erf) = vpow2.f32 v4  }
0xc3: {  	s0 =	simm.s32 $0x400;
	s15 =	simm.s32 $0x200;
	v6 =	vadd.f32 v62, v6;
	v4 =	vadd.f32 v60, v63;
	(erf) = vpow2.f32 v7  }
.LBB2_8:
0xc4: {  	p0 =	sne.s32 s0, $0x4E00  }
0xc5: {  	s5 =	sshra.s32 s15, $0x2;
	v7 =	vadd.f32 v6, v6;
	(erf) = vrcp.f32 v3;
	s15 =	smov.u32 s0;
	s0 =	sadd.s32 $0x200, s0  }
0xc6: {  	v3 =	vld [tilespmem:s5+$0x6950];
	v2 =	vadd.f32 v2, v4;
	(erf) = vpow2.f32 v5  }
0xc7: {  	v4 =	vld [tilespmem:s5+$0x6920];
	v5 =	vmul.f32 $1.442695020e+00, v7;
	v6 =	vpop (erf)  }
0xc8: {  	v7 =	vld [tilespmem:s5+$0x4140];
	v6 =	vadd.f32 $1.000000000e+00, v6;
	v2 =	vadd.f32 v2, v2;
	v8 =	vpop (erf)  }
0xc9: {  	v9 =	vld [tilespmem:s5+$0x4120];
	v10 =	vadd.f32 v8, v8;
	(erf) = vpow2.f32 v5  }
0xca: {  	v5 =	vld [tilespmem:s5+$0x4130];
	v2 =	vmul.f32 $1.442695020e+00, v2;
	(erf) = vrcp.f32 v6  }
0xcb: {  	v6 =	vsub.f32 $1.000000000e+00, v10  }
0xcc: {  	v8 =	vpop (erf);
	(erf) = vpow2.f32 v2  }
0xcd: {  	v2 =	vld [tilespmem:s5+$0x4110];
	[tilespmem:s14+$0x1910] =	vst v6;
	v12 =	vadd.f32 $1.000000000e+00, v8;
	v8 =	vpop (erf)  }
0xce: {  	v10 =	vld [tilespmem:s5+$0x1910];
	v8 =	vadd.f32 $1.000000000e+00, v8;
	v11 =	vpop (erf)  }
0xcf: {  	v13 =	vadd.f32 v11, v11;
	(erf) = vrcp.f32 v12;
	v6 =	vpop (erf)  }
0xd0: {  	v12 =	vld [tilespmem:s5+$0x6910];
	v6 =	vadd.f32 $1.000000000e+00, v6;
	(erf) = vrcp.f32 v8  }
0xd1: {  	v13 =	vsub.f32 $1.000000000e+00, v13  }
0xd2: {  	v11 =	vpop (erf);
	(erf) = vrcp.f32 v6  }
0xd3: {  	v2 =	vadd.f32 v2, v10;
	[tilespmem:s14+$0x1920] =	vst v13;
	v11 =	vadd.f32 $1.000000000e+00, v11;
	v8 =	vpop (erf)  }
0xd4: {  	v10 =	vld [tilespmem:s5+$0x1920];
	v8 =	vadd.f32 v8, v8  }
0xd5: {  	v2 =	vadd.f32 v12, v2;
	(erf) = vrcp.f32 v11;
	v6 =	vpop (erf)  }
0xd6: {  	v12 =	vsub.f32 $1.000000000e+00, v8;
	v6 =	vadd.f32 $1.000000000e+00, v6  }
0xd7: {  	v2 =	vadd.f32 v2, v2  }
0xd8: {  	v11 =	vld [tilespmem:s5+$0x4150];
	[tilespmem:s14+$0x1950] =	vst v12;
	v8 =	vpop (erf);
	(erf) = vrcp.f32 v6  }
0xd9: {  	v2 =	vmul.f32 $1.442695020e+00, v2;
	v6 =	vadd.f32 v9, v10;
	v9 =	vld [tilespmem:s5+$0x1950];
	v13 =	vadd.f32 v8, v8;
	v10 =	vpop (erf)  }
0xda: {  	v12 =	vld [tilespmem:s5+$0x6970];
	v10 =	vadd.f32 v10, v10  }
0xdb: {  	v4 =	vadd.f32 v4, v6;
	v6 =	vld [tilespmem:s5+$0x4170];
	(erf) = vpow2.f32 v2;
	v2 =	vsub.f32 $1.000000000e+00, v13;
	v8 =	vpop (erf)  }
0xdc: {  	v13 =	vld [tilespmem:s5+$0x6940];
	v15 =	vsub.f32 $1.000000000e+00, v10;
	v8 =	vadd.f32 v8, v8  }
0xdd: {  	v14 =	vld [tilespmem:s5+$0x4100];
	v4 =	vadd.f32 v4, v4;
	[tilespmem:s14+$0x1940] =	vst v2  }
0xde: {  	v2 =	vld [tilespmem:s5+$0x1940];
	v16 =	vadd.f32 v11, v9;
	[tilespmem:s14+$0x1900] =	vst v15;
	v8 =	vsub.f32 $1.000000000e+00, v8;
	v10 =	vpop (erf)  }
0xdf: {  	v11 =	vld [tilespmem:s5+$0x1900];
	v4 =	vmul.f32 $1.442695020e+00, v4;
	v10 =	vadd.f32 v10, v10  }
0xe0: {  	v15 =	vld [tilespmem:s5+$0x6900];
	v3 =	vadd.f32 v3, v16;
	[tilespmem:s14+$0x1970] =	vst v8  }
0xe1: {  	v8 =	vld [tilespmem:s5+$0x1970];
	(erf) = vpow2.f32 v4;
	v4 =	vsub.f32 $1.000000000e+00, v10;
	v9 =	vpop (erf)  }
0xe2: {  	v3 =	vadd.f32 v3, v3;
	v9 =	vadd.f32 v9, v9  }
0xe3: {  	v2 =	vadd.f32 v7, v2;
	[tilespmem:s14+$0x1930] =	vst v4  }
0xe4: {  	v4 =	vadd.f32 v14, v11;
	v7 =	vld [tilespmem:s5+$0x1930];
	v3 =	vmul.f32 $1.442695020e+00, v3;
	v10 =	vpop (erf);
	v9 =	vsub.f32 $1.000000000e+00, v9  }
0xe5: {  	v10 =	vadd.f32 $1.000000000e+00, v10;
	v2 =	vadd.f32 v13, v2;
	v11 =	vld [tilespmem:s5+$0x4160]  }
0xe6: {  	v4 =	vadd.f32 v15, v4;
	v13 =	vld [tilespmem:s5+$0x6930];
	v6 =	vadd.f32 v6, v8;
	(erf) = vpow2.f32 v3;
	[tilespmem:s14+$0x1960] =	vst v9;
	s14 =	smov.u32 s5  }
0xe7: {  	v14 =	vadd.f32 v2, v2;
	v8 =	vld [tilespmem:s14+$0x1960];
	(erf) = vrcp.f32 v10  }
.Ltmp2:
0xe8: {  	v4 =	vadd.f32 v4, v4;
	v2 =	vld [tilespmem:s14+$0x6960];
	v6 =	vadd.f32 v12, v6;
	(pc) =	sbr.rel @p0 .LBB2_8-.Ltmp2, $4  }
0xe9: {  	v5 =	vadd.f32 v5, v7;
	v7 =	vmul.f32 $1.442695020e+00, v14  }
0xea: {  	v9 =	vmul.f32 $1.442695020e+00, v4;
	v10 =	vadd.f32 v6, v6;
	v3 =	vpop (erf)  }
0xeb: {  	v3 =	vadd.f32 $1.000000000e+00, v3;
	v6 =	vadd.f32 v13, v5;
	(erf) = vpow2.f32 v7  }
0xec: {  	v4 =	vadd.f32 v11, v8;
	v5 =	vmul.f32 $1.442695020e+00, v10;
	(erf) = vpow2.f32 v9  }
0xed: {  	v6 =	vadd.f32 v6, v6;
	_ =	sdelay $0x1  }
0xee: {  	v2 =	vadd.f32 v2, v4;
	_ =	sdelay $0x1  }
0xef: {  	(erf) = vrcp.f32 v3;
	v3 =	vmul.f32 $1.442695020e+00, v6;
	v2 =	vadd.f32 v2, v2;
	v6 =	vpop (erf)  }
0xf0: {  	(erf) = vpow2.f32 v5;
	v5 =	vadd.f32 $1.000000000e+00, v6  }
0xf1: {  	s0 =	sshra.s32 s15, $0x2;
	(erf) = vpow2.f32 v3;
	v2 =	vmul.f32 $1.442695020e+00, v2  }
0xf2: {  	v7 =	vld [tilespmem:s0+$0x4140];
	v4 =	vpop (erf);
	(erf) = vrcp.f32 v5  }
0xf3: {  	v8 =	vld [tilespmem:s0+$0x4120];
	v4 =	vadd.f32 v4, v4;
	(erf) = vpow2.f32 v2  }
0xf4: {  	v9 =	vld [tilespmem:s0+$0x4130];
	v6 =	vpop (erf)  }
0xf5: {  	v3 =	vld [tilespmem:s0+$0x6950];
	v6 =	vadd.f32 $1.000000000e+00, v6;
	v4 =	vsub.f32 $1.000000000e+00, v4;
	v2 =	vpop (erf)  }
0xf6: {  	v5 =	vld [tilespmem:s0+$0x6920];
	v2 =	vadd.f32 $1.000000000e+00, v2  }
0xf7: {  	(erf) = vrcp.f32 v6;
	v6 =	vld [tilespmem:s0+$0x4110];
	[tilespmem:s14+$0x1910] =	vst v4  }
0xf8: {  	v10 =	vpop (erf);
	v4 =	vld [tilespmem:s0+$0x1910];
	(erf) = vrcp.f32 v2  }
0xf9: {  	v11 =	vpop (erf)  }
0xfa: {  	v2 =	vpop (erf)  }
0xfb: {  	v10 =	vadd.f32 v10, v10;
	v12 =	vpop (erf)  }
0xfc: {  	v11 =	vadd.f32 $1.000000000e+00, v11;
	v2 =	vadd.f32 $1.000000000e+00, v2;
	v47 =	vpop (erf)  }
0xfd: {  	v4 =	vadd.f32 v6, v4;
	v6 =	vadd.f32 $1.000000000e+00, v47  }
0xfe: {  	v10 =	vsub.f32 $1.000000000e+00, v10;
	(erf) = vrcp.f32 v11;
	v12 =	vadd.f32 v12, v12  }
0xff: {  	(erf) = vrcp.f32 v2  }
0x100: {  	v13 =	vld [tilespmem:s0+$0x6910];
	[tilespmem:s14+$0x1920] =	vst v10;
	v46 =	vsub.f32 $1.000000000e+00, v12;
	v48 =	vpop (erf)  }
0x101: {  	v10 =	vld [tilespmem:s0+$0x1920];
	(erf) = vrcp.f32 v6;
	v6 =	vpop (erf)  }
0x102: {  	v2 =	vld [tilespmem:s0+$0x4150];
	[tilespmem:s14+$0x1950] =	vst v46;
	v6 =	vadd.f32 v6, v6  }
0x103: {  	v11 =	vadd.f32 v48, v48;
	v49 =	vld [tilespmem:s0+$0x1950]  }
0x104: {  	v14 =	vld [tilespmem:s0+$0x6970];
	v6 =	vsub.f32 $1.000000000e+00, v6  }
0x105: {  	v4 =	vadd.f32 v13, v4;
	v50 =	vld [tilespmem:s0+$0x4170];
	v11 =	vsub.f32 $1.000000000e+00, v11  }
0x106: {  	v15 =	vld [tilespmem:s0+$0x6940]  }
0x107: {  	v4 =	vadd.f32 v4, v4;
	v16 =	vld [tilespmem:s0+$0x4100];
	[tilespmem:s14+$0x1940] =	vst v11;
	v51 =	vpop (erf)  }
0x108: {  	v8 =	vadd.f32 v8, v10;
	v11 =	vld [tilespmem:s0+$0x1940];
	[tilespmem:s14+$0x1900] =	vst v6;
	v6 =	vpop (erf)  }
0x109: {  	v4 =	vmul.f32 $1.442695020e+00, v4;
	v10 =	vadd.f32 v51, v51;
	v6 =	vadd.f32 v6, v6  }
0x10a: {  	v5 =	vadd.f32 v5, v8  }
0x10b: {  	(erf) = vpow2.f32 v4;
	v2 =	vadd.f32 v2, v49;
	v4 =	vsub.f32 $1.000000000e+00, v10  }
0x10c: {  	v5 =	vadd.f32 v5, v5;
	v8 =	vld [tilespmem:s0+$0x1900]  }
0x10d: {  	v52 =	vld [tilespmem:s0+$0x6900];
	v2 =	vadd.f32 v3, v2;
	[tilespmem:s14+$0x1970] =	vst v4;
	v4 =	vsub.f32 $1.000000000e+00, v6;
	v6 =	vpop (erf)  }
0x10e: {  	v5 =	vmul.f32 $1.442695020e+00, v5;
	v6 =	vadd.f32 v6, v6  }
0x10f: {  	v3 =	vld [tilespmem:s0+$0x1970];
	v2 =	vadd.f32 v2, v2;
	[tilespmem:s14+$0x1930] =	vst v4  }
0x110: {  	(erf) = vpow2.f32 v5;
	v4 =	vld [tilespmem:s0+$0x1930];
	v5 =	vsub.f32 $1.000000000e+00, v6  }
0x111: {  	v7 =	vadd.f32 v7, v11;
	v2 =	vmul.f32 $1.442695020e+00, v2;
	v53 =	vld [tilespmem:s0+$0x6930]  }
0x112: {  	v6 =	vld [tilespmem:s0+$0x4160];
	[tilespmem:s14+$0x1960] =	vst v5;
	v5 =	vadd.f32 v16, v8  }
0x113: {  	v7 =	vadd.f32 v15, v7;
	(erf) = vpow2.f32 v2;
	v2 =	vld [tilespmem:s0+$0x1960]  }
0x114: {  	v3 =	vadd.f32 v50, v3;
	v8 =	vpop (erf);
	v5 =	vadd.f32 v52, v5  }
0x115: {  	v8 =	vadd.f32 $1.000000000e+00, v8;
	v54 =	vld [tilespmem:s0+$0x6960];
	v4 =	vadd.f32 v9, v4  }
0x116: {  	v7 =	vadd.f32 v7, v7;
	v5 =	vadd.f32 v5, v5  }
0x117: {  	v3 =	vadd.f32 v14, v3;
	v4 =	vadd.f32 v53, v4  }
0x118: {  	v7 =	vmul.f32 $1.442695020e+00, v7;
	v2 =	vadd.f32 v6, v2;
	v5 =	vmul.f32 $1.442695020e+00, v5  }
0x119: {  	v3 =	vadd.f32 v3, v3;
	(erf) = vrcp.f32 v8;
	v8 =	vpop (erf);
	v4 =	vadd.f32 v4, v4  }
0x11a: {  	(erf) = vpow2.f32 v7;
	v6 =	vadd.f32 $1.000000000e+00, v8;
	v2 =	vadd.f32 v54, v2  }
0x11b: {  	v3 =	vmul.f32 $1.442695020e+00, v3;
	(erf) = vpow2.f32 v5  }
0x11c: {  	v4 =	vmul.f32 $1.442695020e+00, v4;
	(erf) = vrcp.f32 v6;
	v5 =	vpop (erf);
	v2 =	vadd.f32 v2, v2  }
0x11d: {  	(erf) = vpow2.f32 v3;
	v3 =	vadd.f32 $1.000000000e+00, v5  }
0x11e: {  	(erf) = vpow2.f32 v4;
	v2 =	vmul.f32 $1.442695020e+00, v2  }
0x11f: {  	(erf) = vrcp.f32 v3  }
0x120: {  	(erf) = vpow2.f32 v2;
	_ =	sdelay $0x1  }
0x121: {  	v2 =	vpop (erf)  }
0x122: {  	v3 =	vpop (erf)  }
0x123: {  	v4 =	vpop (erf)  }
0x124: {  	v5 =	vpop (erf)  }
0x125: {  	v3 =	vadd.f32 $1.000000000e+00, v3;
	v6 =	vpop (erf)  }
0x126: {  	v4 =	vadd.f32 $1.000000000e+00, v4;
	v7 =	vpop (erf)  }
0x127: {  	(erf) = vrcp.f32 v3;
	v3 =	vadd.f32 $1.000000000e+00, v6;
	v6 =	vpop (erf)  }
0x128: {  	(erf) = vrcp.f32 v4;
	v4 =	vadd.f32 $1.000000000e+00, v7;
	v7 =	vpop (erf)  }
0x129: {  	(erf) = vrcp.f32 v3;
	v3 =	vadd.f32 $1.000000000e+00, v7  }
0x12a: {  	(erf) = vrcp.f32 v4  }
0x12b: {  	(erf) = vrcp.f32 v3;
	_ =	sdelay $0x2  }
0x12c: {  	v2 =	vadd.f32 v2, v2  }
0x12d: {  	v3 =	vadd.f32 v5, v5  }
0x12e: {  	v2 =	vsub.f32 $1.000000000e+00, v2;
	v4 =	vadd.f32 v6, v6;
	v5 =	vpop (erf)  }
0x12f: {  	v3 =	vsub.f32 $1.000000000e+00, v3;
	v5 =	vadd.f32 v5, v5;
	v6 =	vpop (erf)  }
0x130: {  	[tilespmem:s0+$0x1910] =	vst v2;
	v2 =	vsub.f32 $1.000000000e+00, v4;
	v4 =	vadd.f32 v6, v6;
	v6 =	vpop (erf)  }
0x131: {  	[tilespmem:s0+$0x1920] =	vst v3;
	v3 =	vsub.f32 $1.000000000e+00, v5;
	v5 =	vadd.f32 v6, v6;
	v6 =	vpop (erf)  }
0x132: {  	[tilespmem:s0+$0x1950] =	vst v2;
	v2 =	vsub.f32 $1.000000000e+00, v4;
	v4 =	vadd.f32 v6, v6;
	v6 =	vpop (erf)  }
0x133: {  	[tilespmem:s0+$0x1940] =	vst v3;
	v3 =	vsub.f32 $1.000000000e+00, v5;
	v5 =	vadd.f32 v6, v6  }
0x134: {  	[tilespmem:s0+$0x1900] =	vst v2;
	v2 =	vsub.f32 $1.000000000e+00, v4  }
0x135: {  	[tilespmem:s0+$0x1970] =	vst v3;
	v3 =	vsub.f32 $1.000000000e+00, v5  }
0x136: {  	[tilespmem:s0+$0x1930] =	vst v2  }
0x137: {  	[tilespmem:s0+$0x1960] =	vst v3  }
0x138: {  	[spmem:s2] =	stream.indirect.scatter.add.f32 [tilespmem:s31], [sflag:$0x5], $0x80, s23, s13, $0xb8;
	[tilespmem:$0x1F900] =	vst v63  }
0x139: {  	v2 =	vld [tilespmem:$0x1800];
	_ =	sdelay $0x7  }
0x13a: {  	[tilespmem:v2+s24+$0x0] =	vst.idx.add.f32.msk $0xffff, v1  }
0x13b: {  	v2 =	vld [tilespmem:$0x1810];
	_ =	sdelay $0x7  }
0x13c: {  	[tilespmem:v2+s24+$0x0] =	vst.idx.add.f32.msk $0xffff, v1  }
0x13d: {  	v2 =	vld [tilespmem:$0x1818];
	_ =	sdelay $0x7  }
0x13e: {  	[tilespmem:v2+s24+$0x0] =	vst.idx.add.f32.msk vm0, v1  }
0x13f: {  	_ =	swait.ge [sflag:s16], $0x1400  }
0x140: {  	[sflag:s16] =	ssyncset.done $0x0  }
0x141: {  	[sflag:s16] =	ssyncadd.s32 $0xFFFFEC00  }
0x142: {  	_ =	swait.ge [sflag:s17], $0x1400  }
0x143: {  	[sflag:s17] =	ssyncset.done $0x0  }
0x144: {  	[sflag:s17] =	ssyncadd.s32 $0xFFFFEC00  }
0x145: {  	_ =	swait.ge [sflag:s18], $0x1400  }
0x146: {  	[sflag:s18] =	ssyncset.done $0x0  }
0x147: {  	[sflag:s18] =	ssyncadd.s32 $0xFFFFEC00  }
0x148: {  	p0 =	seq.s32 s30, $0x18;
	_ =	swait.ge [sflag:s25], $0x1400  }
0x149: {  	s5 =	simm.s32 @!p0 $0x28;
	[sflag:s25] =	ssyncset.done $0x0  }
0x14a: {  	s14 =	simm.s32 @!p0 $0x1900;
	s0 =	sadd.s32 @!p0 $0x50, s4;
	[sflag:s25] =	ssyncadd.s32 $0xFFFFEC00  }
0x14b: {  	[tilespmem:s14], [sflag:$0x2] =	stream.indirect.gather @!p0 [hbm4b:s1+s5], $0x80, s0, s5, $0xb8;
	[tilespmem:$0x1F900] =	vst v63  }
0x14c: {  	s0 =	sadd.s32 @!p0 $0x850, s4;
	s14 =	simm.s32 @!p0 $0x4100  }
0x14d: {  	[tilespmem:s14], [sflag:$0x3] =	stream.indirect.gather @!p0 [hbm4b:s8+s5], $0x80, s0, s5, $0xb8;
	[tilespmem:$0x1F900] =	vst v63  }
0x14e: {  	s0 =	sadd.s32 @!p0 $0x1050, s4;
	s4 =	simm.s32 @!p0 $0x6900  }
0x14f: {  	[tilespmem:s4], [sflag:$0x4] =	stream.indirect.gather @!p0 [hbm4b:s9+s5], $0x80, s0, s5, $0xb8;
	[tilespmem:$0x1F900] =	vst v63  }
0x150: {  	v2 =	vld [tilespmem:s10+$0x800];
	_ =	sdelay $0x4  }
0x151: {  	[tilespmem:$0x1880] =	vst v2  }
0x152: {  	v2 =	vld [tilespmem:s10+$0x810];
	_ =	sdelay $0x4  }
0x153: {  	[tilespmem:$0x1890] =	vst v2  }
0x154: {  	v2 =	vld [tilespmem:s10+$0x818];
	_ =	sdelay $0x4  }
0x155: {  	s4 =	simm.s32 $0x0;
	[tilespmem:$0x1898] =	vst v2  }
0x156: {  	v2 =	vld [tilespmem:s4+$0x5510]  }
0x157: {  	v3 =	vld [tilespmem:s4+$0x2D10];
	_ =	sdelay $0x1  }
0x158: {  	v4 =	vld [tilespmem:s4+$0x7D10]  }
0x159: {  	v5 =	vld [tilespmem:s4+$0x5520]  }
0x15a: {  	v6 =	vld [tilespmem:s4+$0x2D20]  }
0x15b: {  	v2 =	vadd.f32 v2, v3  }
0x15c: {  	v3 =	vld [tilespmem:s4+$0x7D20]  }
0x15d: {  	v7 =	vld [tilespmem:s4+$0x7D50];
	v2 =	vadd.f32 v4, v2  }
0x15e: {  	v8 =	vld [tilespmem:s4+$0x5550]  }
0x15f: {  	v55 =	vld [tilespmem:s4+$0x7D40];
	v5 =	vadd.f32 v5, v6;
	v2 =	vadd.f32 v2, v2  }
0x160: {  	v56 =	vld [tilespmem:s4+$0x2D40]  }
0x161: {  	v6 =	vld [tilespmem:s4+$0x2D50];
	v3 =	vadd.f32 v3, v5;
	v2 =	vmul.f32 $1.442695020e+00, v2  }
0x162: {  	v57 =	vld [tilespmem:s4+$0x2D00]  }
0x163: {  	v3 =	vadd.f32 v3, v3;
	(erf) = vpow2.f32 v2;
	v2 =	vld [tilespmem:s4+$0x5500]  }
0x164: {  	v4 =	vld [tilespmem:s4+$0x5540]  }
0x165: {  	v58 =	vld [tilespmem:s4+$0x7D00];
	v3 =	vmul.f32 $1.442695020e+00, v3  }
0x166: {  	v5 =	vld [tilespmem:s4+$0x5570];
	v6 =	vadd.f32 v8, v6  }
0x167: {  	v8 =	vld [tilespmem:s4+$0x2D70];
	(erf) = vpow2.f32 v3  }
0x168: {  	v6 =	vadd.f32 v7, v6;
	v2 =	vadd.f32 v2, v57  }
0x169: {  	v59 =	vld [tilespmem:s4+$0x7D70];
	v4 =	vadd.f32 v4, v56  }
0x16a: {  	v7 =	vld [tilespmem:s4+$0x2D30];
	v6 =	vadd.f32 v6, v6;
	v2 =	vadd.f32 v58, v2  }
0x16b: {  	v4 =	vadd.f32 v55, v4;
	v3 =	vld [tilespmem:s4+$0x5530]  }
0x16c: {  	v60 =	vld [tilespmem:s4+$0x5560];
	v5 =	vadd.f32 v5, v8;
	v6 =	vmul.f32 $1.442695020e+00, v6;
	v61 =	vpop (erf);
	v2 =	vadd.f32 v2, v2  }
0x16d: {  	v62 =	vld [tilespmem:s4+$0x7D30];
	v4 =	vadd.f32 v4, v4;
	v8 =	vadd.f32 $1.000000000e+00, v61  }
0x16e: {  	v63 =	vld [tilespmem:s4+$0x2D60];
	v5 =	vadd.f32 v59, v5;
	(erf) = vpow2.f32 v6  }
0x16f: {  	v4 =	vmul.f32 $1.442695020e+00, v4;
	(erf) = vrcp.f32 v8  }
0x170: {  	v5 =	vadd.f32 v5, v5;
	v6 =	vadd.f32 v3, v7;
	v7 =	vmul.f32 $1.442695020e+00, v2;
	v2 =	vpop (erf)  }
0x171: {  	v3 =	vadd.f32 $1.000000000e+00, v2;
	v2 =	vld [tilespmem:s4+$0x7D60]  }
0x172: {  	v5 =	vmul.f32 $1.442695020e+00, v5;
	(erf) = vpow2.f32 v4  }
0x173: {  	s0 =	simm.s32 $0x400;
	s10 =	simm.s32 $0x200;
	v6 =	vadd.f32 v62, v6;
	v4 =	vadd.f32 v60, v63;
	(erf) = vpow2.f32 v7  }
.LBB2_10:
0x174: {  	p0 =	sne.s32 s0, $0x4E00  }
0x175: {  	s5 =	sshra.s32 s10, $0x2;
	v7 =	vadd.f32 v6, v6;
	(erf) = vrcp.f32 v3;
	s10 =	smov.u32 s0;
	s0 =	sadd.s32 $0x200, s0  }
0x176: {  	v3 =	vld [tilespmem:s5+$0x7D50];
	v2 =	vadd.f32 v2, v4;
	(erf) = vpow2.f32 v5  }
0x177: {  	v4 =	vld [tilespmem:s5+$0x7D20];
	v5 =	vmul.f32 $1.442695020e+00, v7;
	v6 =	vpop (erf)  }
0x178: {  	v7 =	vld [tilespmem:s5+$0x5540];
	v6 =	vadd.f32 $1.000000000e+00, v6;
	v2 =	vadd.f32 v2, v2;
	v8 =	vpop (erf)  }
0x179: {  	v9 =	vld [tilespmem:s5+$0x5520];
	v10 =	vadd.f32 v8, v8;
	(erf) = vpow2.f32 v5  }
0x17a: {  	v5 =	vld [tilespmem:s5+$0x5530];
	v2 =	vmul.f32 $1.442695020e+00, v2;
	(erf) = vrcp.f32 v6  }
0x17b: {  	v6 =	vsub.f32 $1.000000000e+00, v10  }
0x17c: {  	v8 =	vpop (erf);
	(erf) = vpow2.f32 v2  }
0x17d: {  	v2 =	vld [tilespmem:s5+$0x5510];
	[tilespmem:s4+$0x2D10] =	vst v6;
	v12 =	vadd.f32 $1.000000000e+00, v8;
	v8 =	vpop (erf)  }
0x17e: {  	v10 =	vld [tilespmem:s5+$0x2D10];
	v8 =	vadd.f32 $1.000000000e+00, v8;
	v11 =	vpop (erf)  }
0x17f: {  	v13 =	vadd.f32 v11, v11;
	(erf) = vrcp.f32 v12;
	v6 =	vpop (erf)  }
0x180: {  	v12 =	vld [tilespmem:s5+$0x7D10];
	v6 =	vadd.f32 $1.000000000e+00, v6;
	(erf) = vrcp.f32 v8  }
0x181: {  	v13 =	vsub.f32 $1.000000000e+00, v13  }
0x182: {  	v11 =	vpop (erf);
	(erf) = vrcp.f32 v6  }
0x183: {  	v2 =	vadd.f32 v2, v10;
	[tilespmem:s4+$0x2D20] =	vst v13;
	v11 =	vadd.f32 $1.000000000e+00, v11;
	v8 =	vpop (erf)  }
0x184: {  	v10 =	vld [tilespmem:s5+$0x2D20];
	v8 =	vadd.f32 v8, v8  }
0x185: {  	v2 =	vadd.f32 v12, v2;
	(erf) = vrcp.f32 v11;
	v6 =	vpop (erf)  }
0x186: {  	v12 =	vsub.f32 $1.000000000e+00, v8;
	v6 =	vadd.f32 $1.000000000e+00, v6  }
0x187: {  	v2 =	vadd.f32 v2, v2  }
0x188: {  	v11 =	vld [tilespmem:s5+$0x5550];
	[tilespmem:s4+$0x2D50] =	vst v12;
	v8 =	vpop (erf);
	(erf) = vrcp.f32 v6  }
0x189: {  	v2 =	vmul.f32 $1.442695020e+00, v2;
	v6 =	vadd.f32 v9, v10;
	v9 =	vld [tilespmem:s5+$0x2D50];
	v13 =	vadd.f32 v8, v8;
	v10 =	vpop (erf)  }
0x18a: {  	v12 =	vld [tilespmem:s5+$0x7D70];
	v10 =	vadd.f32 v10, v10  }
0x18b: {  	v4 =	vadd.f32 v4, v6;
	v6 =	vld [tilespmem:s5+$0x5570];
	(erf) = vpow2.f32 v2;
	v2 =	vsub.f32 $1.000000000e+00, v13;
	v8 =	vpop (erf)  }
0x18c: {  	v13 =	vld [tilespmem:s5+$0x7D40];
	v15 =	vsub.f32 $1.000000000e+00, v10;
	v8 =	vadd.f32 v8, v8  }
0x18d: {  	v14 =	vld [tilespmem:s5+$0x5500];
	v4 =	vadd.f32 v4, v4;
	[tilespmem:s4+$0x2D40] =	vst v2  }
0x18e: {  	v2 =	vld [tilespmem:s5+$0x2D40];
	v16 =	vadd.f32 v11, v9;
	[tilespmem:s4+$0x2D00] =	vst v15;
	v8 =	vsub.f32 $1.000000000e+00, v8;
	v10 =	vpop (erf)  }
0x18f: {  	v11 =	vld [tilespmem:s5+$0x2D00];
	v4 =	vmul.f32 $1.442695020e+00, v4;
	v10 =	vadd.f32 v10, v10  }
0x190: {  	v15 =	vld [tilespmem:s5+$0x7D00];
	v3 =	vadd.f32 v3, v16;
	[tilespmem:s4+$0x2D70] =	vst v8  }
0x191: {  	v8 =	vld [tilespmem:s5+$0x2D70];
	(erf) = vpow2.f32 v4;
	v4 =	vsub.f32 $1.000000000e+00, v10;
	v9 =	vpop (erf)  }
0x192: {  	v3 =	vadd.f32 v3, v3;
	v9 =	vadd.f32 v9, v9  }
0x193: {  	v2 =	vadd.f32 v7, v2;
	[tilespmem:s4+$0x2D30] =	vst v4  }
0x194: {  	v4 =	vadd.f32 v14, v11;
	v7 =	vld [tilespmem:s5+$0x2D30];
	v3 =	vmul.f32 $1.442695020e+00, v3;
	v10 =	vpop (erf);
	v9 =	vsub.f32 $1.000000000e+00, v9  }
0x195: {  	v10 =	vadd.f32 $1.000000000e+00, v10;
	v2 =	vadd.f32 v13, v2;
	v11 =	vld [tilespmem:s5+$0x5560]  }
0x196: {  	v4 =	vadd.f32 v15, v4;
	v13 =	vld [tilespmem:s5+$0x7D30];
	v6 =	vadd.f32 v6, v8;
	(erf) = vpow2.f32 v3;
	[tilespmem:s4+$0x2D60] =	vst v9;
	s4 =	smov.u32 s5  }
0x197: {  	v14 =	vadd.f32 v2, v2;
	v8 =	vld [tilespmem:s4+$0x2D60];
	(erf) = vrcp.f32 v10  }
.Ltmp3:
0x198: {  	v4 =	vadd.f32 v4, v4;
	v2 =	vld [tilespmem:s4+$0x7D60];
	v6 =	vadd.f32 v12, v6;
	(pc) =	sbr.rel @p0 .LBB2_10-.Ltmp3, $4  }
0x199: {  	v5 =	vadd.f32 v5, v7;
	v7 =	vmul.f32 $1.442695020e+00, v14  }
0x19a: {  	v9 =	vmul.f32 $1.442695020e+00, v4;
	v10 =	vadd.f32 v6, v6;
	v3 =	vpop (erf)  }
0x19b: {  	v3 =	vadd.f32 $1.000000000e+00, v3;
	v6 =	vadd.f32 v13, v5;
	(erf) = vpow2.f32 v7  }
0x19c: {  	v4 =	vadd.f32 v11, v8;
	v5 =	vmul.f32 $1.442695020e+00, v10;
	(erf) = vpow2.f32 v9  }
0x19d: {  	_ = 	snop  }
0x19e: {  	v6 =	vadd.f32 v6, v6;
	v2 =	vadd.f32 v2, v4  }
0x19f: {  	(erf) = vrcp.f32 v3  }
0x1a0: {  	v3 =	vmul.f32 $1.442695020e+00, v6;
	v2 =	vadd.f32 v2, v2  }
0x1a1: {  	(erf) = vpow2.f32 v5;
	v18 =	vpop (erf)  }
0x1a2: {  	s0 =	sshra.s32 s10, $0x2;
	v19 =	vadd.f32 $1.000000000e+00, v18;
	(erf) = vpow2.f32 v3;
	v2 =	vmul.f32 $1.442695020e+00, v2  }
0x1a3: {  	v21 =	vld [tilespmem:s0+$0x7D20];
	v20 =	vpop (erf)  }
0x1a4: {  	v7 =	vld [tilespmem:s0+$0x5540];
	v4 =	vadd.f32 v20, v20;
	(erf) = vrcp.f32 v19  }
0x1a5: {  	v8 =	vld [tilespmem:s0+$0x5520];
	v22 =	vpop (erf);
	(erf) = vpow2.f32 v2  }
0x1a6: {  	v9 =	vld [tilespmem:s0+$0x5530];
	v4 =	vsub.f32 $1.000000000e+00, v4;
	v2 =	vpop (erf)  }
0x1a7: {  	v23 =	vld [tilespmem:s0+$0x5510];
	v6 =	vadd.f32 $1.000000000e+00, v22;
	v2 =	vadd.f32 $1.000000000e+00, v2  }
0x1a8: {  	v3 =	vld [tilespmem:s0+$0x7D50];
	[tilespmem:s4+$0x2D10] =	vst v4;
	v10 =	vpop (erf)  }
0x1a9: {  	v4 =	vld [tilespmem:s0+$0x2D10];
	(erf) = vrcp.f32 v6;
	v10 =	vadd.f32 v10, v10  }
0x1aa: {  	v11 =	vpop (erf);
	(erf) = vrcp.f32 v2  }
0x1ab: {  	v13 =	vld [tilespmem:s0+$0x7D10];
	v11 =	vadd.f32 $1.000000000e+00, v11;
	v10 =	vsub.f32 $1.000000000e+00, v10;
	v2 =	vpop (erf)  }
0x1ac: {  	v2 =	vadd.f32 $1.000000000e+00, v2  }
0x1ad: {  	v12 =	vpop (erf);
	(erf) = vrcp.f32 v11;
	[tilespmem:s4+$0x2D20] =	vst v10  }
0x1ae: {  	v4 =	vadd.f32 v23, v4;
	v12 =	vadd.f32 v12, v12;
	v10 =	vld [tilespmem:s0+$0x2D20];
	v25 =	vpop (erf);
	(erf) = vrcp.f32 v2  }
0x1af: {  	v26 =	vadd.f32 $1.000000000e+00, v25  }
0x1b0: {  	v4 =	vadd.f32 v13, v4;
	v24 =	vsub.f32 $1.000000000e+00, v12  }
0x1b1: {  	(erf) = vrcp.f32 v26  }
0x1b2: {  	v2 =	vld [tilespmem:s0+$0x5550];
	v4 =	vadd.f32 v4, v4;
	v27 =	vpop (erf);
	[tilespmem:s4+$0x2D50] =	vst v24  }
0x1b3: {  	v11 =	vadd.f32 v27, v27;
	v28 =	vld [tilespmem:s0+$0x2D50];
	v29 =	vpop (erf);
	v8 =	vadd.f32 v8, v10  }
0x1b4: {  	v14 =	vld [tilespmem:s0+$0x7D70];
	v6 =	vadd.f32 v29, v29  }
0x1b5: {  	v4 =	vmul.f32 $1.442695020e+00, v4;
	v30 =	vld [tilespmem:s0+$0x5570];
	v11 =	vsub.f32 $1.000000000e+00, v11;
	v5 =	vadd.f32 v21, v8  }
0x1b6: {  	v15 =	vld [tilespmem:s0+$0x7D40];
	v31 =	vpop (erf);
	v6 =	vsub.f32 $1.000000000e+00, v6  }
0x1b7: {  	v16 =	vld [tilespmem:s0+$0x5500];
	(erf) = vpow2.f32 v4;
	[tilespmem:s4+$0x2D40] =	vst v11;
	v10 =	vadd.f32 v31, v31;
	v5 =	vadd.f32 v5, v5;
	v32 =	vpop (erf)  }
0x1b8: {  	v11 =	vld [tilespmem:s0+$0x2D40];
	[tilespmem:s4+$0x2D00] =	vst v6;
	v2 =	vadd.f32 v2, v28;
	v6 =	vadd.f32 v32, v32  }
0x1b9: {  	v33 =	vsub.f32 $1.000000000e+00, v10  }
0x1ba: {  	v34 =	vld [tilespmem:s0+$0x2D00];
	v5 =	vmul.f32 $1.442695020e+00, v5;
	v2 =	vadd.f32 v3, v2;
	v37 =	vpop (erf);
	v36 =	vsub.f32 $1.000000000e+00, v6  }
0x1bb: {  	v35 =	vld [tilespmem:s0+$0x7D00];
	[tilespmem:s4+$0x2D70] =	vst v33;
	v6 =	vadd.f32 v37, v37  }
0x1bc: {  	(erf) = vpow2.f32 v5;
	v3 =	vld [tilespmem:s0+$0x2D70];
	v2 =	vadd.f32 v2, v2;
	[tilespmem:s4+$0x2D30] =	vst v36  }
0x1bd: {  	v38 =	vsub.f32 $1.000000000e+00, v6;
	v4 =	vld [tilespmem:s0+$0x2D30]  }
0x1be: {  	v39 =	vld [tilespmem:s0+$0x5560];
	v2 =	vmul.f32 $1.442695020e+00, v2  }
0x1bf: {  	v7 =	vadd.f32 v7, v11;
	v40 =	vld [tilespmem:s0+$0x7D30];
	[tilespmem:s4+$0x2D60] =	vst v38  }
0x1c0: {  	v42 =	vpop (erf);
	v41 =	vadd.f32 v16, v34;
	(erf) = vpow2.f32 v2;
	v2 =	vld [tilespmem:s0+$0x2D60]  }
0x1c1: {  	v8 =	vadd.f32 $1.000000000e+00, v42;
	v7 =	vadd.f32 v15, v7  }
0x1c2: {  	v5 =	vadd.f32 v35, v41;
	v43 =	vld [tilespmem:s0+$0x7D60];
	v3 =	vadd.f32 v30, v3  }
0x1c3: {  	v7 =	vadd.f32 v7, v7;
	v4 =	vadd.f32 v9, v4  }
0x1c4: {  	(erf) = vrcp.f32 v8;
	v5 =	vadd.f32 v5, v5;
	v3 =	vadd.f32 v14, v3  }
0x1c5: {  	v7 =	vmul.f32 $1.442695020e+00, v7;
	v44 =	vpop (erf);
	v4 =	vadd.f32 v40, v4;
	v2 =	vadd.f32 v39, v2  }
0x1c6: {  	v5 =	vmul.f32 $1.442695020e+00, v5;
	v3 =	vadd.f32 v3, v3;
	v45 =	vadd.f32 $1.000000000e+00, v44  }
0x1c7: {  	(erf) = vpow2.f32 v7;
	v4 =	vadd.f32 v4, v4;
	v2 =	vadd.f32 v43, v2  }
0x1c8: {  	(erf) = vpow2.f32 v5;
	v3 =	vmul.f32 $1.442695020e+00, v3  }
0x1c9: {  	(erf) = vrcp.f32 v45;
	v4 =	vmul.f32 $1.442695020e+00, v4;
	v46 =	vpop (erf);
	v2 =	vadd.f32 v2, v2  }
0x1ca: {  	(erf) = vpow2.f32 v3;
	v3 =	vadd.f32 $1.000000000e+00, v46  }
0x1cb: {  	(erf) = vpow2.f32 v4;
	v2 =	vmul.f32 $1.442695020e+00, v2  }
0x1cc: {  	(erf) = vrcp.f32 v3  }
0x1cd: {  	(erf) = vpow2.f32 v2;
	_ =	sdelay $0x1  }
0x1ce: {  	v2 =	vpop (erf)  }
0x1cf: {  	v3 =	vpop (erf)  }
0x1d0: {  	v47 =	vpop (erf)  }
0x1d1: {  	v48 =	vpop (erf)  }
0x1d2: {  	v3 =	vadd.f32 $1.000000000e+00, v3;
	v49 =	vpop (erf)  }
0x1d3: {  	v4 =	vadd.f32 $1.000000000e+00, v47;
	v50 =	vpop (erf)  }
0x1d4: {  	(erf) = vrcp.f32 v3;
	v3 =	vadd.f32 $1.000000000e+00, v49;
	v51 =	vpop (erf)  }
0x1d5: {  	(erf) = vrcp.f32 v4;
	v52 =	vadd.f32 $1.000000000e+00, v50;
	v53 =	vpop (erf)  }
0x1d6: {  	(erf) = vrcp.f32 v3;
	v3 =	vadd.f32 $1.000000000e+00, v53  }
0x1d7: {  	(erf) = vrcp.f32 v52  }
0x1d8: {  	(erf) = vrcp.f32 v3;
	_ =	sdelay $0x2  }
0x1d9: {  	v2 =	vadd.f32 v2, v2  }
0x1da: {  	v3 =	vadd.f32 v48, v48  }
0x1db: {  	v2 =	vsub.f32 $1.000000000e+00, v2;
	v54 =	vadd.f32 v51, v51;
	v55 =	vpop (erf)  }
0x1dc: {  	v3 =	vsub.f32 $1.000000000e+00, v3;
	v5 =	vadd.f32 v55, v55;
	v56 =	vpop (erf)  }
0x1dd: {  	[tilespmem:s0+$0x2D10] =	vst v2;
	v2 =	vsub.f32 $1.000000000e+00, v54;
	v57 =	vadd.f32 v56, v56;
	v58 =	vpop (erf)  }
0x1de: {  	[tilespmem:s0+$0x2D20] =	vst v3;
	v3 =	vsub.f32 $1.000000000e+00, v5;
	v59 =	vadd.f32 v58, v58;
	v60 =	vpop (erf)  }
0x1df: {  	[tilespmem:s0+$0x2D50] =	vst v2;
	v2 =	vsub.f32 $1.000000000e+00, v57;
	v61 =	vadd.f32 v60, v60;
	v62 =	vpop (erf)  }
0x1e0: {  	[tilespmem:s0+$0x2D40] =	vst v3;
	v3 =	vsub.f32 $1.000000000e+00, v59;
	v63 =	vadd.f32 v62, v62  }
0x1e1: {  	[tilespmem:s0+$0x2D00] =	vst v2;
	v2 =	vsub.f32 $1.000000000e+00, v61  }
0x1e2: {  	[tilespmem:s0+$0x2D70] =	vst v3;
	v3 =	vsub.f32 $1.000000000e+00, v63  }
0x1e3: {  	[tilespmem:s0+$0x2D30] =	vst v2  }
0x1e4: {  	[tilespmem:s0+$0x2D60] =	vst v3  }
0x1e5: {  	[spmem:s2] =	stream.indirect.scatter.add.f32 [tilespmem:s19], [sflag:$0x5], $0x80, s26, s13, $0xb8;
	[tilespmem:$0x1F900] =	vst v63  }
0x1e6: {  	v2 =	vld [tilespmem:$0x1880];
	_ =	sdelay $0x7  }
0x1e7: {  	[tilespmem:v2+s24+$0x0] =	vst.idx.add.f32.msk $0xffff, v1  }
0x1e8: {  	v2 =	vld [tilespmem:$0x1890];
	_ =	sdelay $0x7  }
0x1e9: {  	[tilespmem:v2+s24+$0x0] =	vst.idx.add.f32.msk $0xffff, v1  }
0x1ea: {  	v2 =	vld [tilespmem:$0x1898];
	_ =	sdelay $0x1  }
0x1eb: {  	s30 =	sadd.s32 $0x1, s30  }
0x1ec: {  	p0 =	sne.s32 s30, $0x19  }
.Ltmp4:
0x1ed: {  	_ = 	snop;
	(pc) =	sbr.rel @p0 .LBB2_7-.Ltmp4, $2  }
0x1ee: {  	_ =	sdelay $0x2  }
0x1ef: {  	[tilespmem:v2+s24+$0x0] =	vst.idx.add.f32.msk vm0, v1  }
0x1f0: {  	s29 =	sadd.s32 $0x1, s29  }
0x1f1: {  	p0 =	sne.s32 s29, $0x5  }
.Ltmp5:
0x1f2: {  	_ = 	snop;
	(pc) =	sbr.rel @p0 .LBB2_6-.Ltmp5, $4  }
0x1f3: {  	_ = 	snop  }
0x1f4: {  	_ =	swait.ge [sflag:s25], $0x1400  }
0x1f5: {  	[sflag:s25] =	ssyncset.done $0x0  }
0x1f6: {  	[sflag:s25] =	ssyncadd.s32 $0xFFFFEC00  }
0x1f7: {  	s0 =	rddreg [dreg:$0x12]  }
0x1f8: {  	s4 =	simm.s32 $0x80;
	s5 =	simm.s32 $0x400;
	s15 =	simm.s32 $0x6  }
0x1f9: {  	[hbm4b:s0+s4] =	stream.strided.scatter [tilespmem:s24], [sflag:$0x6], $0x2800, s5, s4, $0x38;
	[tilespmem:$0x1F900] =	vst v63  }
0x1fa: {  	_ =	swait.ge [sflag:s15], $0x2800  }
0x1fb: {  	[sflag:s15] =	ssyncset.done $0x0  }
0x1fc: {  	[sflag:s15] =	ssyncadd.s32 $0xFFFFD800  }
0x1fd: {  	s10 =	stileid.u32;
	[bflag:$0x0] =	sbarrier.arrive $0xFFFF  }
0x1fe: {  	s0 =	sshll.u32 s10, $0x6;
	s10 =	rddreg [dreg:$0x6]  }
0x1ff: {  	s0 =	sor.u32 $0x1C06, s0;
	s29 =	rddreg [dreg:$0x13];
	s14 =	sshrl.u32 s10, $0x3  }
0x200: {  	[hbm:s29], [sflag:s0] =	dma.local [spmem:s14], $0x2800  }
0x201: {  	_ =	swait.ge [sflag:s15], $0x2800  }
0x202: {  	s14 =	rddreg [dreg:$0x4]  }
0x203: {  	s30 =	rddreg [dreg:$0x14];
	s14 =	sadd.s32 $0x1, s14  }
0x204: {  	p0 =	sne.s32 s14, s30  }
.Ltmp6:
0x205: {  	_ = 	snop;
	(pc) =	sbr.rel @p0 .LBB2_1-.Ltmp6, $3  }
0x206: {  	_ =	sdelay $0x1  }
0x207: {  	[sflag:s15] =	ssyncset.done $0x0  }
0x208: {  	[sflag:s15] =	ssyncadd.s32 $0xFFFFD800  }
0x209: {  	_ =	sfence.sel $0x180000  }
0x20a: {  	[bflag:$0x0] =	sbarrier.arrive $0xFFFF  }
0x20b: {  	_ =	strace $0x90000047  }
0x20c: {  	s0 =	stileid.u32;
	[bflag:$0x2] =	sbarrier.arrive $0xFFFF  }
0x20d: {  	p0 =	sne.s32 s0, $0x0;
	s0 =	rddreg [dreg:$0x3]  }
0x20e: {  	s0 =	sadd.s32 @!p0 $0x100000, s0  }
0x20f: {  	[sflag:s0] =	ssyncadd.tile.s32 @!p0 $0x1;
	_ =	shalt  }
.Lfunc_end2:
_tile_overlayer_lowered:
.L_overlay_start_2:
0x210: {  	(tag) =	ssettag $0x2  }
0x211: {  	s0 =	rddreg [dreg:$0x0];
	s2 =	stileid.u32  }
0x212: {  	s1 =	rddreg [dreg:$0x1];
	p0 =	sne.s32 s2, $0x0  }
0x213: {  	s3 =	rddreg [dreg:$0x2];
	[bflag:$0x3] =	sbarrier.arrive $0xFFFF;
	s2 =	simm.s32 @!p0 $0x1C06  }
0x214: {  	[timem:s3], [sflag:s2] =	dma.local @!p0 [hbm:s0], s1  }
0x215: {  	s0 =	simm.s32 @!p0 $0x6  }
0x216: {  	_ =	swait.ge @!p0 [sflag:s0], s1  }
0x217: {  	s1 =	ssub.s32 @!p0 $0x0, s1;
	[sflag:s0] =	ssyncset.done @!p0 $0x0  }
0x218: {  	[sflag:s0] =	ssyncadd.s32 @!p0 s1  }
0x219: {  	[bflag:$0x3] =	sbarrier.arrive $0xFFFF  }
0x21a: {  	_ =	shalt  }

</sc_bundles>
